<compile_context>
chip_gen: v7x
topology: tpu7x:2x2x1
jax: 0.10.2.dev20260603
libtpu: 0.0.44.dev20260713+nightly
codegen_flags: <defaults>
</compile_context>

<pallas_src>
import functools

import jax
import jax.numpy as jnp
from jax import lax
from jax.experimental import pallas as pl
from jax.experimental.pallas import tpu as pltpu
from jax.experimental.pallas import tpu_sc as plsc

_V = 128
_D = 49152
_N = 1024
_DW = _D // 2
_NH = _N // 2

_CW = 4096
_NC = _DW // _CW
_NW = 32
_BPW = _NH // _NW
_SLABS = _BPW // 8


def _pack_body(x_ref, o_ref):
    r, w = o_ref.shape
    xb = x_ref[...].astype(jnp.bfloat16)
    o_ref[...] = pltpu.bitcast(xb.reshape(2 * r, w), jnp.int32)


def _pack_table(table):
    v, d = table.shape
    bc = 2 * _BC
    return pl.pallas_call(
        _pack_body,
        grid=(d // bc,),
        in_specs=[pl.BlockSpec((v, bc), lambda j: (0, j))],
        out_specs=pl.BlockSpec((v, bc // 2), lambda j: (0, j)),
        out_shape=jax.ShapeDtypeStruct((v, d // 2), jnp.int32),
    )(table)


def _sc_gather_half(table_w, idx_half):
    mesh = plsc.VectorSubcoreMesh(core_axis_name="c", subcore_axis_name="s")

    @functools.partial(
        pl.kernel,
        mesh=mesh,
        out_type=jax.ShapeDtypeStruct((_NH, _DW), jnp.int32),
        scratch_types=[
            pltpu.VMEM((_BPW,), jnp.int32),
            pltpu.VMEM((8, _CW), jnp.int32),
            pltpu.VMEM((8, _CW), jnp.int32),
            pltpu.SemaphoreType.DMA,
            pltpu.SemaphoreType.DMA,
            pltpu.SemaphoreType.DMA,
        ],
        compiler_params=pltpu.CompilerParams(needs_layout_passes=False),
    )
    def body(tab_hbm, idx_hbm, out_hbm, idx_v, buf0, buf1, gsem, ws0, ws1):
        nc = lax.axis_index("c")
        ns = lax.axis_index("s")
        wid = ns * 2 + nc
        base = wid * _BPW

        pltpu.sync_copy(idx_hbm.at[pl.ds(base, _BPW)], idx_v)

        bufs = (buf0, buf1)
        wsems = (ws0, ws1)
        pending = [None, None]
        step = 0
        for s8 in range(_SLABS):
            r0 = base + s8 * 8
            for c in range(_NC):
                b = step % 2
                if pending[b] is not None:
                    pending[b].wait()
                pltpu.async_copy(
                    tab_hbm.at[idx_v.at[pl.ds(s8 * 8, 8)], pl.ds(c * _CW, _CW)],
                    bufs[b],
                    gsem,
                ).wait()
                pending[b] = pltpu.async_copy(
                    bufs[b],
                    out_hbm.at[pl.ds(r0, 8), pl.ds(c * _CW, _CW)],
                    wsems[b],
                )
                step += 1
        for b in range(2):
            if pending[b] is not None:
                pending[b].wait()

    return body(table_w, idx_half)


_BR, _BC = 256, 4096


def _unpack_body(w_ref, o_ref):
    r, w = w_ref.shape
    words = w_ref[...]
    lo = pltpu.bitcast(words << 16, jnp.float32)
    hi = pltpu.bitcast(words & jnp.int32(-65536), jnp.float32)
    o_ref[:, :w] = lo.astype(jnp.bfloat16)
    o_ref[:, w:] = hi.astype(jnp.bfloat16)


def _unpack_first(rows_w):
    return pl.pallas_call(
        _unpack_body,
        grid=(_NH // _BR, _DW // _BC),
        in_specs=[pl.BlockSpec((_BR, _BC), lambda i, j: (i, j))],
        out_specs=pl.BlockSpec((_BR, 2 * _BC), lambda i, j: (i, j)),
        out_shape=jax.ShapeDtypeStruct((_N, _D), jnp.bfloat16),
    )(rows_w)


def _unpack_second_body(w_ref, carry_ref, o_ref):
    del carry_ref
    _unpack_body(w_ref, o_ref)


def _unpack_second(rows_w, carried):
    half_blocks = _NH // _BR
    return pl.pallas_call(
        _unpack_second_body,
        grid=(_NH // _BR, _DW // _BC),
        in_specs=[
            pl.BlockSpec((_BR, _BC), lambda i, j: (i, j)),
            pl.BlockSpec(memory_space=pltpu.MemorySpace.HBM),
        ],
        out_specs=pl.BlockSpec(
            (_BR, 2 * _BC), lambda i, j: (i + half_blocks, j)),
        out_shape=jax.ShapeDtypeStruct((_N, _D), jnp.bfloat16),
        input_output_aliases={1: 0},
    )(rows_w, carried)


def kernel(prefix, table):
    b, p = prefix.shape
    idx = prefix.reshape(b * p).astype(jnp.int32)
    table_w = _pack_table(table)
    w0 = _sc_gather_half(table_w, idx[:_NH])
    w1 = _sc_gather_half(table_w, idx[_NH:])
    o0 = _unpack_first(w0)
    out = _unpack_second(w1, o0)
    return out.reshape(b, p, _D)

# --- scband reference (transcript-rebuilt; emitter-appended) ---
"""Pipeline reference for scband-prefix-encoder-79370995630769 (READ-ONLY COPY).

The authoritative reference and input builder live on the scoring server;
editing this copy changes nothing except your own understanding.
"""

import jax, jax.numpy as jnp
import numpy as np

NUM_HIDDEN_LAYERS = 24
HIDDEN_SIZE = 1024
PRE_SEQ_LEN = 128
BATCH = 8
EMBED_DIM = NUM_HIDDEN_LAYERS * 2 * HIDDEN_SIZE  # 49152


def setup_inputs(seed: int = 0) -> dict:
    key = jax.random.key(seed)
    k1, k2 = jax.random.split(key)
    prefix = jax.random.randint(k1, (BATCH, PRE_SEQ_LEN), 0, PRE_SEQ_LEN, dtype=jnp.int64 if jax.config.jax_enable_x64 else jnp.int32)
    # learned embedding table: [pre_seq_len, num_hidden_layers * 2 * hidden_size]
    table = jax.random.normal(k2, (PRE_SEQ_LEN, EMBED_DIM), dtype=jnp.float32) * 0.02
    return {"prefix": prefix, "table": table}


def reference(prefix, table):
    # prefix_projection=False path: pure embedding lookup, then cast to bfloat16
    past_key_values = jnp.take(table, prefix, axis=0)  # [B, pre_seq_len, 2*L*H]
    return past_key_values.astype(jnp.bfloat16)

if __name__ == "__main__":
    import jax
    _d = setup_inputs()
    print(jax.jit(kernel)(*tuple(_d.values())))

</pallas_src>

<mosaic_0001>
#map = affine_map<(d0, d1) -> (0, 0)>
#map1 = affine_map<(d0, d1) -> (0)>
module attributes {stable_mosaic.version = 14 : i64} {
  func.func @body(%arg0: i32, %arg1: i32, %arg2: memref<128x24576xi32, #tpu.memory_space<hbm>>, %arg3: memref<512xi32, #tpu.memory_space<hbm>>, %arg4: memref<512x24576xi32, #tpu.memory_space<hbm>>, %arg5: memref<16xi32, #tpu.memory_space<vmem>>, %arg6: memref<8x4096xi32, #tpu.memory_space<vmem>>, %arg7: memref<8x4096xi32, #tpu.memory_space<vmem>>, %arg8: memref<!tpu.dma_semaphore, #tpu.memory_space<semaphore_mem>>, %arg9: memref<!tpu.dma_semaphore, #tpu.memory_space<semaphore_mem>>, %arg10: memref<!tpu.dma_semaphore, #tpu.memory_space<semaphore_mem>>) attributes {dimension_semantics = [#tpu.dimension_semantics<core_parallel>, #tpu.dimension_semantics<subcore_parallel>], iteration_bounds = array<i64: 2, 16>, scalar_prefetch = 0 : i64, scratch_operands = 6 : i64, tpu.core_type = #tpu.core_type<sc_vector_subcore>, window_params = [{transform_indices = #map}, {transform_indices = #map1}, {transform_indices = #map}]} {
    %mul3A = arith.constant 2 : i32
    %mul3A_0 = arith.muli %arg1, %mul3A : i32
    %add3A = arith.addi %mul3A_0, %arg0 : i32
    %mul3A_1 = arith.constant 16 : i32
    %mul3A_2 = arith.muli %add3A, %mul3A_1 : i32
    "tpu.region"() ({
      %run_scoped3A = tpu.sem_alloc : memref<!tpu.dma_semaphore, #tpu.memory_space<semaphore_mem>>
      %dma_start3A_221 = tpu.memref_slice %arg3[%mul3A_2] : memref<512xi32, #tpu.memory_space<hbm>> -> memref<16xi32, #tpu.memory_space<hbm>>
      %dma_start3A_222 = tpu.memref_slice %arg3[%mul3A_2] : memref<512xi32, #tpu.memory_space<hbm>> -> memref<16xi32, #tpu.memory_space<hbm>>
      tpu.enqueue_dma source(%dma_start3A_222 : memref<16xi32, #tpu.memory_space<hbm>>) target(%arg5 : memref<16xi32, #tpu.memory_space<vmem>>) target_semaphore(%run_scoped3A : memref<!tpu.dma_semaphore, #tpu.memory_space<semaphore_mem>>)
      %dma_wait3A_223 = tpu.memref_slice %arg3[%mul3A_2] : memref<512xi32, #tpu.memory_space<hbm>> -> memref<16xi32, #tpu.memory_space<hbm>>
      %dma_wait3A_224 = tpu.memref_slice %arg3[%mul3A_2] : memref<512xi32, #tpu.memory_space<hbm>> -> memref<16xi32, #tpu.memory_space<hbm>>
      tpu.wait_dma2 semaphore(%run_scoped3A : memref<!tpu.dma_semaphore, #tpu.memory_space<semaphore_mem>>) src(%dma_wait3A_224 : memref<16xi32, #tpu.memory_space<hbm>>) dst(%arg5 : memref<16xi32, #tpu.memory_space<vmem>>)
      tpu.yield
    }) : () -> ()
    %add3A_3 = arith.constant 0 : i32
    %add3A_4 = arith.addi %mul3A_2, %add3A_3 : i32
    %dma_start3A = arith.constant 0 : i32
    %dma_start3A_5 = tpu.memref_slice %arg5[%dma_start3A] : memref<16xi32, #tpu.memory_space<vmem>> -> memref<8xi32, #tpu.memory_space<vmem>>
    %dma_start3A_6 = arith.constant 0 : i32
    %dma_start3A_7 = arith.constant 0 : i32
    %dma_start3A_8 = tpu.memref_slice %arg2[%dma_start3A_6, %dma_start3A_7] : memref<128x24576xi32, #tpu.memory_space<hbm>> -> memref<128x4096xi32, #tpu.memory_space<hbm>>
    tpu.enqueue_indirect_dma source(%dma_start3A_8 : memref<128x4096xi32, #tpu.memory_space<hbm>>) target(%arg6 : memref<8x4096xi32, #tpu.memory_space<vmem>>) offsets(%dma_start3A_5 : memref<8xi32, #tpu.memory_space<vmem>>) semaphore(%arg8 : memref<!tpu.dma_semaphore, #tpu.memory_space<semaphore_mem>>)
    %dma_wait3A = arith.constant 0 : i32
    %dma_wait3A_9 = tpu.memref_slice %arg5[%dma_wait3A] : memref<16xi32, #tpu.memory_space<vmem>> -> memref<8xi32, #tpu.memory_space<vmem>>
    %dma_wait3A_10 = arith.constant 0 : i32
    %dma_wait3A_11 = arith.constant 0 : i32
    %dma_wait3A_12 = tpu.memref_slice %arg2[%dma_wait3A_10, %dma_wait3A_11] : memref<128x24576xi32, #tpu.memory_space<hbm>> -> memref<128x4096xi32, #tpu.memory_space<hbm>>
    tpu.wait_indirect_dma semaphore(%arg8 : memref<!tpu.dma_semaphore, #tpu.memory_space<semaphore_mem>>) src(%dma_wait3A_12 : memref<128x4096xi32, #tpu.memory_space<hbm>>) dst(%arg6 : memref<8x4096xi32, #tpu.memory_space<vmem>>)
    %dma_start3A_13 = arith.constant 0 : i32
    %dma_start3A_14 = tpu.memref_slice %arg4[%add3A_4, %dma_start3A_13] : memref<512x24576xi32, #tpu.memory_space<hbm>> -> memref<8x4096xi32, #tpu.memory_space<hbm>>
    %dma_start3A_15 = arith.constant 0 : i32
    %dma_start3A_16 = tpu.memref_slice %arg4[%add3A_4, %dma_start3A_15] : memref<512x24576xi32, #tpu.memory_space<hbm>> -> memref<8x4096xi32, #tpu.memory_space<hbm>>
    tpu.enqueue_dma source(%arg6 : memref<8x4096xi32, #tpu.memory_space<vmem>>) target(%dma_start3A_16 : memref<8x4096xi32, #tpu.memory_space<hbm>>) target_semaphore(%arg9 : memref<!tpu.dma_semaphore, #tpu.memory_space<semaphore_mem>>)
    %dma_start3A_17 = arith.constant 0 : i32
    %dma_start3A_18 = tpu.memref_slice %arg5[%dma_start3A_17] : memref<16xi32, #tpu.memory_space<vmem>> -> memref<8xi32, #tpu.memory_space<vmem>>
    %dma_start3A_19 = arith.constant 0 : i32
    %dma_start3A_20 = arith.constant 4096 : i32
    %dma_start3A_21 = tpu.memref_slice %arg2[%dma_start3A_19, %dma_start3A_20] : memref<128x24576xi32, #tpu.memory_space<hbm>> -> memref<128x4096xi32, #tpu.memory_space<hbm>>
    tpu.enqueue_indirect_dma source(%dma_start3A_21 : memref<128x4096xi32, #tpu.memory_space<hbm>>) target(%arg7 : memref<8x4096xi32, #tpu.memory_space<vmem>>) offsets(%dma_start3A_18 : memref<8xi32, #tpu.memory_space<vmem>>) semaphore(%arg8 : memref<!tpu.dma_semaphore, #tpu.memory_space<semaphore_mem>>)
    %dma_wait3A_22 = arith.constant 0 : i32
    %dma_wait3A_23 = tpu.memref_slice %arg5[%dma_wait3A_22] : memref<16xi32, #tpu.memory_space<vmem>> -> memref<8xi32, #tpu.memory_space<vmem>>
    %dma_wait3A_24 = arith.constant 0 : i32
    %dma_wait3A_25 = arith.constant 4096 : i32
    %dma_wait3A_26 = tpu.memref_slice %arg2[%dma_wait3A_24, %dma_wait3A_25] : memref<128x24576xi32, #tpu.memory_space<hbm>> -> memref<128x4096xi32, #tpu.memory_space<hbm>>
    tpu.wait_indirect_dma semaphore(%arg8 : memref<!tpu.dma_semaphore, #tpu.memory_space<semaphore_mem>>) src(%dma_wait3A_26 : memref<128x4096xi32, #tpu.memory_space<hbm>>) dst(%arg7 : memref<8x4096xi32, #tpu.memory_space<vmem>>)
    %dma_start3A_27 = arith.constant 4096 : i32
    %dma_start3A_28 = tpu.memref_slice %arg4[%add3A_4, %dma_start3A_27] : memref<512x24576xi32, #tpu.memory_space<hbm>> -> memref<8x4096xi32, #tpu.memory_space<hbm>>
    %dma_start3A_29 = arith.constant 4096 : i32
    %dma_start3A_30 = tpu.memref_slice %arg4[%add3A_4, %dma_start3A_29] : memref<512x24576xi32, #tpu.memory_space<hbm>> -> memref<8x4096xi32, #tpu.memory_space<hbm>>
    tpu.enqueue_dma source(%arg7 : memref<8x4096xi32, #tpu.memory_space<vmem>>) target(%dma_start3A_30 : memref<8x4096xi32, #tpu.memory_space<hbm>>) target_semaphore(%arg10 : memref<!tpu.dma_semaphore, #tpu.memory_space<semaphore_mem>>)
    %dma_wait3A_31 = arith.constant 0 : i32
    %dma_wait3A_32 = tpu.memref_slice %arg4[%add3A_4, %dma_wait3A_31] : memref<512x24576xi32, #tpu.memory_space<hbm>> -> memref<8x4096xi32, #tpu.memory_space<hbm>>
    %dma_wait3A_33 = arith.constant 0 : i32
    %dma_wait3A_34 = tpu.memref_slice %arg4[%add3A_4, %dma_wait3A_33] : memref<512x24576xi32, #tpu.memory_space<hbm>> -> memref<8x4096xi32, #tpu.memory_space<hbm>>
    tpu.wait_dma2 semaphore(%arg9 : memref<!tpu.dma_semaphore, #tpu.memory_space<semaphore_mem>>) src(%arg6 : memref<8x4096xi32, #tpu.memory_space<vmem>>) dst(%dma_wait3A_34 : memref<8x4096xi32, #tpu.memory_space<hbm>>)
    %dma_start3A_35 = arith.constant 0 : i32
    %dma_start3A_36 = tpu.memref_slice %arg5[%dma_start3A_35] : memref<16xi32, #tpu.memory_space<vmem>> -> memref<8xi32, #tpu.memory_space<vmem>>
    %dma_start3A_37 = arith.constant 0 : i32
    %dma_start3A_38 = arith.constant 8192 : i32
    %dma_start3A_39 = tpu.memref_slice %arg2[%dma_start3A_37, %dma_start3A_38] : memref<128x24576xi32, #tpu.memory_space<hbm>> -> memref<128x4096xi32, #tpu.memory_space<hbm>>
    tpu.enqueue_indirect_dma source(%dma_start3A_39 : memref<128x4096xi32, #tpu.memory_space<hbm>>) target(%arg6 : memref<8x4096xi32, #tpu.memory_space<vmem>>) offsets(%dma_start3A_36 : memref<8xi32, #tpu.memory_space<vmem>>) semaphore(%arg8 : memref<!tpu.dma_semaphore, #tpu.memory_space<semaphore_mem>>)
    %dma_wait3A_40 = arith.constant 0 : i32
    %dma_wait3A_41 = tpu.memref_slice %arg5[%dma_wait3A_40] : memref<16xi32, #tpu.memory_space<vmem>> -> memref<8xi32, #tpu.memory_space<vmem>>
    %dma_wait3A_42 = arith.constant 0 : i32
    %dma_wait3A_43 = arith.constant 8192 : i32
    %dma_wait3A_44 = tpu.memref_slice %arg2[%dma_wait3A_42, %dma_wait3A_43] : memref<128x24576xi32, #tpu.memory_space<hbm>> -> memref<128x4096xi32, #tpu.memory_space<hbm>>
    tpu.wait_indirect_dma semaphore(%arg8 : memref<!tpu.dma_semaphore, #tpu.memory_space<semaphore_mem>>) src(%dma_wait3A_44 : memref<128x4096xi32, #tpu.memory_space<hbm>>) dst(%arg6 : memref<8x4096xi32, #tpu.memory_space<vmem>>)
    %dma_start3A_45 = arith.constant 8192 : i32
    %dma_start3A_46 = tpu.memref_slice %arg4[%add3A_4, %dma_start3A_45] : memref<512x24576xi32, #tpu.memory_space<hbm>> -> memref<8x4096xi32, #tpu.memory_space<hbm>>
    %dma_start3A_47 = arith.constant 8192 : i32
    %dma_start3A_48 = tpu.memref_slice %arg4[%add3A_4, %dma_start3A_47] : memref<512x24576xi32, #tpu.memory_space<hbm>> -> memref<8x4096xi32, #tpu.memory_space<hbm>>
    tpu.enqueue_dma source(%arg6 : memref<8x4096xi32, #tpu.memory_space<vmem>>) target(%dma_start3A_48 : memref<8x4096xi32, #tpu.memory_space<hbm>>) target_semaphore(%arg9 : memref<!tpu.dma_semaphore, #tpu.memory_space<semaphore_mem>>)
    %dma_wait3A_49 = arith.constant 4096 : i32
    %dma_wait3A_50 = tpu.memref_slice %arg4[%add3A_4, %dma_wait3A_49] : memref<512x24576xi32, #tpu.memory_space<hbm>> -> memref<8x4096xi32, #tpu.memory_space<hbm>>
    %dma_wait3A_51 = arith.constant 4096 : i32
    %dma_wait3A_52 = tpu.memref_slice %arg4[%add3A_4, %dma_wait3A_51] : memref<512x24576xi32, #tpu.memory_space<hbm>> -> memref<8x4096xi32, #tpu.memory_space<hbm>>
    tpu.wait_dma2 semaphore(%arg10 : memref<!tpu.dma_semaphore, #tpu.memory_space<semaphore_mem>>) src(%arg7 : memref<8x4096xi32, #tpu.memory_space<vmem>>) dst(%dma_wait3A_52 : memref<8x4096xi32, #tpu.memory_space<hbm>>)
    %dma_start3A_53 = arith.constant 0 : i32
    %dma_start3A_54 = tpu.memref_slice %arg5[%dma_start3A_53] : memref<16xi32, #tpu.memory_space<vmem>> -> memref<8xi32, #tpu.memory_space<vmem>>
    %dma_start3A_55 = arith.constant 0 : i32
    %dma_start3A_56 = arith.constant 12288 : i32
    %dma_start3A_57 = tpu.memref_slice %arg2[%dma_start3A_55, %dma_start3A_56] : memref<128x24576xi32, #tpu.memory_space<hbm>> -> memref<128x4096xi32, #tpu.memory_space<hbm>>
    tpu.enqueue_indirect_dma source(%dma_start3A_57 : memref<128x4096xi32, #tpu.memory_space<hbm>>) target(%arg7 : memref<8x4096xi32, #tpu.memory_space<vmem>>) offsets(%dma_start3A_54 : memref<8xi32, #tpu.memory_space<vmem>>) semaphore(%arg8 : memref<!tpu.dma_semaphore, #tpu.memory_space<semaphore_mem>>)
    %dma_wait3A_58 = arith.constant 0 : i32
    %dma_wait3A_59 = tpu.memref_slice %arg5[%dma_wait3A_58] : memref<16xi32, #tpu.memory_space<vmem>> -> memref<8xi32, #tpu.memory_space<vmem>>
    %dma_wait3A_60 = arith.constant 0 : i32
    %dma_wait3A_61 = arith.constant 12288 : i32
    %dma_wait3A_62 = tpu.memref_slice %arg2[%dma_wait3A_60, %dma_wait3A_61] : memref<128x24576xi32, #tpu.memory_space<hbm>> -> memref<128x4096xi32, #tpu.memory_space<hbm>>
    tpu.wait_indirect_dma semaphore(%arg8 : memref<!tpu.dma_semaphore, #tpu.memory_space<semaphore_mem>>) src(%dma_wait3A_62 : memref<128x4096xi32, #tpu.memory_space<hbm>>) dst(%arg7 : memref<8x4096xi32, #tpu.memory_space<vmem>>)
    %dma_start3A_63 = arith.constant 12288 : i32
    %dma_start3A_64 = tpu.memref_slice %arg4[%add3A_4, %dma_start3A_63] : memref<512x24576xi32, #tpu.memory_space<hbm>> -> memref<8x4096xi32, #tpu.memory_space<hbm>>
    %dma_start3A_65 = arith.constant 12288 : i32
    %dma_start3A_66 = tpu.memref_slice %arg4[%add3A_4, %dma_start3A_65] : memref<512x24576xi32, #tpu.memory_space<hbm>> -> memref<8x4096xi32, #tpu.memory_space<hbm>>
    tpu.enqueue_dma source(%arg7 : memref<8x4096xi32, #tpu.memory_space<vmem>>) target(%dma_start3A_66 : memref<8x4096xi32, #tpu.memory_space<hbm>>) target_semaphore(%arg10 : memref<!tpu.dma_semaphore, #tpu.memory_space<semaphore_mem>>)
    %dma_wait3A_67 = arith.constant 8192 : i32
    %dma_wait3A_68 = tpu.memref_slice %arg4[%add3A_4, %dma_wait3A_67] : memref<512x24576xi32, #tpu.memory_space<hbm>> -> memref<8x4096xi32, #tpu.memory_space<hbm>>
    %dma_wait3A_69 = arith.constant 8192 : i32
    %dma_wait3A_70 = tpu.memref_slice %arg4[%add3A_4, %dma_wait3A_69] : memref<512x24576xi32, #tpu.memory_space<hbm>> -> memref<8x4096xi32, #tpu.memory_space<hbm>>
    tpu.wait_dma2 semaphore(%arg9 : memref<!tpu.dma_semaphore, #tpu.memory_space<semaphore_mem>>) src(%arg6 : memref<8x4096xi32, #tpu.memory_space<vmem>>) dst(%dma_wait3A_70 : memref<8x4096xi32, #tpu.memory_space<hbm>>)
    %dma_start3A_71 = arith.constant 0 : i32
    %dma_start3A_72 = tpu.memref_slice %arg5[%dma_start3A_71] : memref<16xi32, #tpu.memory_space<vmem>> -> memref<8xi32, #tpu.memory_space<vmem>>
    %dma_start3A_73 = arith.constant 0 : i32
    %dma_start3A_74 = arith.constant 16384 : i32
    %dma_start3A_75 = tpu.memref_slice %arg2[%dma_start3A_73, %dma_start3A_74] : memref<128x24576xi32, #tpu.memory_space<hbm>> -> memref<128x4096xi32, #tpu.memory_space<hbm>>
    tpu.enqueue_indirect_dma source(%dma_start3A_75 : memref<128x4096xi32, #tpu.memory_space<hbm>>) target(%arg6 : memref<8x4096xi32, #tpu.memory_space<vmem>>) offsets(%dma_start3A_72 : memref<8xi32, #tpu.memory_space<vmem>>) semaphore(%arg8 : memref<!tpu.dma_semaphore, #tpu.memory_space<semaphore_mem>>)
    %dma_wait3A_76 = arith.constant 0 : i32
    %dma_wait3A_77 = tpu.memref_slice %arg5[%dma_wait3A_76] : memref<16xi32, #tpu.memory_space<vmem>> -> memref<8xi32, #tpu.memory_space<vmem>>
    %dma_wait3A_78 = arith.constant 0 : i32
    %dma_wait3A_79 = arith.constant 16384 : i32
    %dma_wait3A_80 = tpu.memref_slice %arg2[%dma_wait3A_78, %dma_wait3A_79] : memref<128x24576xi32, #tpu.memory_space<hbm>> -> memref<128x4096xi32, #tpu.memory_space<hbm>>
    tpu.wait_indirect_dma semaphore(%arg8 : memref<!tpu.dma_semaphore, #tpu.memory_space<semaphore_mem>>) src(%dma_wait3A_80 : memref<128x4096xi32, #tpu.memory_space<hbm>>) dst(%arg6 : memref<8x4096xi32, #tpu.memory_space<vmem>>)
    %dma_start3A_81 = arith.constant 16384 : i32
    %dma_start3A_82 = tpu.memref_slice %arg4[%add3A_4, %dma_start3A_81] : memref<512x24576xi32, #tpu.memory_space<hbm>> -> memref<8x4096xi32, #tpu.memory_space<hbm>>
    %dma_start3A_83 = arith.constant 16384 : i32
    %dma_start3A_84 = tpu.memref_slice %arg4[%add3A_4, %dma_start3A_83] : memref<512x24576xi32, #tpu.memory_space<hbm>> -> memref<8x4096xi32, #tpu.memory_space<hbm>>
    tpu.enqueue_dma source(%arg6 : memref<8x4096xi32, #tpu.memory_space<vmem>>) target(%dma_start3A_84 : memref<8x4096xi32, #tpu.memory_space<hbm>>) target_semaphore(%arg9 : memref<!tpu.dma_semaphore, #tpu.memory_space<semaphore_mem>>)
    %dma_wait3A_85 = arith.constant 12288 : i32
    %dma_wait3A_86 = tpu.memref_slice %arg4[%add3A_4, %dma_wait3A_85] : memref<512x24576xi32, #tpu.memory_space<hbm>> -> memref<8x4096xi32, #tpu.memory_space<hbm>>
    %dma_wait3A_87 = arith.constant 12288 : i32
    %dma_wait3A_88 = tpu.memref_slice %arg4[%add3A_4, %dma_wait3A_87] : memref<512x24576xi32, #tpu.memory_space<hbm>> -> memref<8x4096xi32, #tpu.memory_space<hbm>>
    tpu.wait_dma2 semaphore(%arg10 : memref<!tpu.dma_semaphore, #tpu.memory_space<semaphore_mem>>) src(%arg7 : memref<8x4096xi32, #tpu.memory_space<vmem>>) dst(%dma_wait3A_88 : memref<8x4096xi32, #tpu.memory_space<hbm>>)
    %dma_start3A_89 = arith.constant 0 : i32
    %dma_start3A_90 = tpu.memref_slice %arg5[%dma_start3A_89] : memref<16xi32, #tpu.memory_space<vmem>> -> memref<8xi32, #tpu.memory_space<vmem>>
    %dma_start3A_91 = arith.constant 0 : i32
    %dma_start3A_92 = arith.constant 20480 : i32
    %dma_start3A_93 = tpu.memref_slice %arg2[%dma_start3A_91, %dma_start3A_92] : memref<128x24576xi32, #tpu.memory_space<hbm>> -> memref<128x4096xi32, #tpu.memory_space<hbm>>
    tpu.enqueue_indirect_dma source(%dma_start3A_93 : memref<128x4096xi32, #tpu.memory_space<hbm>>) target(%arg7 : memref<8x4096xi32, #tpu.memory_space<vmem>>) offsets(%dma_start3A_90 : memref<8xi32, #tpu.memory_space<vmem>>) semaphore(%arg8 : memref<!tpu.dma_semaphore, #tpu.memory_space<semaphore_mem>>)
    %dma_wait3A_94 = arith.constant 0 : i32
    %dma_wait3A_95 = tpu.memref_slice %arg5[%dma_wait3A_94] : memref<16xi32, #tpu.memory_space<vmem>> -> memref<8xi32, #tpu.memory_space<vmem>>
    %dma_wait3A_96 = arith.constant 0 : i32
    %dma_wait3A_97 = arith.constant 20480 : i32
    %dma_wait3A_98 = tpu.memref_slice %arg2[%dma_wait3A_96, %dma_wait3A_97] : memref<128x24576xi32, #tpu.memory_space<hbm>> -> memref<128x4096xi32, #tpu.memory_space<hbm>>
    tpu.wait_indirect_dma semaphore(%arg8 : memref<!tpu.dma_semaphore, #tpu.memory_space<semaphore_mem>>) src(%dma_wait3A_98 : memref<128x4096xi32, #tpu.memory_space<hbm>>) dst(%arg7 : memref<8x4096xi32, #tpu.memory_space<vmem>>)
    %dma_start3A_99 = arith.constant 20480 : i32
    %dma_start3A_100 = tpu.memref_slice %arg4[%add3A_4, %dma_start3A_99] : memref<512x24576xi32, #tpu.memory_space<hbm>> -> memref<8x4096xi32, #tpu.memory_space<hbm>>
    %dma_start3A_101 = arith.constant 20480 : i32
    %dma_start3A_102 = tpu.memref_slice %arg4[%add3A_4, %dma_start3A_101] : memref<512x24576xi32, #tpu.memory_space<hbm>> -> memref<8x4096xi32, #tpu.memory_space<hbm>>
    tpu.enqueue_dma source(%arg7 : memref<8x4096xi32, #tpu.memory_space<vmem>>) target(%dma_start3A_102 : memref<8x4096xi32, #tpu.memory_space<hbm>>) target_semaphore(%arg10 : memref<!tpu.dma_semaphore, #tpu.memory_space<semaphore_mem>>)
    %add3A_103 = arith.constant 8 : i32
    %add3A_104 = arith.addi %mul3A_2, %add3A_103 : i32
    %dma_wait3A_105 = arith.constant 16384 : i32
    %dma_wait3A_106 = tpu.memref_slice %arg4[%add3A_4, %dma_wait3A_105] : memref<512x24576xi32, #tpu.memory_space<hbm>> -> memref<8x4096xi32, #tpu.memory_space<hbm>>
    %dma_wait3A_107 = arith.constant 16384 : i32
    %dma_wait3A_108 = tpu.memref_slice %arg4[%add3A_4, %dma_wait3A_107] : memref<512x24576xi32, #tpu.memory_space<hbm>> -> memref<8x4096xi32, #tpu.memory_space<hbm>>
    tpu.wait_dma2 semaphore(%arg9 : memref<!tpu.dma_semaphore, #tpu.memory_space<semaphore_mem>>) src(%arg6 : memref<8x4096xi32, #tpu.memory_space<vmem>>) dst(%dma_wait3A_108 : memref<8x4096xi32, #tpu.memory_space<hbm>>)
    %dma_start3A_109 = arith.constant 8 : i32
    %dma_start3A_110 = tpu.memref_slice %arg5[%dma_start3A_109] : memref<16xi32, #tpu.memory_space<vmem>> -> memref<8xi32, #tpu.memory_space<vmem>>
    %dma_start3A_111 = arith.constant 0 : i32
    %dma_start3A_112 = arith.constant 0 : i32
    %dma_start3A_113 = tpu.memref_slice %arg2[%dma_start3A_111, %dma_start3A_112] : memref<128x24576xi32, #tpu.memory_space<hbm>> -> memref<128x4096xi32, #tpu.memory_space<hbm>>
    tpu.enqueue_indirect_dma source(%dma_start3A_113 : memref<128x4096xi32, #tpu.memory_space<hbm>>) target(%arg6 : memref<8x4096xi32, #tpu.memory_space<vmem>>) offsets(%dma_start3A_110 : memref<8xi32, #tpu.memory_space<vmem>>) semaphore(%arg8 : memref<!tpu.dma_semaphore, #tpu.memory_space<semaphore_mem>>)
    %dma_wait3A_114 = arith.constant 8 : i32
    %dma_wait3A_115 = tpu.memref_slice %arg5[%dma_wait3A_114] : memref<16xi32, #tpu.memory_space<vmem>> -> memref<8xi32, #tpu.memory_space<vmem>>
    %dma_wait3A_116 = arith.constant 0 : i32
    %dma_wait3A_117 = arith.constant 0 : i32
    %dma_wait3A_118 = tpu.memref_slice %arg2[%dma_wait3A_116, %dma_wait3A_117] : memref<128x24576xi32, #tpu.memory_space<hbm>> -> memref<128x4096xi32, #tpu.memory_space<hbm>>
    tpu.wait_indirect_dma semaphore(%arg8 : memref<!tpu.dma_semaphore, #tpu.memory_space<semaphore_mem>>) src(%dma_wait3A_118 : memref<128x4096xi32, #tpu.memory_space<hbm>>) dst(%arg6 : memref<8x4096xi32, #tpu.memory_space<vmem>>)
    %dma_start3A_119 = arith.constant 0 : i32
    %dma_start3A_120 = tpu.memref_slice %arg4[%add3A_104, %dma_start3A_119] : memref<512x24576xi32, #tpu.memory_space<hbm>> -> memref<8x4096xi32, #tpu.memory_space<hbm>>
    %dma_start3A_121 = arith.constant 0 : i32
    %dma_start3A_122 = tpu.memref_slice %arg4[%add3A_104, %dma_start3A_121] : memref<512x24576xi32, #tpu.memory_space<hbm>> -> memref<8x4096xi32, #tpu.memory_space<hbm>>
    tpu.enqueue_dma source(%arg6 : memref<8x4096xi32, #tpu.memory_space<vmem>>) target(%dma_start3A_122 : memref<8x4096xi32, #tpu.memory_space<hbm>>) target_semaphore(%arg9 : memref<!tpu.dma_semaphore, #tpu.memory_space<semaphore_mem>>)
    %dma_wait3A_123 = arith.constant 20480 : i32
    %dma_wait3A_124 = tpu.memref_slice %arg4[%add3A_4, %dma_wait3A_123] : memref<512x24576xi32, #tpu.memory_space<hbm>> -> memref<8x4096xi32, #tpu.memory_space<hbm>>
    %dma_wait3A_125 = arith.constant 20480 : i32
    %dma_wait3A_126 = tpu.memref_slice %arg4[%add3A_4, %dma_wait3A_125] : memref<512x24576xi32, #tpu.memory_space<hbm>> -> memref<8x4096xi32, #tpu.memory_space<hbm>>
    tpu.wait_dma2 semaphore(%arg10 : memref<!tpu.dma_semaphore, #tpu.memory_space<semaphore_mem>>) src(%arg7 : memref<8x4096xi32, #tpu.memory_space<vmem>>) dst(%dma_wait3A_126 : memref<8x4096xi32, #tpu.memory_space<hbm>>)
    %dma_start3A_127 = arith.constant 8 : i32
    %dma_start3A_128 = tpu.memref_slice %arg5[%dma_start3A_127] : memref<16xi32, #tpu.memory_space<vmem>> -> memref<8xi32, #tpu.memory_space<vmem>>
    %dma_start3A_129 = arith.constant 0 : i32
    %dma_start3A_130 = arith.constant 4096 : i32
    %dma_start3A_131 = tpu.memref_slice %arg2[%dma_start3A_129, %dma_start3A_130] : memref<128x24576xi32, #tpu.memory_space<hbm>> -> memref<128x4096xi32, #tpu.memory_space<hbm>>
    tpu.enqueue_indirect_dma source(%dma_start3A_131 : memref<128x4096xi32, #tpu.memory_space<hbm>>) target(%arg7 : memref<8x4096xi32, #tpu.memory_space<vmem>>) offsets(%dma_start3A_128 : memref<8xi32, #tpu.memory_space<vmem>>) semaphore(%arg8 : memref<!tpu.dma_semaphore, #tpu.memory_space<semaphore_mem>>)
    %dma_wait3A_132 = arith.constant 8 : i32
    %dma_wait3A_133 = tpu.memref_slice %arg5[%dma_wait3A_132] : memref<16xi32, #tpu.memory_space<vmem>> -> memref<8xi32, #tpu.memory_space<vmem>>
    %dma_wait3A_134 = arith.constant 0 : i32
    %dma_wait3A_135 = arith.constant 4096 : i32
    %dma_wait3A_136 = tpu.memref_slice %arg2[%dma_wait3A_134, %dma_wait3A_135] : memref<128x24576xi32, #tpu.memory_space<hbm>> -> memref<128x4096xi32, #tpu.memory_space<hbm>>
    tpu.wait_indirect_dma semaphore(%arg8 : memref<!tpu.dma_semaphore, #tpu.memory_space<semaphore_mem>>) src(%dma_wait3A_136 : memref<128x4096xi32, #tpu.memory_space<hbm>>) dst(%arg7 : memref<8x4096xi32, #tpu.memory_space<vmem>>)
    %dma_start3A_137 = arith.constant 4096 : i32
    %dma_start3A_138 = tpu.memref_slice %arg4[%add3A_104, %dma_start3A_137] : memref<512x24576xi32, #tpu.memory_space<hbm>> -> memref<8x4096xi32, #tpu.memory_space<hbm>>
    %dma_start3A_139 = arith.constant 4096 : i32
    %dma_start3A_140 = tpu.memref_slice %arg4[%add3A_104, %dma_start3A_139] : memref<512x24576xi32, #tpu.memory_space<hbm>> -> memref<8x4096xi32, #tpu.memory_space<hbm>>
    tpu.enqueue_dma source(%arg7 : memref<8x4096xi32, #tpu.memory_space<vmem>>) target(%dma_start3A_140 : memref<8x4096xi32, #tpu.memory_space<hbm>>) target_semaphore(%arg10 : memref<!tpu.dma_semaphore, #tpu.memory_space<semaphore_mem>>)
    %dma_wait3A_141 = arith.constant 0 : i32
    %dma_wait3A_142 = tpu.memref_slice %arg4[%add3A_104, %dma_wait3A_141] : memref<512x24576xi32, #tpu.memory_space<hbm>> -> memref<8x4096xi32, #tpu.memory_space<hbm>>
    %dma_wait3A_143 = arith.constant 0 : i32
    %dma_wait3A_144 = tpu.memref_slice %arg4[%add3A_104, %dma_wait3A_143] : memref<512x24576xi32, #tpu.memory_space<hbm>> -> memref<8x4096xi32, #tpu.memory_space<hbm>>
    tpu.wait_dma2 semaphore(%arg9 : memref<!tpu.dma_semaphore, #tpu.memory_space<semaphore_mem>>) src(%arg6 : memref<8x4096xi32, #tpu.memory_space<vmem>>) dst(%dma_wait3A_144 : memref<8x4096xi32, #tpu.memory_space<hbm>>)
    %dma_start3A_145 = arith.constant 8 : i32
    %dma_start3A_146 = tpu.memref_slice %arg5[%dma_start3A_145] : memref<16xi32, #tpu.memory_space<vmem>> -> memref<8xi32, #tpu.memory_space<vmem>>
    %dma_start3A_147 = arith.constant 0 : i32
    %dma_start3A_148 = arith.constant 8192 : i32
    %dma_start3A_149 = tpu.memref_slice %arg2[%dma_start3A_147, %dma_start3A_148] : memref<128x24576xi32, #tpu.memory_space<hbm>> -> memref<128x4096xi32, #tpu.memory_space<hbm>>
    tpu.enqueue_indirect_dma source(%dma_start3A_149 : memref<128x4096xi32, #tpu.memory_space<hbm>>) target(%arg6 : memref<8x4096xi32, #tpu.memory_space<vmem>>) offsets(%dma_start3A_146 : memref<8xi32, #tpu.memory_space<vmem>>) semaphore(%arg8 : memref<!tpu.dma_semaphore, #tpu.memory_space<semaphore_mem>>)
    %dma_wait3A_150 = arith.constant 8 : i32
    %dma_wait3A_151 = tpu.memref_slice %arg5[%dma_wait3A_150] : memref<16xi32, #tpu.memory_space<vmem>> -> memref<8xi32, #tpu.memory_space<vmem>>
    %dma_wait3A_152 = arith.constant 0 : i32
    %dma_wait3A_153 = arith.constant 8192 : i32
    %dma_wait3A_154 = tpu.memref_slice %arg2[%dma_wait3A_152, %dma_wait3A_153] : memref<128x24576xi32, #tpu.memory_space<hbm>> -> memref<128x4096xi32, #tpu.memory_space<hbm>>
    tpu.wait_indirect_dma semaphore(%arg8 : memref<!tpu.dma_semaphore, #tpu.memory_space<semaphore_mem>>) src(%dma_wait3A_154 : memref<128x4096xi32, #tpu.memory_space<hbm>>) dst(%arg6 : memref<8x4096xi32, #tpu.memory_space<vmem>>)
    %dma_start3A_155 = arith.constant 8192 : i32
    %dma_start3A_156 = tpu.memref_slice %arg4[%add3A_104, %dma_start3A_155] : memref<512x24576xi32, #tpu.memory_space<hbm>> -> memref<8x4096xi32, #tpu.memory_space<hbm>>
    %dma_start3A_157 = arith.constant 8192 : i32
    %dma_start3A_158 = tpu.memref_slice %arg4[%add3A_104, %dma_start3A_157] : memref<512x24576xi32, #tpu.memory_space<hbm>> -> memref<8x4096xi32, #tpu.memory_space<hbm>>
    tpu.enqueue_dma source(%arg6 : memref<8x4096xi32, #tpu.memory_space<vmem>>) target(%dma_start3A_158 : memref<8x4096xi32, #tpu.memory_space<hbm>>) target_semaphore(%arg9 : memref<!tpu.dma_semaphore, #tpu.memory_space<semaphore_mem>>)
    %dma_wait3A_159 = arith.constant 4096 : i32
    %dma_wait3A_160 = tpu.memref_slice %arg4[%add3A_104, %dma_wait3A_159] : memref<512x24576xi32, #tpu.memory_space<hbm>> -> memref<8x4096xi32, #tpu.memory_space<hbm>>
    %dma_wait3A_161 = arith.constant 4096 : i32
    %dma_wait3A_162 = tpu.memref_slice %arg4[%add3A_104, %dma_wait3A_161] : memref<512x24576xi32, #tpu.memory_space<hbm>> -> memref<8x4096xi32, #tpu.memory_space<hbm>>
    tpu.wait_dma2 semaphore(%arg10 : memref<!tpu.dma_semaphore, #tpu.memory_space<semaphore_mem>>) src(%arg7 : memref<8x4096xi32, #tpu.memory_space<vmem>>) dst(%dma_wait3A_162 : memref<8x4096xi32, #tpu.memory_space<hbm>>)
    %dma_start3A_163 = arith.constant 8 : i32
    %dma_start3A_164 = tpu.memref_slice %arg5[%dma_start3A_163] : memref<16xi32, #tpu.memory_space<vmem>> -> memref<8xi32, #tpu.memory_space<vmem>>
    %dma_start3A_165 = arith.constant 0 : i32
    %dma_start3A_166 = arith.constant 12288 : i32
    %dma_start3A_167 = tpu.memref_slice %arg2[%dma_start3A_165, %dma_start3A_166] : memref<128x24576xi32, #tpu.memory_space<hbm>> -> memref<128x4096xi32, #tpu.memory_space<hbm>>
    tpu.enqueue_indirect_dma source(%dma_start3A_167 : memref<128x4096xi32, #tpu.memory_space<hbm>>) target(%arg7 : memref<8x4096xi32, #tpu.memory_space<vmem>>) offsets(%dma_start3A_164 : memref<8xi32, #tpu.memory_space<vmem>>) semaphore(%arg8 : memref<!tpu.dma_semaphore, #tpu.memory_space<semaphore_mem>>)
    %dma_wait3A_168 = arith.constant 8 : i32
    %dma_wait3A_169 = tpu.memref_slice %arg5[%dma_wait3A_168] : memref<16xi32, #tpu.memory_space<vmem>> -> memref<8xi32, #tpu.memory_space<vmem>>
    %dma_wait3A_170 = arith.constant 0 : i32
    %dma_wait3A_171 = arith.constant 12288 : i32
    %dma_wait3A_172 = tpu.memref_slice %arg2[%dma_wait3A_170, %dma_wait3A_171] : memref<128x24576xi32, #tpu.memory_space<hbm>> -> memref<128x4096xi32, #tpu.memory_space<hbm>>
    tpu.wait_indirect_dma semaphore(%arg8 : memref<!tpu.dma_semaphore, #tpu.memory_space<semaphore_mem>>) src(%dma_wait3A_172 : memref<128x4096xi32, #tpu.memory_space<hbm>>) dst(%arg7 : memref<8x4096xi32, #tpu.memory_space<vmem>>)
    %dma_start3A_173 = arith.constant 12288 : i32
    %dma_start3A_174 = tpu.memref_slice %arg4[%add3A_104, %dma_start3A_173] : memref<512x24576xi32, #tpu.memory_space<hbm>> -> memref<8x4096xi32, #tpu.memory_space<hbm>>
    %dma_start3A_175 = arith.constant 12288 : i32
    %dma_start3A_176 = tpu.memref_slice %arg4[%add3A_104, %dma_start3A_175] : memref<512x24576xi32, #tpu.memory_space<hbm>> -> memref<8x4096xi32, #tpu.memory_space<hbm>>
    tpu.enqueue_dma source(%arg7 : memref<8x4096xi32, #tpu.memory_space<vmem>>) target(%dma_start3A_176 : memref<8x4096xi32, #tpu.memory_space<hbm>>) target_semaphore(%arg10 : memref<!tpu.dma_semaphore, #tpu.memory_space<semaphore_mem>>)
    %dma_wait3A_177 = arith.constant 8192 : i32
    %dma_wait3A_178 = tpu.memref_slice %arg4[%add3A_104, %dma_wait3A_177] : memref<512x24576xi32, #tpu.memory_space<hbm>> -> memref<8x4096xi32, #tpu.memory_space<hbm>>
    %dma_wait3A_179 = arith.constant 8192 : i32
    %dma_wait3A_180 = tpu.memref_slice %arg4[%add3A_104, %dma_wait3A_179] : memref<512x24576xi32, #tpu.memory_space<hbm>> -> memref<8x4096xi32, #tpu.memory_space<hbm>>
    tpu.wait_dma2 semaphore(%arg9 : memref<!tpu.dma_semaphore, #tpu.memory_space<semaphore_mem>>) src(%arg6 : memref<8x4096xi32, #tpu.memory_space<vmem>>) dst(%dma_wait3A_180 : memref<8x4096xi32, #tpu.memory_space<hbm>>)
    %dma_start3A_181 = arith.constant 8 : i32
    %dma_start3A_182 = tpu.memref_slice %arg5[%dma_start3A_181] : memref<16xi32, #tpu.memory_space<vmem>> -> memref<8xi32, #tpu.memory_space<vmem>>
    %dma_start3A_183 = arith.constant 0 : i32
    %dma_start3A_184 = arith.constant 16384 : i32
    %dma_start3A_185 = tpu.memref_slice %arg2[%dma_start3A_183, %dma_start3A_184] : memref<128x24576xi32, #tpu.memory_space<hbm>> -> memref<128x4096xi32, #tpu.memory_space<hbm>>
    tpu.enqueue_indirect_dma source(%dma_start3A_185 : memref<128x4096xi32, #tpu.memory_space<hbm>>) target(%arg6 : memref<8x4096xi32, #tpu.memory_space<vmem>>) offsets(%dma_start3A_182 : memref<8xi32, #tpu.memory_space<vmem>>) semaphore(%arg8 : memref<!tpu.dma_semaphore, #tpu.memory_space<semaphore_mem>>)
    %dma_wait3A_186 = arith.constant 8 : i32
    %dma_wait3A_187 = tpu.memref_slice %arg5[%dma_wait3A_186] : memref<16xi32, #tpu.memory_space<vmem>> -> memref<8xi32, #tpu.memory_space<vmem>>
    %dma_wait3A_188 = arith.constant 0 : i32
    %dma_wait3A_189 = arith.constant 16384 : i32
    %dma_wait3A_190 = tpu.memref_slice %arg2[%dma_wait3A_188, %dma_wait3A_189] : memref<128x24576xi32, #tpu.memory_space<hbm>> -> memref<128x4096xi32, #tpu.memory_space<hbm>>
    tpu.wait_indirect_dma semaphore(%arg8 : memref<!tpu.dma_semaphore, #tpu.memory_space<semaphore_mem>>) src(%dma_wait3A_190 : memref<128x4096xi32, #tpu.memory_space<hbm>>) dst(%arg6 : memref<8x4096xi32, #tpu.memory_space<vmem>>)
    %dma_start3A_191 = arith.constant 16384 : i32
    %dma_start3A_192 = tpu.memref_slice %arg4[%add3A_104, %dma_start3A_191] : memref<512x24576xi32, #tpu.memory_space<hbm>> -> memref<8x4096xi32, #tpu.memory_space<hbm>>
    %dma_start3A_193 = arith.constant 16384 : i32
    %dma_start3A_194 = tpu.memref_slice %arg4[%add3A_104, %dma_start3A_193] : memref<512x24576xi32, #tpu.memory_space<hbm>> -> memref<8x4096xi32, #tpu.memory_space<hbm>>
    tpu.enqueue_dma source(%arg6 : memref<8x4096xi32, #tpu.memory_space<vmem>>) target(%dma_start3A_194 : memref<8x4096xi32, #tpu.memory_space<hbm>>) target_semaphore(%arg9 : memref<!tpu.dma_semaphore, #tpu.memory_space<semaphore_mem>>)
    %dma_wait3A_195 = arith.constant 12288 : i32
    %dma_wait3A_196 = tpu.memref_slice %arg4[%add3A_104, %dma_wait3A_195] : memref<512x24576xi32, #tpu.memory_space<hbm>> -> memref<8x4096xi32, #tpu.memory_space<hbm>>
    %dma_wait3A_197 = arith.constant 12288 : i32
    %dma_wait3A_198 = tpu.memref_slice %arg4[%add3A_104, %dma_wait3A_197] : memref<512x24576xi32, #tpu.memory_space<hbm>> -> memref<8x4096xi32, #tpu.memory_space<hbm>>
    tpu.wait_dma2 semaphore(%arg10 : memref<!tpu.dma_semaphore, #tpu.memory_space<semaphore_mem>>) src(%arg7 : memref<8x4096xi32, #tpu.memory_space<vmem>>) dst(%dma_wait3A_198 : memref<8x4096xi32, #tpu.memory_space<hbm>>)
    %dma_start3A_199 = arith.constant 8 : i32
    %dma_start3A_200 = tpu.memref_slice %arg5[%dma_start3A_199] : memref<16xi32, #tpu.memory_space<vmem>> -> memref<8xi32, #tpu.memory_space<vmem>>
    %dma_start3A_201 = arith.constant 0 : i32
    %dma_start3A_202 = arith.constant 20480 : i32
    %dma_start3A_203 = tpu.memref_slice %arg2[%dma_start3A_201, %dma_start3A_202] : memref<128x24576xi32, #tpu.memory_space<hbm>> -> memref<128x4096xi32, #tpu.memory_space<hbm>>
    tpu.enqueue_indirect_dma source(%dma_start3A_203 : memref<128x4096xi32, #tpu.memory_space<hbm>>) target(%arg7 : memref<8x4096xi32, #tpu.memory_space<vmem>>) offsets(%dma_start3A_200 : memref<8xi32, #tpu.memory_space<vmem>>) semaphore(%arg8 : memref<!tpu.dma_semaphore, #tpu.memory_space<semaphore_mem>>)
    %dma_wait3A_204 = arith.constant 8 : i32
    %dma_wait3A_205 = tpu.memref_slice %arg5[%dma_wait3A_204] : memref<16xi32, #tpu.memory_space<vmem>> -> memref<8xi32, #tpu.memory_space<vmem>>
    %dma_wait3A_206 = arith.constant 0 : i32
    %dma_wait3A_207 = arith.constant 20480 : i32
    %dma_wait3A_208 = tpu.memref_slice %arg2[%dma_wait3A_206, %dma_wait3A_207] : memref<128x24576xi32, #tpu.memory_space<hbm>> -> memref<128x4096xi32, #tpu.memory_space<hbm>>
    tpu.wait_indirect_dma semaphore(%arg8 : memref<!tpu.dma_semaphore, #tpu.memory_space<semaphore_mem>>) src(%dma_wait3A_208 : memref<128x4096xi32, #tpu.memory_space<hbm>>) dst(%arg7 : memref<8x4096xi32, #tpu.memory_space<vmem>>)
    %dma_start3A_209 = arith.constant 20480 : i32
    %dma_start3A_210 = tpu.memref_slice %arg4[%add3A_104, %dma_start3A_209] : memref<512x24576xi32, #tpu.memory_space<hbm>> -> memref<8x4096xi32, #tpu.memory_space<hbm>>
    %dma_start3A_211 = arith.constant 20480 : i32
    %dma_start3A_212 = tpu.memref_slice %arg4[%add3A_104, %dma_start3A_211] : memref<512x24576xi32, #tpu.memory_space<hbm>> -> memref<8x4096xi32, #tpu.memory_space<hbm>>
    tpu.enqueue_dma source(%arg7 : memref<8x4096xi32, #tpu.memory_space<vmem>>) target(%dma_start3A_212 : memref<8x4096xi32, #tpu.memory_space<hbm>>) target_semaphore(%arg10 : memref<!tpu.dma_semaphore, #tpu.memory_space<semaphore_mem>>)
    %dma_wait3A_213 = arith.constant 16384 : i32
    %dma_wait3A_214 = tpu.memref_slice %arg4[%add3A_104, %dma_wait3A_213] : memref<512x24576xi32, #tpu.memory_space<hbm>> -> memref<8x4096xi32, #tpu.memory_space<hbm>>
    %dma_wait3A_215 = arith.constant 16384 : i32
    %dma_wait3A_216 = tpu.memref_slice %arg4[%add3A_104, %dma_wait3A_215] : memref<512x24576xi32, #tpu.memory_space<hbm>> -> memref<8x4096xi32, #tpu.memory_space<hbm>>
    tpu.wait_dma2 semaphore(%arg9 : memref<!tpu.dma_semaphore, #tpu.memory_space<semaphore_mem>>) src(%arg6 : memref<8x4096xi32, #tpu.memory_space<vmem>>) dst(%dma_wait3A_216 : memref<8x4096xi32, #tpu.memory_space<hbm>>)
    %dma_wait3A_217 = arith.constant 20480 : i32
    %dma_wait3A_218 = tpu.memref_slice %arg4[%add3A_104, %dma_wait3A_217] : memref<512x24576xi32, #tpu.memory_space<hbm>> -> memref<8x4096xi32, #tpu.memory_space<hbm>>
    %dma_wait3A_219 = arith.constant 20480 : i32
    %dma_wait3A_220 = tpu.memref_slice %arg4[%add3A_104, %dma_wait3A_219] : memref<512x24576xi32, #tpu.memory_space<hbm>> -> memref<8x4096xi32, #tpu.memory_space<hbm>>
    tpu.wait_dma2 semaphore(%arg10 : memref<!tpu.dma_semaphore, #tpu.memory_space<semaphore_mem>>) src(%arg7 : memref<8x4096xi32, #tpu.memory_space<vmem>>) dst(%dma_wait3A_220 : memref<8x4096xi32, #tpu.memory_space<hbm>>)
    return
  }
}

#map = affine_map<(d0, d1) -> (0, 0)>
#map1 = affine_map<(d0, d1) -> (0)>
module attributes {stable_mosaic.version = 14 : i64} {
  func.func @body(%arg0: i32, %arg1: i32, %arg2: memref<128x24576xi32, #tpu.memory_space<hbm>>, %arg3: memref<512xi32, #tpu.memory_space<hbm>>, %arg4: memref<512x24576xi32, #tpu.memory_space<hbm>>, %arg5: memref<16xi32, #tpu.memory_space<vmem>>, %arg6: memref<8x4096xi32, #tpu.memory_space<vmem>>, %arg7: memref<8x4096xi32, #tpu.memory_space<vmem>>, %arg8: memref<!tpu.dma_semaphore, #tpu.memory_space<semaphore_mem>>, %arg9: memref<!tpu.dma_semaphore, #tpu.memory_space<semaphore_mem>>, %arg10: memref<!tpu.dma_semaphore, #tpu.memory_space<semaphore_mem>>) attributes {dimension_semantics = [#tpu.dimension_semantics<core_parallel>, #tpu.dimension_semantics<subcore_parallel>], iteration_bounds = array<i64: 2, 16>, scalar_prefetch = 0 : i64, scratch_operands = 6 : i64, tpu.core_type = #tpu.core_type<sc_vector_subcore>, window_params = [{transform_indices = #map}, {transform_indices = #map1}, {transform_indices = #map}]} {
    %mul3A = arith.constant 2 : i32
    %mul3A_0 = arith.muli %arg1, %mul3A : i32
    %add3A = arith.addi %mul3A_0, %arg0 : i32
    %mul3A_1 = arith.constant 16 : i32
    %mul3A_2 = arith.muli %add3A, %mul3A_1 : i32
    "tpu.region"() ({
      %run_scoped3A = tpu.sem_alloc : memref<!tpu.dma_semaphore, #tpu.memory_space<semaphore_mem>>
      %dma_start3A_221 = tpu.memref_slice %arg3[%mul3A_2] : memref<512xi32, #tpu.memory_space<hbm>> -> memref<16xi32, #tpu.memory_space<hbm>>
      %dma_start3A_222 = tpu.memref_slice %arg3[%mul3A_2] : memref<512xi32, #tpu.memory_space<hbm>> -> memref<16xi32, #tpu.memory_space<hbm>>
      tpu.enqueue_dma source(%dma_start3A_222 : memref<16xi32, #tpu.memory_space<hbm>>) target(%arg5 : memref<16xi32, #tpu.memory_space<vmem>>) target_semaphore(%run_scoped3A : memref<!tpu.dma_semaphore, #tpu.memory_space<semaphore_mem>>)
      %dma_wait3A_223 = tpu.memref_slice %arg3[%mul3A_2] : memref<512xi32, #tpu.memory_space<hbm>> -> memref<16xi32, #tpu.memory_space<hbm>>
      %dma_wait3A_224 = tpu.memref_slice %arg3[%mul3A_2] : memref<512xi32, #tpu.memory_space<hbm>> -> memref<16xi32, #tpu.memory_space<hbm>>
      tpu.wait_dma2 semaphore(%run_scoped3A : memref<!tpu.dma_semaphore, #tpu.memory_space<semaphore_mem>>) src(%dma_wait3A_224 : memref<16xi32, #tpu.memory_space<hbm>>) dst(%arg5 : memref<16xi32, #tpu.memory_space<vmem>>)
      tpu.yield
    }) : () -> ()
    %add3A_3 = arith.constant 0 : i32
    %add3A_4 = arith.addi %mul3A_2, %add3A_3 : i32
    %dma_start3A = arith.constant 0 : i32
    %dma_start3A_5 = tpu.memref_slice %arg5[%dma_start3A] : memref<16xi32, #tpu.memory_space<vmem>> -> memref<8xi32, #tpu.memory_space<vmem>>
    %dma_start3A_6 = arith.constant 0 : i32
    %dma_start3A_7 = arith.constant 0 : i32
    %dma_start3A_8 = tpu.memref_slice %arg2[%dma_start3A_6, %dma_start3A_7] : memref<128x24576xi32, #tpu.memory_space<hbm>> -> memref<128x4096xi32, #tpu.memory_space<hbm>>
    tpu.enqueue_indirect_dma source(%dma_start3A_8 : memref<128x4096xi32, #tpu.memory_space<hbm>>) target(%arg6 : memref<8x4096xi32, #tpu.memory_space<vmem>>) offsets(%dma_start3A_5 : memref<8xi32, #tpu.memory_space<vmem>>) semaphore(%arg8 : memref<!tpu.dma_semaphore, #tpu.memory_space<semaphore_mem>>)
    %dma_wait3A = arith.constant 0 : i32
    %dma_wait3A_9 = tpu.memref_slice %arg5[%dma_wait3A] : memref<16xi32, #tpu.memory_space<vmem>> -> memref<8xi32, #tpu.memory_space<vmem>>
    %dma_wait3A_10 = arith.constant 0 : i32
    %dma_wait3A_11 = arith.constant 0 : i32
    %dma_wait3A_12 = tpu.memref_slice %arg2[%dma_wait3A_10, %dma_wait3A_11] : memref<128x24576xi32, #tpu.memory_space<hbm>> -> memref<128x4096xi32, #tpu.memory_space<hbm>>
    tpu.wait_indirect_dma semaphore(%arg8 : memref<!tpu.dma_semaphore, #tpu.memory_space<semaphore_mem>>) src(%dma_wait3A_12 : memref<128x4096xi32, #tpu.memory_space<hbm>>) dst(%arg6 : memref<8x4096xi32, #tpu.memory_space<vmem>>)
    %dma_start3A_13 = arith.constant 0 : i32
    %dma_start3A_14 = tpu.memref_slice %arg4[%add3A_4, %dma_start3A_13] : memref<512x24576xi32, #tpu.memory_space<hbm>> -> memref<8x4096xi32, #tpu.memory_space<hbm>>
    %dma_start3A_15 = arith.constant 0 : i32
    %dma_start3A_16 = tpu.memref_slice %arg4[%add3A_4, %dma_start3A_15] : memref<512x24576xi32, #tpu.memory_space<hbm>> -> memref<8x4096xi32, #tpu.memory_space<hbm>>
    tpu.enqueue_dma source(%arg6 : memref<8x4096xi32, #tpu.memory_space<vmem>>) target(%dma_start3A_16 : memref<8x4096xi32, #tpu.memory_space<hbm>>) target_semaphore(%arg9 : memref<!tpu.dma_semaphore, #tpu.memory_space<semaphore_mem>>)
    %dma_start3A_17 = arith.constant 0 : i32
    %dma_start3A_18 = tpu.memref_slice %arg5[%dma_start3A_17] : memref<16xi32, #tpu.memory_space<vmem>> -> memref<8xi32, #tpu.memory_space<vmem>>
    %dma_start3A_19 = arith.constant 0 : i32
    %dma_start3A_20 = arith.constant 4096 : i32
    %dma_start3A_21 = tpu.memref_slice %arg2[%dma_start3A_19, %dma_start3A_20] : memref<128x24576xi32, #tpu.memory_space<hbm>> -> memref<128x4096xi32, #tpu.memory_space<hbm>>
    tpu.enqueue_indirect_dma source(%dma_start3A_21 : memref<128x4096xi32, #tpu.memory_space<hbm>>) target(%arg7 : memref<8x4096xi32, #tpu.memory_space<vmem>>) offsets(%dma_start3A_18 : memref<8xi32, #tpu.memory_space<vmem>>) semaphore(%arg8 : memref<!tpu.dma_semaphore, #tpu.memory_space<semaphore_mem>>)
    %dma_wait3A_22 = arith.constant 0 : i32
    %dma_wait3A_23 = tpu.memref_slice %arg5[%dma_wait3A_22] : memref<16xi32, #tpu.memory_space<vmem>> -> memref<8xi32, #tpu.memory_space<vmem>>
    %dma_wait3A_24 = arith.constant 0 : i32
    %dma_wait3A_25 = arith.constant 4096 : i32
    %dma_wait3A_26 = tpu.memref_slice %arg2[%dma_wait3A_24, %dma_wait3A_25] : memref<128x24576xi32, #tpu.memory_space<hbm>> -> memref<128x4096xi32, #tpu.memory_space<hbm>>
    tpu.wait_indirect_dma semaphore(%arg8 : memref<!tpu.dma_semaphore, #tpu.memory_space<semaphore_mem>>) src(%dma_wait3A_26 : memref<128x4096xi32, #tpu.memory_space<hbm>>) dst(%arg7 : memref<8x4096xi32, #tpu.memory_space<vmem>>)
    %dma_start3A_27 = arith.constant 4096 : i32
    %dma_start3A_28 = tpu.memref_slice %arg4[%add3A_4, %dma_start3A_27] : memref<512x24576xi32, #tpu.memory_space<hbm>> -> memref<8x4096xi32, #tpu.memory_space<hbm>>
    %dma_start3A_29 = arith.constant 4096 : i32
    %dma_start3A_30 = tpu.memref_slice %arg4[%add3A_4, %dma_start3A_29] : memref<512x24576xi32, #tpu.memory_space<hbm>> -> memref<8x4096xi32, #tpu.memory_space<hbm>>
    tpu.enqueue_dma source(%arg7 : memref<8x4096xi32, #tpu.memory_space<vmem>>) target(%dma_start3A_30 : memref<8x4096xi32, #tpu.memory_space<hbm>>) target_semaphore(%arg10 : memref<!tpu.dma_semaphore, #tpu.memory_space<semaphore_mem>>)
    %dma_wait3A_31 = arith.constant 0 : i32
    %dma_wait3A_32 = tpu.memref_slice %arg4[%add3A_4, %dma_wait3A_31] : memref<512x24576xi32, #tpu.memory_space<hbm>> -> memref<8x4096xi32, #tpu.memory_space<hbm>>
    %dma_wait3A_33 = arith.constant 0 : i32
    %dma_wait3A_34 = tpu.memref_slice %arg4[%add3A_4, %dma_wait3A_33] : memref<512x24576xi32, #tpu.memory_space<hbm>> -> memref<8x4096xi32, #tpu.memory_space<hbm>>
    tpu.wait_dma2 semaphore(%arg9 : memref<!tpu.dma_semaphore, #tpu.memory_space<semaphore_mem>>) src(%arg6 : memref<8x4096xi32, #tpu.memory_space<vmem>>) dst(%dma_wait3A_34 : memref<8x4096xi32, #tpu.memory_space<hbm>>)
    %dma_start3A_35 = arith.constant 0 : i32
    %dma_start3A_36 = tpu.memref_slice %arg5[%dma_start3A_35] : memref<16xi32, #tpu.memory_space<vmem>> -> memref<8xi32, #tpu.memory_space<vmem>>
    %dma_start3A_37 = arith.constant 0 : i32
    %dma_start3A_38 = arith.constant 8192 : i32
    %dma_start3A_39 = tpu.memref_slice %arg2[%dma_start3A_37, %dma_start3A_38] : memref<128x24576xi32, #tpu.memory_space<hbm>> -> memref<128x4096xi32, #tpu.memory_space<hbm>>
    tpu.enqueue_indirect_dma source(%dma_start3A_39 : memref<128x4096xi32, #tpu.memory_space<hbm>>) target(%arg6 : memref<8x4096xi32, #tpu.memory_space<vmem>>) offsets(%dma_start3A_36 : memref<8xi32, #tpu.memory_space<vmem>>) semaphore(%arg8 : memref<!tpu.dma_semaphore, #tpu.memory_space<semaphore_mem>>)
    %dma_wait3A_40 = arith.constant 0 : i32
    %dma_wait3A_41 = tpu.memref_slice %arg5[%dma_wait3A_40] : memref<16xi32, #tpu.memory_space<vmem>> -> memref<8xi32, #tpu.memory_space<vmem>>
    %dma_wait3A_42 = arith.constant 0 : i32
    %dma_wait3A_43 = arith.constant 8192 : i32
    %dma_wait3A_44 = tpu.memref_slice %arg2[%dma_wait3A_42, %dma_wait3A_43] : memref<128x24576xi32, #tpu.memory_space<hbm>> -> memref<128x4096xi32, #tpu.memory_space<hbm>>
    tpu.wait_indirect_dma semaphore(%arg8 : memref<!tpu.dma_semaphore, #tpu.memory_space<semaphore_mem>>) src(%dma_wait3A_44 : memref<128x4096xi32, #tpu.memory_space<hbm>>) dst(%arg6 : memref<8x4096xi32, #tpu.memory_space<vmem>>)
    %dma_start3A_45 = arith.constant 8192 : i32
    %dma_start3A_46 = tpu.memref_slice %arg4[%add3A_4, %dma_start3A_45] : memref<512x24576xi32, #tpu.memory_space<hbm>> -> memref<8x4096xi32, #tpu.memory_space<hbm>>
    %dma_start3A_47 = arith.constant 8192 : i32
    %dma_start3A_48 = tpu.memref_slice %arg4[%add3A_4, %dma_start3A_47] : memref<512x24576xi32, #tpu.memory_space<hbm>> -> memref<8x4096xi32, #tpu.memory_space<hbm>>
    tpu.enqueue_dma source(%arg6 : memref<8x4096xi32, #tpu.memory_space<vmem>>) target(%dma_start3A_48 : memref<8x4096xi32, #tpu.memory_space<hbm>>) target_semaphore(%arg9 : memref<!tpu.dma_semaphore, #tpu.memory_space<semaphore_mem>>)
    %dma_wait3A_49 = arith.constant 4096 : i32
    %dma_wait3A_50 = tpu.memref_slice %arg4[%add3A_4, %dma_wait3A_49] : memref<512x24576xi32, #tpu.memory_space<hbm>> -> memref<8x4096xi32, #tpu.memory_space<hbm>>
    %dma_wait3A_51 = arith.constant 4096 : i32
    %dma_wait3A_52 = tpu.memref_slice %arg4[%add3A_4, %dma_wait3A_51] : memref<512x24576xi32, #tpu.memory_space<hbm>> -> memref<8x4096xi32, #tpu.memory_space<hbm>>
    tpu.wait_dma2 semaphore(%arg10 : memref<!tpu.dma_semaphore, #tpu.memory_space<semaphore_mem>>) src(%arg7 : memref<8x4096xi32, #tpu.memory_space<vmem>>) dst(%dma_wait3A_52 : memref<8x4096xi32, #tpu.memory_space<hbm>>)
    %dma_start3A_53 = arith.constant 0 : i32
    %dma_start3A_54 = tpu.memref_slice %arg5[%dma_start3A_53] : memref<16xi32, #tpu.memory_space<vmem>> -> memref<8xi32, #tpu.memory_space<vmem>>
    %dma_start3A_55 = arith.constant 0 : i32
    %dma_start3A_56 = arith.constant 12288 : i32
    %dma_start3A_57 = tpu.memref_slice %arg2[%dma_start3A_55, %dma_start3A_56] : memref<128x24576xi32, #tpu.memory_space<hbm>> -> memref<128x4096xi32, #tpu.memory_space<hbm>>
    tpu.enqueue_indirect_dma source(%dma_start3A_57 : memref<128x4096xi32, #tpu.memory_space<hbm>>) target(%arg7 : memref<8x4096xi32, #tpu.memory_space<vmem>>) offsets(%dma_start3A_54 : memref<8xi32, #tpu.memory_space<vmem>>) semaphore(%arg8 : memref<!tpu.dma_semaphore, #tpu.memory_space<semaphore_mem>>)
    %dma_wait3A_58 = arith.constant 0 : i32
    %dma_wait3A_59 = tpu.memref_slice %arg5[%dma_wait3A_58] : memref<16xi32, #tpu.memory_space<vmem>> -> memref<8xi32, #tpu.memory_space<vmem>>
    %dma_wait3A_60 = arith.constant 0 : i32
    %dma_wait3A_61 = arith.constant 12288 : i32
    %dma_wait3A_62 = tpu.memref_slice %arg2[%dma_wait3A_60, %dma_wait3A_61] : memref<128x24576xi32, #tpu.memory_space<hbm>> -> memref<128x4096xi32, #tpu.memory_space<hbm>>
    tpu.wait_indirect_dma semaphore(%arg8 : memref<!tpu.dma_semaphore, #tpu.memory_space<semaphore_mem>>) src(%dma_wait3A_62 : memref<128x4096xi32, #tpu.memory_space<hbm>>) dst(%arg7 : memref<8x4096xi32, #tpu.memory_space<vmem>>)
    %dma_start3A_63 = arith.constant 12288 : i32
    %dma_start3A_64 = tpu.memref_slice %arg4[%add3A_4, %dma_start3A_63] : memref<512x24576xi32, #tpu.memory_space<hbm>> -> memref<8x4096xi32, #tpu.memory_space<hbm>>
    %dma_start3A_65 = arith.constant 12288 : i32
    %dma_start3A_66 = tpu.memref_slice %arg4[%add3A_4, %dma_start3A_65] : memref<512x24576xi32, #tpu.memory_space<hbm>> -> memref<8x4096xi32, #tpu.memory_space<hbm>>
    tpu.enqueue_dma source(%arg7 : memref<8x4096xi32, #tpu.memory_space<vmem>>) target(%dma_start3A_66 : memref<8x4096xi32, #tpu.memory_space<hbm>>) target_semaphore(%arg10 : memref<!tpu.dma_semaphore, #tpu.memory_space<semaphore_mem>>)
    %dma_wait3A_67 = arith.constant 8192 : i32
    %dma_wait3A_68 = tpu.memref_slice %arg4[%add3A_4, %dma_wait3A_67] : memref<512x24576xi32, #tpu.memory_space<hbm>> -> memref<8x4096xi32, #tpu.memory_space<hbm>>
    %dma_wait3A_69 = arith.constant 8192 : i32
    %dma_wait3A_70 = tpu.memref_slice %arg4[%add3A_4, %dma_wait3A_69] : memref<512x24576xi32, #tpu.memory_space<hbm>> -> memref<8x4096xi32, #tpu.memory_space<hbm>>
    tpu.wait_dma2 semaphore(%arg9 : memref<!tpu.dma_semaphore, #tpu.memory_space<semaphore_mem>>) src(%arg6 : memref<8x4096xi32, #tpu.memory_space<vmem>>) dst(%dma_wait3A_70 : memref<8x4096xi32, #tpu.memory_space<hbm>>)
    %dma_start3A_71 = arith.constant 0 : i32
    %dma_start3A_72 = tpu.memref_slice %arg5[%dma_start3A_71] : memref<16xi32, #tpu.memory_space<vmem>> -> memref<8xi32, #tpu.memory_space<vmem>>
    %dma_start3A_73 = arith.constant 0 : i32
    %dma_start3A_74 = arith.constant 16384 : i32
    %dma_start3A_75 = tpu.memref_slice %arg2[%dma_start3A_73, %dma_start3A_74] : memref<128x24576xi32, #tpu.memory_space<hbm>> -> memref<128x4096xi32, #tpu.memory_space<hbm>>
    tpu.enqueue_indirect_dma source(%dma_start3A_75 : memref<128x4096xi32, #tpu.memory_space<hbm>>) target(%arg6 : memref<8x4096xi32, #tpu.memory_space<vmem>>) offsets(%dma_start3A_72 : memref<8xi32, #tpu.memory_space<vmem>>) semaphore(%arg8 : memref<!tpu.dma_semaphore, #tpu.memory_space<semaphore_mem>>)
    %dma_wait3A_76 = arith.constant 0 : i32
    %dma_wait3A_77 = tpu.memref_slice %arg5[%dma_wait3A_76] : memref<16xi32, #tpu.memory_space<vmem>> -> memref<8xi32, #tpu.memory_space<vmem>>
    %dma_wait3A_78 = arith.constant 0 : i32
    %dma_wait3A_79 = arith.constant 16384 : i32
    %dma_wait3A_80 = tpu.memref_slice %arg2[%dma_wait3A_78, %dma_wait3A_79] : memref<128x24576xi32, #tpu.memory_space<hbm>> -> memref<128x4096xi32, #tpu.memory_space<hbm>>
    tpu.wait_indirect_dma semaphore(%arg8 : memref<!tpu.dma_semaphore, #tpu.memory_space<semaphore_mem>>) src(%dma_wait3A_80 : memref<128x4096xi32, #tpu.memory_space<hbm>>) dst(%arg6 : memref<8x4096xi32, #tpu.memory_space<vmem>>)
    %dma_start3A_81 = arith.constant 16384 : i32
    %dma_start3A_82 = tpu.memref_slice %arg4[%add3A_4, %dma_start3A_81] : memref<512x24576xi32, #tpu.memory_space<hbm>> -> memref<8x4096xi32, #tpu.memory_space<hbm>>
    %dma_start3A_83 = arith.constant 16384 : i32
    %dma_start3A_84 = tpu.memref_slice %arg4[%add3A_4, %dma_start3A_83] : memref<512x24576xi32, #tpu.memory_space<hbm>> -> memref<8x4096xi32, #tpu.memory_space<hbm>>
    tpu.enqueue_dma source(%arg6 : memref<8x4096xi32, #tpu.memory_space<vmem>>) target(%dma_start3A_84 : memref<8x4096xi32, #tpu.memory_space<hbm>>) target_semaphore(%arg9 : memref<!tpu.dma_semaphore, #tpu.memory_space<semaphore_mem>>)
    %dma_wait3A_85 = arith.constant 12288 : i32
    %dma_wait3A_86 = tpu.memref_slice %arg4[%add3A_4, %dma_wait3A_85] : memref<512x24576xi32, #tpu.memory_space<hbm>> -> memref<8x4096xi32, #tpu.memory_space<hbm>>
    %dma_wait3A_87 = arith.constant 12288 : i32
    %dma_wait3A_88 = tpu.memref_slice %arg4[%add3A_4, %dma_wait3A_87] : memref<512x24576xi32, #tpu.memory_space<hbm>> -> memref<8x4096xi32, #tpu.memory_space<hbm>>
    tpu.wait_dma2 semaphore(%arg10 : memref<!tpu.dma_semaphore, #tpu.memory_space<semaphore_mem>>) src(%arg7 : memref<8x4096xi32, #tpu.memory_space<vmem>>) dst(%dma_wait3A_88 : memref<8x4096xi32, #tpu.memory_space<hbm>>)
    %dma_start3A_89 = arith.constant 0 : i32
    %dma_start3A_90 = tpu.memref_slice %arg5[%dma_start3A_89] : memref<16xi32, #tpu.memory_space<vmem>> -> memref<8xi32, #tpu.memory_space<vmem>>
    %dma_start3A_91 = arith.constant 0 : i32
    %dma_start3A_92 = arith.constant 20480 : i32
    %dma_start3A_93 = tpu.memref_slice %arg2[%dma_start3A_91, %dma_start3A_92] : memref<128x24576xi32, #tpu.memory_space<hbm>> -> memref<128x4096xi32, #tpu.memory_space<hbm>>
    tpu.enqueue_indirect_dma source(%dma_start3A_93 : memref<128x4096xi32, #tpu.memory_space<hbm>>) target(%arg7 : memref<8x4096xi32, #tpu.memory_space<vmem>>) offsets(%dma_start3A_90 : memref<8xi32, #tpu.memory_space<vmem>>) semaphore(%arg8 : memref<!tpu.dma_semaphore, #tpu.memory_space<semaphore_mem>>)
    %dma_wait3A_94 = arith.constant 0 : i32
    %dma_wait3A_95 = tpu.memref_slice %arg5[%dma_wait3A_94] : memref<16xi32, #tpu.memory_space<vmem>> -> memref<8xi32, #tpu.memory_space<vmem>>
    %dma_wait3A_96 = arith.constant 0 : i32
    %dma_wait3A_97 = arith.constant 20480 : i32
    %dma_wait3A_98 = tpu.memref_slice %arg2[%dma_wait3A_96, %dma_wait3A_97] : memref<128x24576xi32, #tpu.memory_space<hbm>> -> memref<128x4096xi32, #tpu.memory_space<hbm>>
    tpu.wait_indirect_dma semaphore(%arg8 : memref<!tpu.dma_semaphore, #tpu.memory_space<semaphore_mem>>) src(%dma_wait3A_98 : memref<128x4096xi32, #tpu.memory_space<hbm>>) dst(%arg7 : memref<8x4096xi32, #tpu.memory_space<vmem>>)
    %dma_start3A_99 = arith.constant 20480 : i32
    %dma_start3A_100 = tpu.memref_slice %arg4[%add3A_4, %dma_start3A_99] : memref<512x24576xi32, #tpu.memory_space<hbm>> -> memref<8x4096xi32, #tpu.memory_space<hbm>>
    %dma_start3A_101 = arith.constant 20480 : i32
    %dma_start3A_102 = tpu.memref_slice %arg4[%add3A_4, %dma_start3A_101] : memref<512x24576xi32, #tpu.memory_space<hbm>> -> memref<8x4096xi32, #tpu.memory_space<hbm>>
    tpu.enqueue_dma source(%arg7 : memref<8x4096xi32, #tpu.memory_space<vmem>>) target(%dma_start3A_102 : memref<8x4096xi32, #tpu.memory_space<hbm>>) target_semaphore(%arg10 : memref<!tpu.dma_semaphore, #tpu.memory_space<semaphore_mem>>)
    %add3A_103 = arith.constant 8 : i32
    %add3A_104 = arith.addi %mul3A_2, %add3A_103 : i32
    %dma_wait3A_105 = arith.constant 16384 : i32
    %dma_wait3A_106 = tpu.memref_slice %arg4[%add3A_4, %dma_wait3A_105] : memref<512x24576xi32, #tpu.memory_space<hbm>> -> memref<8x4096xi32, #tpu.memory_space<hbm>>
    %dma_wait3A_107 = arith.constant 16384 : i32
    %dma_wait3A_108 = tpu.memref_slice %arg4[%add3A_4, %dma_wait3A_107] : memref<512x24576xi32, #tpu.memory_space<hbm>> -> memref<8x4096xi32, #tpu.memory_space<hbm>>
    tpu.wait_dma2 semaphore(%arg9 : memref<!tpu.dma_semaphore, #tpu.memory_space<semaphore_mem>>) src(%arg6 : memref<8x4096xi32, #tpu.memory_space<vmem>>) dst(%dma_wait3A_108 : memref<8x4096xi32, #tpu.memory_space<hbm>>)
    %dma_start3A_109 = arith.constant 8 : i32
    %dma_start3A_110 = tpu.memref_slice %arg5[%dma_start3A_109] : memref<16xi32, #tpu.memory_space<vmem>> -> memref<8xi32, #tpu.memory_space<vmem>>
    %dma_start3A_111 = arith.constant 0 : i32
    %dma_start3A_112 = arith.constant 0 : i32
    %dma_start3A_113 = tpu.memref_slice %arg2[%dma_start3A_111, %dma_start3A_112] : memref<128x24576xi32, #tpu.memory_space<hbm>> -> memref<128x4096xi32, #tpu.memory_space<hbm>>
    tpu.enqueue_indirect_dma source(%dma_start3A_113 : memref<128x4096xi32, #tpu.memory_space<hbm>>) target(%arg6 : memref<8x4096xi32, #tpu.memory_space<vmem>>) offsets(%dma_start3A_110 : memref<8xi32, #tpu.memory_space<vmem>>) semaphore(%arg8 : memref<!tpu.dma_semaphore, #tpu.memory_space<semaphore_mem>>)
    %dma_wait3A_114 = arith.constant 8 : i32
    %dma_wait3A_115 = tpu.memref_slice %arg5[%dma_wait3A_114] : memref<16xi32, #tpu.memory_space<vmem>> -> memref<8xi32, #tpu.memory_space<vmem>>
    %dma_wait3A_116 = arith.constant 0 : i32
    %dma_wait3A_117 = arith.constant 0 : i32
    %dma_wait3A_118 = tpu.memref_slice %arg2[%dma_wait3A_116, %dma_wait3A_117] : memref<128x24576xi32, #tpu.memory_space<hbm>> -> memref<128x4096xi32, #tpu.memory_space<hbm>>
    tpu.wait_indirect_dma semaphore(%arg8 : memref<!tpu.dma_semaphore, #tpu.memory_space<semaphore_mem>>) src(%dma_wait3A_118 : memref<128x4096xi32, #tpu.memory_space<hbm>>) dst(%arg6 : memref<8x4096xi32, #tpu.memory_space<vmem>>)
    %dma_start3A_119 = arith.constant 0 : i32
    %dma_start3A_120 = tpu.memref_slice %arg4[%add3A_104, %dma_start3A_119] : memref<512x24576xi32, #tpu.memory_space<hbm>> -> memref<8x4096xi32, #tpu.memory_space<hbm>>
    %dma_start3A_121 = arith.constant 0 : i32
    %dma_start3A_122 = tpu.memref_slice %arg4[%add3A_104, %dma_start3A_121] : memref<512x24576xi32, #tpu.memory_space<hbm>> -> memref<8x4096xi32, #tpu.memory_space<hbm>>
    tpu.enqueue_dma source(%arg6 : memref<8x4096xi32, #tpu.memory_space<vmem>>) target(%dma_start3A_122 : memref<8x4096xi32, #tpu.memory_space<hbm>>) target_semaphore(%arg9 : memref<!tpu.dma_semaphore, #tpu.memory_space<semaphore_mem>>)
    %dma_wait3A_123 = arith.constant 20480 : i32
    %dma_wait3A_124 = tpu.memref_slice %arg4[%add3A_4, %dma_wait3A_123] : memref<512x24576xi32, #tpu.memory_space<hbm>> -> memref<8x4096xi32, #tpu.memory_space<hbm>>
    %dma_wait3A_125 = arith.constant 20480 : i32
    %dma_wait3A_126 = tpu.memref_slice %arg4[%add3A_4, %dma_wait3A_125] : memref<512x24576xi32, #tpu.memory_space<hbm>> -> memref<8x4096xi32, #tpu.memory_space<hbm>>
    tpu.wait_dma2 semaphore(%arg10 : memref<!tpu.dma_semaphore, #tpu.memory_space<semaphore_mem>>) src(%arg7 : memref<8x4096xi32, #tpu.memory_space<vmem>>) dst(%dma_wait3A_126 : memref<8x4096xi32, #tpu.memory_space<hbm>>)
    %dma_start3A_127 = arith.constant 8 : i32
    %dma_start3A_128 = tpu.memref_slice %arg5[%dma_start3A_127] : memref<16xi32, #tpu.memory_space<vmem>> -> memref<8xi32, #tpu.memory_space<vmem>>
    %dma_start3A_129 = arith.constant 0 : i32
    %dma_start3A_130 = arith.constant 4096 : i32
    %dma_start3A_131 = tpu.memref_slice %arg2[%dma_start3A_129, %dma_start3A_130] : memref<128x24576xi32, #tpu.memory_space<hbm>> -> memref<128x4096xi32, #tpu.memory_space<hbm>>
    tpu.enqueue_indirect_dma source(%dma_start3A_131 : memref<128x4096xi32, #tpu.memory_space<hbm>>) target(%arg7 : memref<8x4096xi32, #tpu.memory_space<vmem>>) offsets(%dma_start3A_128 : memref<8xi32, #tpu.memory_space<vmem>>) semaphore(%arg8 : memref<!tpu.dma_semaphore, #tpu.memory_space<semaphore_mem>>)
    %dma_wait3A_132 = arith.constant 8 : i32
    %dma_wait3A_133 = tpu.memref_slice %arg5[%dma_wait3A_132] : memref<16xi32, #tpu.memory_space<vmem>> -> memref<8xi32, #tpu.memory_space<vmem>>
    %dma_wait3A_134 = arith.constant 0 : i32
    %dma_wait3A_135 = arith.constant 4096 : i32
    %dma_wait3A_136 = tpu.memref_slice %arg2[%dma_wait3A_134, %dma_wait3A_135] : memref<128x24576xi32, #tpu.memory_space<hbm>> -> memref<128x4096xi32, #tpu.memory_space<hbm>>
    tpu.wait_indirect_dma semaphore(%arg8 : memref<!tpu.dma_semaphore, #tpu.memory_space<semaphore_mem>>) src(%dma_wait3A_136 : memref<128x4096xi32, #tpu.memory_space<hbm>>) dst(%arg7 : memref<8x4096xi32, #tpu.memory_space<vmem>>)
    %dma_start3A_137 = arith.constant 4096 : i32
    %dma_start3A_138 = tpu.memref_slice %arg4[%add3A_104, %dma_start3A_137] : memref<512x24576xi32, #tpu.memory_space<hbm>> -> memref<8x4096xi32, #tpu.memory_space<hbm>>
    %dma_start3A_139 = arith.constant 4096 : i32
    %dma_start3A_140 = tpu.memref_slice %arg4[%add3A_104, %dma_start3A_139] : memref<512x24576xi32, #tpu.memory_space<hbm>> -> memref<8x4096xi32, #tpu.memory_space<hbm>>
    tpu.enqueue_dma source(%arg7 : memref<8x4096xi32, #tpu.memory_space<vmem>>) target(%dma_start3A_140 : memref<8x4096xi32, #tpu.memory_space<hbm>>) target_semaphore(%arg10 : memref<!tpu.dma_semaphore, #tpu.memory_space<semaphore_mem>>)
    %dma_wait3A_141 = arith.constant 0 : i32
    %dma_wait3A_142 = tpu.memref_slice %arg4[%add3A_104, %dma_wait3A_141] : memref<512x24576xi32, #tpu.memory_space<hbm>> -> memref<8x4096xi32, #tpu.memory_space<hbm>>
    %dma_wait3A_143 = arith.constant 0 : i32
    %dma_wait3A_144 = tpu.memref_slice %arg4[%add3A_104, %dma_wait3A_143] : memref<512x24576xi32, #tpu.memory_space<hbm>> -> memref<8x4096xi32, #tpu.memory_space<hbm>>
    tpu.wait_dma2 semaphore(%arg9 : memref<!tpu.dma_semaphore, #tpu.memory_space<semaphore_mem>>) src(%arg6 : memref<8x4096xi32, #tpu.memory_space<vmem>>) dst(%dma_wait3A_144 : memref<8x4096xi32, #tpu.memory_space<hbm>>)
    %dma_start3A_145 = arith.constant 8 : i32
    %dma_start3A_146 = tpu.memref_slice %arg5[%dma_start3A_145] : memref<16xi32, #tpu.memory_space<vmem>> -> memref<8xi32, #tpu.memory_space<vmem>>
    %dma_start3A_147 = arith.constant 0 : i32
    %dma_start3A_148 = arith.constant 8192 : i32
    %dma_start3A_149 = tpu.memref_slice %arg2[%dma_start3A_147, %dma_start3A_148] : memref<128x24576xi32, #tpu.memory_space<hbm>> -> memref<128x4096xi32, #tpu.memory_space<hbm>>
    tpu.enqueue_indirect_dma source(%dma_start3A_149 : memref<128x4096xi32, #tpu.memory_space<hbm>>) target(%arg6 : memref<8x4096xi32, #tpu.memory_space<vmem>>) offsets(%dma_start3A_146 : memref<8xi32, #tpu.memory_space<vmem>>) semaphore(%arg8 : memref<!tpu.dma_semaphore, #tpu.memory_space<semaphore_mem>>)
    %dma_wait3A_150 = arith.constant 8 : i32
    %dma_wait3A_151 = tpu.memref_slice %arg5[%dma_wait3A_150] : memref<16xi32, #tpu.memory_space<vmem>> -> memref<8xi32, #tpu.memory_space<vmem>>
    %dma_wait3A_152 = arith.constant 0 : i32
    %dma_wait3A_153 = arith.constant 8192 : i32
    %dma_wait3A_154 = tpu.memref_slice %arg2[%dma_wait3A_152, %dma_wait3A_153] : memref<128x24576xi32, #tpu.memory_space<hbm>> -> memref<128x4096xi32, #tpu.memory_space<hbm>>
    tpu.wait_indirect_dma semaphore(%arg8 : memref<!tpu.dma_semaphore, #tpu.memory_space<semaphore_mem>>) src(%dma_wait3A_154 : memref<128x4096xi32, #tpu.memory_space<hbm>>) dst(%arg6 : memref<8x4096xi32, #tpu.memory_space<vmem>>)
    %dma_start3A_155 = arith.constant 8192 : i32
    %dma_start3A_156 = tpu.memref_slice %arg4[%add3A_104, %dma_start3A_155] : memref<512x24576xi32, #tpu.memory_space<hbm>> -> memref<8x4096xi32, #tpu.memory_space<hbm>>
    %dma_start3A_157 = arith.constant 8192 : i32
    %dma_start3A_158 = tpu.memref_slice %arg4[%add3A_104, %dma_start3A_157] : memref<512x24576xi32, #tpu.memory_space<hbm>> -> memref<8x4096xi32, #tpu.memory_space<hbm>>
    tpu.enqueue_dma source(%arg6 : memref<8x4096xi32, #tpu.memory_space<vmem>>) target(%dma_start3A_158 : memref<8x4096xi32, #tpu.memory_space<hbm>>) target_semaphore(%arg9 : memref<!tpu.dma_semaphore, #tpu.memory_space<semaphore_mem>>)
    %dma_wait3A_159 = arith.constant 4096 : i32
    %dma_wait3A_160 = tpu.memref_slice %arg4[%add3A_104, %dma_wait3A_159] : memref<512x24576xi32, #tpu.memory_space<hbm>> -> memref<8x4096xi32, #tpu.memory_space<hbm>>
    %dma_wait3A_161 = arith.constant 4096 : i32
    %dma_wait3A_162 = tpu.memref_slice %arg4[%add3A_104, %dma_wait3A_161] : memref<512x24576xi32, #tpu.memory_space<hbm>> -> memref<8x4096xi32, #tpu.memory_space<hbm>>
    tpu.wait_dma2 semaphore(%arg10 : memref<!tpu.dma_semaphore, #tpu.memory_space<semaphore_mem>>) src(%arg7 : memref<8x4096xi32, #tpu.memory_space<vmem>>) dst(%dma_wait3A_162 : memref<8x4096xi32, #tpu.memory_space<hbm>>)
    %dma_start3A_163 = arith.constant 8 : i32
    %dma_start3A_164 = tpu.memref_slice %arg5[%dma_start3A_163] : memref<16xi32, #tpu.memory_space<vmem>> -> memref<8xi32, #tpu.memory_space<vmem>>
    %dma_start3A_165 = arith.constant 0 : i32
    %dma_start3A_166 = arith.constant 12288 : i32
    %dma_start3A_167 = tpu.memref_slice %arg2[%dma_start3A_165, %dma_start3A_166] : memref<128x24576xi32, #tpu.memory_space<hbm>> -> memref<128x4096xi32, #tpu.memory_space<hbm>>
    tpu.enqueue_indirect_dma source(%dma_start3A_167 : memref<128x4096xi32, #tpu.memory_space<hbm>>) target(%arg7 : memref<8x4096xi32, #tpu.memory_space<vmem>>) offsets(%dma_start3A_164 : memref<8xi32, #tpu.memory_space<vmem>>) semaphore(%arg8 : memref<!tpu.dma_semaphore, #tpu.memory_space<semaphore_mem>>)
    %dma_wait3A_168 = arith.constant 8 : i32
    %dma_wait3A_169 = tpu.memref_slice %arg5[%dma_wait3A_168] : memref<16xi32, #tpu.memory_space<vmem>> -> memref<8xi32, #tpu.memory_space<vmem>>
    %dma_wait3A_170 = arith.constant 0 : i32
    %dma_wait3A_171 = arith.constant 12288 : i32
    %dma_wait3A_172 = tpu.memref_slice %arg2[%dma_wait3A_170, %dma_wait3A_171] : memref<128x24576xi32, #tpu.memory_space<hbm>> -> memref<128x4096xi32, #tpu.memory_space<hbm>>
    tpu.wait_indirect_dma semaphore(%arg8 : memref<!tpu.dma_semaphore, #tpu.memory_space<semaphore_mem>>) src(%dma_wait3A_172 : memref<128x4096xi32, #tpu.memory_space<hbm>>) dst(%arg7 : memref<8x4096xi32, #tpu.memory_space<vmem>>)
    %dma_start3A_173 = arith.constant 12288 : i32
    %dma_start3A_174 = tpu.memref_slice %arg4[%add3A_104, %dma_start3A_173] : memref<512x24576xi32, #tpu.memory_space<hbm>> -> memref<8x4096xi32, #tpu.memory_space<hbm>>
    %dma_start3A_175 = arith.constant 12288 : i32
    %dma_start3A_176 = tpu.memref_slice %arg4[%add3A_104, %dma_start3A_175] : memref<512x24576xi32, #tpu.memory_space<hbm>> -> memref<8x4096xi32, #tpu.memory_space<hbm>>
    tpu.enqueue_dma source(%arg7 : memref<8x4096xi32, #tpu.memory_space<vmem>>) target(%dma_start3A_176 : memref<8x4096xi32, #tpu.memory_space<hbm>>) target_semaphore(%arg10 : memref<!tpu.dma_semaphore, #tpu.memory_space<semaphore_mem>>)
    %dma_wait3A_177 = arith.constant 8192 : i32
    %dma_wait3A_178 = tpu.memref_slice %arg4[%add3A_104, %dma_wait3A_177] : memref<512x24576xi32, #tpu.memory_space<hbm>> -> memref<8x4096xi32, #tpu.memory_space<hbm>>
    %dma_wait3A_179 = arith.constant 8192 : i32
    %dma_wait3A_180 = tpu.memref_slice %arg4[%add3A_104, %dma_wait3A_179] : memref<512x24576xi32, #tpu.memory_space<hbm>> -> memref<8x4096xi32, #tpu.memory_space<hbm>>
    tpu.wait_dma2 semaphore(%arg9 : memref<!tpu.dma_semaphore, #tpu.memory_space<semaphore_mem>>) src(%arg6 : memref<8x4096xi32, #tpu.memory_space<vmem>>) dst(%dma_wait3A_180 : memref<8x4096xi32, #tpu.memory_space<hbm>>)
    %dma_start3A_181 = arith.constant 8 : i32
    %dma_start3A_182 = tpu.memref_slice %arg5[%dma_start3A_181] : memref<16xi32, #tpu.memory_space<vmem>> -> memref<8xi32, #tpu.memory_space<vmem>>
    %dma_start3A_183 = arith.constant 0 : i32
    %dma_start3A_184 = arith.constant 16384 : i32
    %dma_start3A_185 = tpu.memref_slice %arg2[%dma_start3A_183, %dma_start3A_184] : memref<128x24576xi32, #tpu.memory_space<hbm>> -> memref<128x4096xi32, #tpu.memory_space<hbm>>
    tpu.enqueue_indirect_dma source(%dma_start3A_185 : memref<128x4096xi32, #tpu.memory_space<hbm>>) target(%arg6 : memref<8x4096xi32, #tpu.memory_space<vmem>>) offsets(%dma_start3A_182 : memref<8xi32, #tpu.memory_space<vmem>>) semaphore(%arg8 : memref<!tpu.dma_semaphore, #tpu.memory_space<semaphore_mem>>)
    %dma_wait3A_186 = arith.constant 8 : i32
    %dma_wait3A_187 = tpu.memref_slice %arg5[%dma_wait3A_186] : memref<16xi32, #tpu.memory_space<vmem>> -> memref<8xi32, #tpu.memory_space<vmem>>
    %dma_wait3A_188 = arith.constant 0 : i32
    %dma_wait3A_189 = arith.constant 16384 : i32
    %dma_wait3A_190 = tpu.memref_slice %arg2[%dma_wait3A_188, %dma_wait3A_189] : memref<128x24576xi32, #tpu.memory_space<hbm>> -> memref<128x4096xi32, #tpu.memory_space<hbm>>
    tpu.wait_indirect_dma semaphore(%arg8 : memref<!tpu.dma_semaphore, #tpu.memory_space<semaphore_mem>>) src(%dma_wait3A_190 : memref<128x4096xi32, #tpu.memory_space<hbm>>) dst(%arg6 : memref<8x4096xi32, #tpu.memory_space<vmem>>)
    %dma_start3A_191 = arith.constant 16384 : i32
    %dma_start3A_192 = tpu.memref_slice %arg4[%add3A_104, %dma_start3A_191] : memref<512x24576xi32, #tpu.memory_space<hbm>> -> memref<8x4096xi32, #tpu.memory_space<hbm>>
    %dma_start3A_193 = arith.constant 16384 : i32
    %dma_start3A_194 = tpu.memref_slice %arg4[%add3A_104, %dma_start3A_193] : memref<512x24576xi32, #tpu.memory_space<hbm>> -> memref<8x4096xi32, #tpu.memory_space<hbm>>
    tpu.enqueue_dma source(%arg6 : memref<8x4096xi32, #tpu.memory_space<vmem>>) target(%dma_start3A_194 : memref<8x4096xi32, #tpu.memory_space<hbm>>) target_semaphore(%arg9 : memref<!tpu.dma_semaphore, #tpu.memory_space<semaphore_mem>>)
    %dma_wait3A_195 = arith.constant 12288 : i32
    %dma_wait3A_196 = tpu.memref_slice %arg4[%add3A_104, %dma_wait3A_195] : memref<512x24576xi32, #tpu.memory_space<hbm>> -> memref<8x4096xi32, #tpu.memory_space<hbm>>
    %dma_wait3A_197 = arith.constant 12288 : i32
    %dma_wait3A_198 = tpu.memref_slice %arg4[%add3A_104, %dma_wait3A_197] : memref<512x24576xi32, #tpu.memory_space<hbm>> -> memref<8x4096xi32, #tpu.memory_space<hbm>>
    tpu.wait_dma2 semaphore(%arg10 : memref<!tpu.dma_semaphore, #tpu.memory_space<semaphore_mem>>) src(%arg7 : memref<8x4096xi32, #tpu.memory_space<vmem>>) dst(%dma_wait3A_198 : memref<8x4096xi32, #tpu.memory_space<hbm>>)
    %dma_start3A_199 = arith.constant 8 : i32
    %dma_start3A_200 = tpu.memref_slice %arg5[%dma_start3A_199] : memref<16xi32, #tpu.memory_space<vmem>> -> memref<8xi32, #tpu.memory_space<vmem>>
    %dma_start3A_201 = arith.constant 0 : i32
    %dma_start3A_202 = arith.constant 20480 : i32
    %dma_start3A_203 = tpu.memref_slice %arg2[%dma_start3A_201, %dma_start3A_202] : memref<128x24576xi32, #tpu.memory_space<hbm>> -> memref<128x4096xi32, #tpu.memory_space<hbm>>
    tpu.enqueue_indirect_dma source(%dma_start3A_203 : memref<128x4096xi32, #tpu.memory_space<hbm>>) target(%arg7 : memref<8x4096xi32, #tpu.memory_space<vmem>>) offsets(%dma_start3A_200 : memref<8xi32, #tpu.memory_space<vmem>>) semaphore(%arg8 : memref<!tpu.dma_semaphore, #tpu.memory_space<semaphore_mem>>)
    %dma_wait3A_204 = arith.constant 8 : i32
    %dma_wait3A_205 = tpu.memref_slice %arg5[%dma_wait3A_204] : memref<16xi32, #tpu.memory_space<vmem>> -> memref<8xi32, #tpu.memory_space<vmem>>
    %dma_wait3A_206 = arith.constant 0 : i32
    %dma_wait3A_207 = arith.constant 20480 : i32
    %dma_wait3A_208 = tpu.memref_slice %arg2[%dma_wait3A_206, %dma_wait3A_207] : memref<128x24576xi32, #tpu.memory_space<hbm>> -> memref<128x4096xi32, #tpu.memory_space<hbm>>
    tpu.wait_indirect_dma semaphore(%arg8 : memref<!tpu.dma_semaphore, #tpu.memory_space<semaphore_mem>>) src(%dma_wait3A_208 : memref<128x4096xi32, #tpu.memory_space<hbm>>) dst(%arg7 : memref<8x4096xi32, #tpu.memory_space<vmem>>)
    %dma_start3A_209 = arith.constant 20480 : i32
    %dma_start3A_210 = tpu.memref_slice %arg4[%add3A_104, %dma_start3A_209] : memref<512x24576xi32, #tpu.memory_space<hbm>> -> memref<8x4096xi32, #tpu.memory_space<hbm>>
    %dma_start3A_211 = arith.constant 20480 : i32
    %dma_start3A_212 = tpu.memref_slice %arg4[%add3A_104, %dma_start3A_211] : memref<512x24576xi32, #tpu.memory_space<hbm>> -> memref<8x4096xi32, #tpu.memory_space<hbm>>
    tpu.enqueue_dma source(%arg7 : memref<8x4096xi32, #tpu.memory_space<vmem>>) target(%dma_start3A_212 : memref<8x4096xi32, #tpu.memory_space<hbm>>) target_semaphore(%arg10 : memref<!tpu.dma_semaphore, #tpu.memory_space<semaphore_mem>>)
    %dma_wait3A_213 = arith.constant 16384 : i32
    %dma_wait3A_214 = tpu.memref_slice %arg4[%add3A_104, %dma_wait3A_213] : memref<512x24576xi32, #tpu.memory_space<hbm>> -> memref<8x4096xi32, #tpu.memory_space<hbm>>
    %dma_wait3A_215 = arith.constant 16384 : i32
    %dma_wait3A_216 = tpu.memref_slice %arg4[%add3A_104, %dma_wait3A_215] : memref<512x24576xi32, #tpu.memory_space<hbm>> -> memref<8x4096xi32, #tpu.memory_space<hbm>>
    tpu.wait_dma2 semaphore(%arg9 : memref<!tpu.dma_semaphore, #tpu.memory_space<semaphore_mem>>) src(%arg6 : memref<8x4096xi32, #tpu.memory_space<vmem>>) dst(%dma_wait3A_216 : memref<8x4096xi32, #tpu.memory_space<hbm>>)
    %dma_wait3A_217 = arith.constant 20480 : i32
    %dma_wait3A_218 = tpu.memref_slice %arg4[%add3A_104, %dma_wait3A_217] : memref<512x24576xi32, #tpu.memory_space<hbm>> -> memref<8x4096xi32, #tpu.memory_space<hbm>>
    %dma_wait3A_219 = arith.constant 20480 : i32
    %dma_wait3A_220 = tpu.memref_slice %arg4[%add3A_104, %dma_wait3A_219] : memref<512x24576xi32, #tpu.memory_space<hbm>> -> memref<8x4096xi32, #tpu.memory_space<hbm>>
    tpu.wait_dma2 semaphore(%arg10 : memref<!tpu.dma_semaphore, #tpu.memory_space<semaphore_mem>>) src(%arg7 : memref<8x4096xi32, #tpu.memory_space<vmem>>) dst(%dma_wait3A_220 : memref<8x4096xi32, #tpu.memory_space<hbm>>)
    return
  }
}

module attributes {stable_mosaic.version = 14 : i64} {
  func.func @_unpack_body(%arg0: i32, %arg1: i32, %arg2: memref<256x4096xi32, #tpu.memory_space<vmem>>, %arg3: memref<256x8192xbf16, #tpu.memory_space<vmem>>) attributes {dimension_semantics = [#tpu.dimension_semantics<arbitrary>, #tpu.dimension_semantics<arbitrary>], iteration_bounds = array<i64: 2, 6>, scalar_prefetch = 0 : i64, scratch_operands = 0 : i64, tpu.core_type = #tpu.core_type<tc>, window_params = [{transform_indices = @transform_0, window_bounds = array<i64: 256, 4096>}, {transform_indices = @transform_1, window_bounds = array<i64: 256, 8192>}]} {
    %get3A = arith.constant 0 : index
    %get3A_0 = arith.constant 0 : index
    %get3A_1 = vector.load %arg2[%get3A, %get3A_0] : memref<256x4096xi32, #tpu.memory_space<vmem>>, vector<256x4096xi32>
    %shift_left3A = arith.constant 16 : i32
    %shift_left3A_2 = vector.broadcast %shift_left3A : i32 to vector<256x4096xi32>
    %shift_left3A_3 = arith.shli %get3A_1, %shift_left3A_2 : vector<256x4096xi32>
    %bitcast3A = tpu.bitcast %shift_left3A_3 : vector<256x4096xi32> -> vector<256x4096xf32>
    %and3A = arith.constant -65536 : i32
    %and3A_4 = vector.broadcast %and3A : i32 to vector<256x4096xi32>
    %and3A_5 = arith.andi %get3A_1, %and3A_4 : vector<256x4096xi32>
    %bitcast3A_6 = tpu.bitcast %and3A_5 : vector<256x4096xi32> -> vector<256x4096xf32>
    %convert_element_type3A = arith.truncf %bitcast3A : vector<256x4096xf32> to vector<256x4096xbf16>
    %swap3A = arith.constant 0 : index
    %swap3A_7 = arith.constant 0 : index
    %swap3A_8 = vector.load %arg3[%swap3A, %swap3A_7] : memref<256x8192xbf16, #tpu.memory_space<vmem>>, vector<256x4096xbf16>
    tpu.vector_store %arg3[%swap3A, %swap3A_7], %convert_element_type3A {strides = array<i32>} : memref<256x8192xbf16, #tpu.memory_space<vmem>>, vector<256x4096xbf16>,
    %convert_element_type3A_9 = arith.truncf %bitcast3A_6 : vector<256x4096xf32> to vector<256x4096xbf16>
    %swap3A_10 = arith.constant 0 : index
    %swap3A_11 = arith.constant 4096 : index
    %swap3A_12 = vector.load %arg3[%swap3A_10, %swap3A_11] : memref<256x8192xbf16, #tpu.memory_space<vmem>>, vector<256x4096xbf16>
    tpu.vector_store %arg3[%swap3A_10, %swap3A_11], %convert_element_type3A_9 {strides = array<i32>} : memref<256x8192xbf16, #tpu.memory_space<vmem>>, vector<256x4096xbf16>,
    return
  }
  func.func @transform_0(%arg0: i32, %arg1: i32) -> (i32, i32) {
    %c0_i32 = arith.constant 0 : i32
    return %arg0, %arg1 : i32, i32
  }
  func.func @transform_1(%arg0: i32, %arg1: i32) -> (i32, i32) {
    %c0_i32 = arith.constant 0 : i32
    return %arg0, %arg1 : i32, i32
  }
}

module attributes {stable_mosaic.version = 14 : i64} {
  func.func @_pack_body(%arg0: i32, %arg1: memref<128x8192xf32, #tpu.memory_space<vmem>>, %arg2: memref<128x4096xi32, #tpu.memory_space<vmem>>) attributes {dimension_semantics = [#tpu.dimension_semantics<arbitrary>], iteration_bounds = array<i64: 6>, scalar_prefetch = 0 : i64, scratch_operands = 0 : i64, tpu.core_type = #tpu.core_type<tc>, window_params = [{transform_indices = @transform_0, window_bounds = array<i64: 128, 8192>}, {transform_indices = @transform_1, window_bounds = array<i64: 128, 4096>}]} {
    %get3A = arith.constant 0 : index
    %get3A_0 = arith.constant 0 : index
    %get3A_1 = vector.load %arg1[%get3A, %get3A_0] : memref<128x8192xf32, #tpu.memory_space<vmem>>, vector<128x8192xf32>
    %convert_element_type3A = arith.truncf %get3A_1 : vector<128x8192xf32> to vector<128x8192xbf16>
    %reshape3A = vector.shape_cast %convert_element_type3A : vector<128x8192xbf16> to vector<256x4096xbf16>
    %bitcast3A = tpu.bitcast %reshape3A : vector<256x4096xbf16> -> vector<128x4096xi32>
    %swap3A = arith.constant 0 : index
    %swap3A_2 = arith.constant 0 : index
    %swap3A_3 = vector.load %arg2[%swap3A, %swap3A_2] : memref<128x4096xi32, #tpu.memory_space<vmem>>, vector<128x4096xi32>
    tpu.vector_store %arg2[%swap3A, %swap3A_2], %bitcast3A {strides = array<i32>} : memref<128x4096xi32, #tpu.memory_space<vmem>>, vector<128x4096xi32>,
    return
  }
  func.func @transform_0(%arg0: i32) -> (i32, i32) {
    %c0_i32 = arith.constant 0 : i32
    %c0_i32_0 = arith.constant 0 : i32
    return %c0_i32, %arg0 : i32, i32
  }
  func.func @transform_1(%arg0: i32) -> (i32, i32) {
    %c0_i32 = arith.constant 0 : i32
    %c0_i32_0 = arith.constant 0 : i32
    return %c0_i32, %arg0 : i32, i32
  }
}

module attributes {stable_mosaic.version = 14 : i64} {
  func.func @_unpack_second_body(%arg0: i32, %arg1: i32, %arg2: memref<256x4096xi32, #tpu.memory_space<vmem>>, %arg3: memref<1024x49152xbf16, #tpu.memory_space<hbm>>, %arg4: memref<256x8192xbf16, #tpu.memory_space<vmem>>) attributes {dimension_semantics = [#tpu.dimension_semantics<arbitrary>, #tpu.dimension_semantics<arbitrary>], iteration_bounds = array<i64: 2, 6>, scalar_prefetch = 0 : i64, scratch_operands = 0 : i64, tpu.core_type = #tpu.core_type<tc>, window_params = [{transform_indices = @transform_0, window_bounds = array<i64: 256, 4096>}, {}, {transform_indices = @transform_2, window_bounds = array<i64: 256, 8192>}]} {
    %get3A = arith.constant 0 : index
    %get3A_0 = arith.constant 0 : index
    %get3A_1 = vector.load %arg2[%get3A, %get3A_0] : memref<256x4096xi32, #tpu.memory_space<vmem>>, vector<256x4096xi32>
    %shift_left3A = arith.constant 16 : i32
    %shift_left3A_2 = vector.broadcast %shift_left3A : i32 to vector<256x4096xi32>
    %shift_left3A_3 = arith.shli %get3A_1, %shift_left3A_2 : vector<256x4096xi32>
    %bitcast3A = tpu.bitcast %shift_left3A_3 : vector<256x4096xi32> -> vector<256x4096xf32>
    %and3A = arith.constant -65536 : i32
    %and3A_4 = vector.broadcast %and3A : i32 to vector<256x4096xi32>
    %and3A_5 = arith.andi %get3A_1, %and3A_4 : vector<256x4096xi32>
    %bitcast3A_6 = tpu.bitcast %and3A_5 : vector<256x4096xi32> -> vector<256x4096xf32>
    %convert_element_type3A = arith.truncf %bitcast3A : vector<256x4096xf32> to vector<256x4096xbf16>
    %swap3A = arith.constant 0 : index
    %swap3A_7 = arith.constant 0 : index
    %swap3A_8 = vector.load %arg4[%swap3A, %swap3A_7] : memref<256x8192xbf16, #tpu.memory_space<vmem>>, vector<256x4096xbf16>
    tpu.vector_store %arg4[%swap3A, %swap3A_7], %convert_element_type3A {strides = array<i32>} : memref<256x8192xbf16, #tpu.memory_space<vmem>>, vector<256x4096xbf16>,
    %convert_element_type3A_9 = arith.truncf %bitcast3A_6 : vector<256x4096xf32> to vector<256x4096xbf16>
    %swap3A_10 = arith.constant 0 : index
    %swap3A_11 = arith.constant 4096 : index
    %swap3A_12 = vector.load %arg4[%swap3A_10, %swap3A_11] : memref<256x8192xbf16, #tpu.memory_space<vmem>>, vector<256x4096xbf16>
    tpu.vector_store %arg4[%swap3A_10, %swap3A_11], %convert_element_type3A_9 {strides = array<i32>} : memref<256x8192xbf16, #tpu.memory_space<vmem>>, vector<256x4096xbf16>,
    return
  }
  func.func @transform_0(%arg0: i32, %arg1: i32) -> (i32, i32) {
    %c0_i32 = arith.constant 0 : i32
    return %arg0, %arg1 : i32, i32
  }
  func.func @transform_2(%arg0: i32, %arg1: i32) -> (i32, i32) {
    %add3A = arith.constant 2 : i32
    %add3A_0 = arith.addi %arg0, %add3A : i32
    %c0_i32 = arith.constant 0 : i32
    return %add3A_0, %arg1 : i32, i32
  }
}

</mosaic_0001>

<sc_bundles>
// kernel: kernel.10.cloned.1.call-start
scs
__scs_entry_jumppad:
0x0: {  	(pc) =	sbr.rel $0x88, $3  }
0x1: {  	(tag) =	ssettag $0x0;
	lr =	simm.s32 $0x1  }
0x2: {  	[smem:$0x3F9F] =	sst lr;
	_ =	strace $0xD0000000  }
0x3: {  	_ = 	snop  }
0x4: {  	_ = 	snop  }
0x5: {  	_ = 	snop  }
0x6: {  	_ = 	snop  }
0x7: {  	_ = 	snop  }
__scs_overlays_trampoline_lowered:
0x8: {  	[smem:$0x3FAE] =	sst s0  }
0x9: {  	[smem:$0x3FAF] =	sst s1  }
0xa: {  	[smem:$0x3FB0] =	sst s2  }
0xb: {  	[smem:$0x3FB1] =	sst s3  }
0xc: {  	[smem:$0x3FB2] =	sst s4  }
0xd: {  	[smem:$0x3FB3] =	sst s5  }
0xe: {  	[smem:$0x3FB4] =	sst s6  }
0xf: {  	[smem:$0x3FB5] =	sst s7  }
0x10: {  	[smem:$0x3FB6] =	sst s8  }
0x11: {  	[smem:$0x3FB7] =	sst s9;
	s0 =	simm.s32 @!p0 $0x0  }
0x12: {  	s1 =	sld [smem:$0x3F9D];
	s0 =	simm.s32 @p0 $0x1  }
0x13: {  	[smem:$0x3FB8] =	sst s0;
	s0 =	simm.s32 @!p1 $0x0  }
0x14: {  	s2 =	sld [smem:$0x3F9C];
	s0 =	simm.s32 @p1 $0x1  }
0x15: {  	[smem:$0x3FB9] =	sst s0;
	s0 =	simm.s32 @!p2 $0x0  }
0x16: {  	s3 =	sld [smem:$0x3FDB];
	s0 =	simm.s32 @p2 $0x1  }
0x17: {  	s4 =	simm.s32 $0x1BF5;
	[smem:$0x3FBB] =	sst s0  }
0x18: {  	s0 =	sld [smem:$0x3F9E];
	_ =	swait.ge [sflag:s4], $0x0  }
0x19: {  	s7 =	sld [smem:$0x3F9F]  }
0x1a: {  	s8 =	sadd.s32 $0xFFFFE003, lr  }
0x1b: {  	s9 =	sadd.s32 $0xFFFFFEF7, lr;
	s5 =	simm.s32 $0xFFFFFFFF;
	p2 =	slt.u32 s8, $0xFFFFF086  }
0x1c: {  	p1 =	slt.u32 s9, $0xF7A;
	s5 =	simm.s32 @!p2 $0x0  }
0x1d: {  	s5 =	simm.s32 @p1 $0x1;
	p0 =	seq.s32 s7, s2  }
0x1e: {  	s7 =	smul.u32 @!p0 $0xF7A, s2;
	p2 =	seq.s32 @!p0 s5, $0x0  }
0x1f: {  	s9 =	smul.u32 $0xF7A, s1;
	s8 =	simm.s32 @!p0 $0x1BF5;
	p2 =	por !p2, p0  }
0x20: {  	[sflag:s8] =	ssyncset.s32 @!p0 $0xFFFFF086;
	s6 =	sadd.s32 @!p0 s3, s7;
	s7 =	simm.s32 @!p0 $0x108  }
0x21: {  	s3 =	sadd.s32 s3, s9;
	s6 =	sadd.s32 @!p0 $0x88, s6;
	s7 =	simm.s32 @p2 $0x1082  }
0x22: {  	[simem:s7], [sflag:s8] =	dma.local @!p0 [hbm:s6], $0xF7A  }
0x23: {  	s9 =	sor.u32 $0xD0000000, s2;
	s6 =	simm.s32 $0x108;
	_ =	swait.ge @!p0 [sflag:s8], $0x0  }
0x24: {  	s3 =	sadd.s32 $0x88, s3;
	s6 =	simm.s32 @!p1 $0x1082;
	[sflag:s4] =	ssyncset.s32 $0xFFFFF086  }
0x25: {  	[simem:s6], [sflag:s4] =	dma.local [hbm:s3], $0xF7A  }
0x26: {  	[smem:$0x3F9F] =	sst s1;
	(tag) =	ssettag s2;
	_ =	strace s9  }
0x27: {  	s1 =	sld [smem:$0x3FAF]  }
0x28: {  	s2 =	sld [smem:$0x3FB0]  }
0x29: {  	s4 =	sld [smem:$0x3FB2]  }
0x2a: {  	p0 =	seq.s32 s5, $0x0;
	s5 =	sld [smem:$0x3FB3]  }
0x2b: {  	s6 =	sld [smem:$0x3FB4]  }
0x2c: {  	s7 =	sld [smem:$0x3FB5]  }
0x2d: {  	s3 =	simm.s32 $0x108;
	s8 =	sld [smem:$0x3FB6]  }
0x2e: {  	s3 =	simm.s32 @!p0 $0x1082;
	s9 =	sld [smem:$0x3FB7]  }
0x2f: {  	lr =	sadd.s32 s0, s3;
	s0 =	sld [smem:$0x3FAE]  }
0x30: {  	s3 =	sld [smem:$0x3FB1]  }
0x31: {  	[smem:$0x3FBA] =	sst s10  }
0x32: {  	s10 =	sld [smem:$0x3FB8];
	_ =	sdelay $0x3  }
0x33: {  	p0 =	seq.s32 s10, $0x1;
	s10 =	sld [smem:$0x3FBA];
	_ =	sdelay $0x3  }
0x34: {  	[smem:$0x3FBA] =	sst s10  }
0x35: {  	s10 =	sld [smem:$0x3FB9];
	_ =	sdelay $0x3  }
0x36: {  	p1 =	seq.s32 s10, $0x1;
	s10 =	sld [smem:$0x3FBA];
	_ =	sdelay $0x3  }
0x37: {  	[smem:$0x3FBA] =	sst s10  }
0x38: {  	s10 =	sld [smem:$0x3FBB]  }
0x39: {  	_ = 	snop;
	(pc) =	sbr.ind lr, $3  }
0x3a: {  	_ = 	snop  }
0x3b: {  	_ = 	snop  }
0x3c: {  	p2 =	seq.s32 s10, $0x1;
	s10 =	sld [smem:$0x3FBA]  }
0x3d: {  	_ =	shalt  }
0x3e: {  	_ =	shalt  }
0x3f: {  	_ =	shalt  }
0x40: {  	_ =	shalt  }
0x41: {  	_ =	shalt  }
0x42: {  	_ =	shalt  }
0x43: {  	_ =	shalt  }
0x44: {  	_ =	shalt  }
0x45: {  	_ =	shalt  }
0x46: {  	_ =	shalt  }
0x47: {  	_ =	shalt  }
0x48: {  	_ =	shalt  }
0x49: {  	_ =	shalt  }
0x4a: {  	_ =	shalt  }
0x4b: {  	_ =	shalt  }
0x4c: {  	_ =	shalt  }
0x4d: {  	_ =	shalt  }
0x4e: {  	_ =	shalt  }
0x4f: {  	_ =	shalt  }
0x50: {  	_ =	shalt  }
0x51: {  	_ =	shalt  }
0x52: {  	_ =	shalt  }
0x53: {  	_ =	shalt  }
0x54: {  	_ =	shalt  }
0x55: {  	_ =	shalt  }
0x56: {  	_ =	shalt  }
0x57: {  	_ =	shalt  }
0x58: {  	_ =	shalt  }
0x59: {  	_ =	shalt  }
0x5a: {  	_ =	shalt  }
0x5b: {  	_ =	shalt  }
0x5c: {  	_ =	shalt  }
0x5d: {  	_ =	shalt  }
0x5e: {  	_ =	shalt  }
0x5f: {  	_ =	shalt  }
0x60: {  	_ =	shalt  }
0x61: {  	_ =	shalt  }
0x62: {  	_ =	shalt  }
0x63: {  	_ =	shalt  }
0x64: {  	_ =	shalt  }
0x65: {  	_ =	shalt  }
0x66: {  	_ =	shalt  }
0x67: {  	_ =	shalt  }
0x68: {  	_ =	shalt  }
0x69: {  	_ =	shalt  }
0x6a: {  	_ =	shalt  }
0x6b: {  	_ =	shalt  }
0x6c: {  	_ =	shalt  }
0x6d: {  	_ =	shalt  }
0x6e: {  	_ =	shalt  }
0x6f: {  	_ =	shalt  }
0x70: {  	_ =	shalt  }
0x71: {  	_ =	shalt  }
0x72: {  	_ =	shalt  }
0x73: {  	_ =	shalt  }
0x74: {  	_ =	shalt  }
0x75: {  	_ =	shalt  }
0x76: {  	_ =	shalt  }
0x77: {  	_ =	shalt  }
0x78: {  	_ =	shalt  }
0x79: {  	_ =	shalt  }
0x7a: {  	_ =	shalt  }
0x7b: {  	_ =	shalt  }
0x7c: {  	_ =	shalt  }
0x7d: {  	_ =	shalt  }
0x7e: {  	_ =	shalt  }
0x7f: {  	_ =	shalt  }
0x80: {  	_ =	shalt  }
0x81: {  	_ =	shalt  }
0x82: {  	_ =	shalt  }
0x83: {  	_ =	shalt  }
0x84: {  	_ =	shalt  }
0x85: {  	_ =	shalt  }
0x86: {  	_ =	shalt  }
0x87: {  	_ =	shalt  }
.Lfunc_end0:
.L_simem_size_0:
called_computation.1_lowered:
.L_overlay_start_0:
0x88: {  	s2 =	sld [smem:$0x3FD9]  }
0x89: {  	s3 =	sld [smem:$0x3FFE];
	_ =	sdelay $0x1  }
0x8a: {  	s1 =	srdreg.scid  }
0x8b: {  	s0 =	sand.u32 $0x1, s1  }
0x8c: {  	s17 =	sshll.u32 s0, $0xA;
	s2 =	sadd.s32 s3, s2  }
0x8d: {  	s2 =	sadd.s32 s2, s17  }
0x8e: {  	[smem:$0x3FC6] =	sst s2  }
0x8f: {  	_ = 	snop  }
0x90: {  	(tm) =	ssettm $0x1  }
0x91: {  	s18 =	sld [smem:$0x3FFB];
	_ =	sdelay $0x3  }
0x92: {  	_ =	strace s18  }
0x93: {  	s2 =	sld [smem:$0x3FFC];
	_ =	sdelay $0x3  }
0x94: {  	_ =	strace s2  }
0x95: {  	s2 =	sld [smem:$0x3FFD];
	_ =	sdelay $0x3  }
0x96: {  	_ =	strace s2  }
0x97: {  	_ =	strace $0x8FFFFFFF  }
0x98: {  	s19 =	sld [smem:$0x3FDB];
	_ =	sdelay $0x1  }
0x99: {  	s20 =	simm.s32 $_scs_section_size  }
0x9a: {  	s4 =	simm.s32 $_size__tile_overlayer_lowered;
	s5 =	simm.s32 $_tile_overlayer_lowered  }
0x9b: {  	s6 =	simm.s32 $0x1BFF;
	s21 =	sshll.u32 s5, $0x1;
	s3 =	sadd.s32 s20, s19  }
0x9c: {  	s22 =	simm.s32 $0x0;
	s4 =	sshll.u32 s4, $0x1;
	s5 =	sadd.s32 s21, s3  }
0x9d: {  	[timem:s22], [sflag:s6] =	dma.local [hbm:s5], s4  }
0x9e: {  	_ =	swait.ge [sflag:s6], s4  }
0x9f: {  	s4 =	ssub.s32 $0x0, s4;
	[sflag:s6] =	ssyncset.done $0x0  }
0xa0: {  	[sflag:s6] =	ssyncadd.s32 s4;
	_ =	sdelay $0x1  }
0xa1: {  	s23 =	simm.s32 $0x1B8B  }
0xa2: {  	_ =	swait.ge [sflag:s23], $0x1  }
0xa3: {  	[sflag:s23] =	ssyncset.done $0x0  }
0xa4: {  	[sflag:s23] =	ssyncadd.s32 $0xFFFFFFFF  }
0xa5: {  	s4 =	sld [smem:$0x0]  }
0xa6: {  	s5 =	sand.u32 $0xFFFFFFFE, s1  }
0xa7: {  	p0 =	sne.s32 s1, s5  }
0xa8: {  	s5 =	sshll.u32 @p0 s5, $0xE  }
0xa9: {  	s5 =	sadd.s32 @p0 $0x11B8D, s5;
	s6 =	sshll.u32 @p0 s4, $0x11  }
0xaa: {  	s5 =	sor.u32 @p0 s6, s5  }
0xab: {  	[sflag:s5] =	ssyncadd.remote.s32 @p0 $0x1;
	_ =	sdelay $0x1  }
0xac: {  	s5 =	simm.s32 @p0 $0x1B8D  }
0xad: {  	_ =	swait.eq @p0 [sflag:s5], $0x1  }
0xae: {  	[sflag:s5] =	ssyncadd.s32 @p0 $0xFFFFFFFF  }
0xaf: {  	s6 =	sshll.u32 @!p0 s1, $0xE  }
0xb0: {  	s6 =	sor.u32 @!p0 $0x4000, s6;
	s5 =	simm.s32 @!p0 $0x1B8D  }
0xb1: {  	s4 =	sshll.u32 @!p0 s4, $0x11;
	s6 =	sadd.s32 @!p0 $0x11B8D, s6;
	_ =	swait.eq @!p0 [sflag:s5], $0x1  }
0xb2: {  	s4 =	sor.u32 @!p0 s4, s6;
	[sflag:s5] =	ssyncadd.s32 @!p0 $0xFFFFFFFF  }
0xb3: {  	s25 =	simm.s32 $0x1B8E;
	s24 =	sld [smem:$0x3FFE];
	[sflag:s4] =	ssyncadd.remote.s32 @!p0 $0x1  }
0xb4: {  	s26 =	simm.s32 $execute0_lowered;
	[smem:$0x3FD2] =	sst s25  }
0xb5: {  	s5 =	sshll.u32 s26, $0x1;
	_ =	strace $0x80000049;
	[dreg:$0x1] =	wrdreg $0xFFFFFFFF  }
0xb6: {  	s28 =	simm.s32 $_size_execute0_lowered;
	s3 =	sadd.s32 s3, s5;
	[dreg:$0x0] =	wrdreg $0x0  }
0xb7: {  	s5 =	sshll.u32 s28, $0x1;
	[dreg:$0x2] =	wrdreg s3  }
0xb8: {  	[dreg:$0x3] =	wrdreg s5  }
0xb9: {  	[dreg:$0x4] =	wrdreg $0xC0  }
0xba: {  	_ =	task [dreg:s22], $0x5FFFF  }
0xbb: {  	[dreg:$0x1] =	wrdreg $0xFFFFFFFF  }
0xbc: {  	[dreg:$0x0] =	wrdreg $0x60  }
0xbd: {  	[dreg:$0x2] =	wrdreg s24  }
0xbe: {  	[dreg:$0x3] =	wrdreg $0xA  }
0xbf: {  	_ =	task.clear_ibuf [dreg:s22], $0x4FFFF;
	_ =	strace $0x90000049  }
0xc0: {  	s29 =	simm.s32 $0xA;
	_ =	strace $0x8000004B  }
0xc1: {  	_ =	swait.ge [sflag:s29], $0x1  }
0xc2: {  	[sflag:s29] =	ssyncadd.s32 $0xFFFFFFFF  }
0xc3: {  	_ =	strace $0x9000004B  }
0xc4: {  	_ =	sfence  }
0xc5: {  	s30 =	sld [smem:$0x0];
	_ =	sdelay $0x2  }
0xc6: {  	s31 =	sshll.u32 s1, $0xD;
	s1 =	sshrl.u32 s1, $0x2  }
0xc7: {  	s4 =	sand.u32 $0x4000, s31;
	s1 =	sadd.s32 s1, s30  }
0xc8: {  	s0 =	sor.u32 s4, s0;
	s1 =	sshll.u32 s1, $0x11  }
0xc9: {  	s0 =	sor.u32 s1, s0  }
0xca: {  	s0 =	sadd.s32 $0x8F2B, s0  }
0xcb: {  	[sflag:s0] =	ssyncadd.remote.s32 $0x1  }
0xcc: {  	_ =	sfence.sel $0xFFFF  }
0xcd: {  	[dreg:$0x0] =	wrdreg $0xFFFFFFFF;
	(pc) =	sbr.abs _section_cstart, $3  }
0xce: {  	[dreg:$0x1] =	wrdreg $0xFFFFFFFF  }
0xcf: {  	_ =	task.clear_ibuf [dreg:s22], $0x2FFFF;
	_ =	strace $0x9FFFFFFF  }
0xd0: {  	(tm) =	ssettm $0x7FFFFFFF  }
0xd1: {  	_ =	shalt  }
tec
execute0_lowered:
.L_overlay_start_1:
0x0: {  	(tag) =	ssettag $0x1  }
0x1: {  	s0 =	rddreg [dreg:$0x0];
	s2 =	simm.s32 $0x0  }
0x2: {  	[smem:$0x7FF] =	sst s2;
	s5 =	sadd.s32 $0xC00, s0  }
0x3: {  	s31 =	sadd.s32 $0xD00, s0;
	_ =	strace $0x8000004A;
	[dreg:$0xf] =	wrdreg s5  }
0x4: {  	s6 =	sadd.s32 $0xF00, s0;
	[dreg:$0x10] =	wrdreg s31  }
0x5: {  	s7 =	sadd.s32 $0x1000, s0;
	[dreg:$0x12] =	wrdreg s6  }
0x6: {  	s8 =	sadd.s32 $0x1100, s0;
	[dreg:$0x13] =	wrdreg s7  }
0x7: {  	s9 =	sadd.s32 $0x1200, s0;
	[dreg:$0x14] =	wrdreg s8  }
0x8: {  	s10 =	sadd.s32 $0x1300, s0;
	[dreg:$0x15] =	wrdreg s9  }
0x9: {  	s1 =	srdreg.scid;
	s11 =	sadd.s32 $0x1400, s0;
	[dreg:$0x16] =	wrdreg s10  }
0xa: {  	s3 =	stileid.u32;
	s13 =	sadd.s32 $0x1500, s0;
	[dreg:$0x17] =	wrdreg s11  }
0xb: {  	s1 =	sand.u32 $0x1, s1;
	s15 =	sadd.s32 $0x1600, s0;
	[dreg:$0x18] =	wrdreg s13  }
0xc: {  	s3 =	sshll.u32 s3, $0x2;
	s17 =	sadd.s32 $0x1700, s0;
	[dreg:$0x19] =	wrdreg s15  }
0xd: {  	s19 =	sadd.s32 $0x1800, s0;
	s4 =	sshll.u32 s1, $0x1;
	[dreg:$0x1a] =	wrdreg s17  }
0xe: {  	s21 =	sadd.s32 $0x1900, s0;
	[dreg:$0x1b] =	wrdreg s19;
	s3 =	sor.u32 s4, s3  }
0xf: {  	s23 =	sadd.s32 $0x1A00, s0;
	[dreg:$0x1c] =	wrdreg s21;
	s4 =	smul.u32 $0x30000, s3  }
0x10: {  	s25 =	sadd.s32 $0x1B00, s0;
	s5 =	sadd.s32 $0xE00, s0;
	[dreg:$0x1d] =	wrdreg s23  }
0x11: {  	[dreg:$0x1e] =	wrdreg s25;
	s3 =	sadd.s32 s3, s0;
	s4 =	sshrl.u32 s4, $0x3  }
0x12: {  	[dreg:$0x11] =	wrdreg s5;
	s3 =	sadd.s32 $0x1E0C00, s3;
	s4 =	sadd.s32 s4, s0  }
0x13: {  	[dreg:$0x2] =	wrdreg s3;
	s12 =	sadd.s32 $0x1E0E00, s4  }
0x14: {  	s14 =	sadd.s32 $0x1E1E00, s4;
	[dreg:$0x3] =	wrdreg s12  }
0x15: {  	s1 =	ssub.s32 $0x2, s1;
	s16 =	sadd.s32 $0x1E2E00, s4;
	[dreg:$0x4] =	wrdreg s14  }
0x16: {  	s19 =	sadd.s32 $0x1C00, s0;
	s18 =	sadd.s32 $0x1E3E00, s4;
	[dreg:$0x5] =	wrdreg s16  }
0x17: {  	s21 =	sadd.s32 $0x3C00, s0;
	s20 =	sadd.s32 $0x1E4E00, s4;
	[dreg:$0x6] =	wrdreg s18  }
0x18: {  	s23 =	sadd.s32 $0x5C00, s0;
	s22 =	sadd.s32 $0x1E5E00, s4;
	[dreg:$0x7] =	wrdreg s20  }
0x19: {  	s11 =	simm.s32 $0x1;
	s24 =	sadd.s32 $0x1E6E00, s4;
	[dreg:$0x8] =	wrdreg s22  }
0x1a: {  	s6 =	simm.s32 $0x3;
	s26 =	sadd.s32 $0x1E7E00, s4;
	[dreg:$0x9] =	wrdreg s24  }
0x1b: {  	s30 =	sshrl.u32 s1, $0x1;
	s28 =	sadd.s32 $0x1E8E00, s4;
	[dreg:$0xa] =	wrdreg s26  }
0x1c: {  	s5 =	simm.s32 $0x2;
	s29 =	sadd.s32 $0x1E9E00, s4;
	[dreg:$0xb] =	wrdreg s28  }
0x1d: {  	v0 =	vlaneseq.u32;
	s1 =	ssub.s32 s1, s30;
	s30 =	sadd.s32 $0x1EAE00, s4;
	[dreg:$0xc] =	wrdreg s29  }
0x1e: {  	v1 =	vshrl.u32 v0, $0x3;
	s31 =	sadd.s32 $0x1EBE00, s4;
	s20 =	sadd.s32 $0x2C00, s0;
	[dreg:$0xd] =	wrdreg s30  }
0x1f: {  	vm0 =	vmmov $0xffff;
	v0 =	vand.u32 $0x7, v0;
	v1 =	vmul.u32 $0x8, v1;
	s22 =	sadd.s32 $0x4C00, s0;
	[dreg:$0xe] =	wrdreg s31;
	s0 =	smax.u32 s1, $0x1  }
.LBB2_1:
0x20: {  	[dreg:$0x1f] =	wrdreg s0  }
0x21: {  	s4 =	rddreg [dreg:$0x2];
	s7 =	simm.s32 $0x4  }
0x22: {  	[tilespmem:s2], [sflag:$0x4] =	stream.linear.gather [hbm4b:s4+s2], $0x10, $0x38;
	[tilespmem:$0x10080] =	vst v63  }
0x23: {  	_ =	swait.ge [sflag:s7], $0x10  }
0x24: {  	[sflag:s7] =	ssyncset.done $0x0  }
0x25: {  	[sflag:s7] =	ssyncadd.s32 $0xFFFFFFF0  }
0x26: {  	v2 =	vld.msk [tilespmem:$0x0], $0xff;
	_ =	sdelay $0x4  }
0x27: {  	v3 =	vshrl.u32 v2, $0x3  }
0x28: {  	v3 =	vmul.u32 $0x600, v3  }
0x29: {  	v2 =	vand.u32 $0x7, v2  }
0x2a: {  	v2 =	vor.u32 v2, v3  }
0x2b: {  	v2 =	vperm.xlane v2, v0;
	_ =	sdelay $0x1  }
0x2c: {  	v2 =	vadd.s32 v1, v2;
	_ =	sdelay $0x3  }
0x2d: {  	s8 =	simm.s32 $0x80;
	s1 =	rddreg [dreg:$0xf]  }
0x2e: {  	[tilespmem:s8], [sflag:$0x1] =	stream.indirect_vreg.gather [hbm4b:s1+s2], $0x80, v2, vm0, $0xb8;
	[tilespmem:$0x10080] =	vst v63  }
0x2f: {  	s10 =	simm.s32 $0x880;
	s9 =	rddreg [dreg:$0x10]  }
0x30: {  	[tilespmem:s10], [sflag:$0x1] =	stream.indirect_vreg.gather [hbm4b:s9+s2], $0x80, v2, vm0, $0xb8;
	[tilespmem:$0x10080] =	vst v63  }
0x31: {  	s13 =	simm.s32 $0x1080;
	s12 =	rddreg [dreg:$0x11]  }
0x32: {  	[tilespmem:s13], [sflag:$0x1] =	stream.indirect_vreg.gather [hbm4b:s12+s2], $0x80, v2, vm0, $0xb8;
	[tilespmem:$0x10080] =	vst v63  }
0x33: {  	s15 =	simm.s32 $0x1880;
	s14 =	rddreg [dreg:$0x12]  }
0x34: {  	[tilespmem:s15], [sflag:$0x1] =	stream.indirect_vreg.gather [hbm4b:s14+s2], $0x80, v2, vm0, $0xb8;
	[tilespmem:$0x10080] =	vst v63  }
0x35: {  	s17 =	simm.s32 $0x2080;
	s16 =	rddreg [dreg:$0x13]  }
0x36: {  	[tilespmem:s17], [sflag:$0x1] =	stream.indirect_vreg.gather [hbm4b:s16+s2], $0x80, v2, vm0, $0xb8;
	[tilespmem:$0x10080] =	vst v63  }
0x37: {  	s25 =	simm.s32 $0x2880;
	s18 =	rddreg [dreg:$0x14]  }
0x38: {  	[tilespmem:s25], [sflag:$0x1] =	stream.indirect_vreg.gather [hbm4b:s18+s2], $0x80, v2, vm0, $0xb8;
	[tilespmem:$0x10080] =	vst v63  }
0x39: {  	s28 =	simm.s32 $0x3080;
	s26 =	rddreg [dreg:$0x15]  }
0x3a: {  	[tilespmem:s28], [sflag:$0x1] =	stream.indirect_vreg.gather [hbm4b:s26+s2], $0x80, v2, vm0, $0xb8;
	[tilespmem:$0x10080] =	vst v63  }
0x3b: {  	s31 =	simm.s32 $0x3880;
	s30 =	rddreg [dreg:$0x16]  }
0x3c: {  	[tilespmem:s31], [sflag:$0x1] =	stream.indirect_vreg.gather [hbm4b:s30+s2], $0x80, v2, vm0, $0xb8;
	[tilespmem:$0x10080] =	vst v63  }
0x3d: {  	s4 =	simm.s32 $0x4080;
	s3 =	rddreg [dreg:$0x17]  }
0x3e: {  	[tilespmem:s4], [sflag:$0x1] =	stream.indirect_vreg.gather [hbm4b:s3+s2], $0x80, v2, vm0, $0xb8;
	[tilespmem:$0x10080] =	vst v63  }
0x3f: {  	s7 =	rddreg [dreg:$0x18];
	s8 =	simm.s32 $0x4880  }
0x40: {  	[tilespmem:s8], [sflag:$0x1] =	stream.indirect_vreg.gather [hbm4b:s7+s2], $0x80, v2, vm0, $0xb8;
	[tilespmem:$0x10080] =	vst v63  }
0x41: {  	s9 =	rddreg [dreg:$0x19];
	s10 =	simm.s32 $0x5080  }
0x42: {  	[tilespmem:s10], [sflag:$0x1] =	stream.indirect_vreg.gather [hbm4b:s9+s2], $0x80, v2, vm0, $0xb8;
	[tilespmem:$0x10080] =	vst v63  }
0x43: {  	s12 =	rddreg [dreg:$0x1a];
	s25 =	simm.s32 $0x5880  }
0x44: {  	[tilespmem:s25], [sflag:$0x1] =	stream.indirect_vreg.gather [hbm4b:s12+s2], $0x80, v2, vm0, $0xb8;
	[tilespmem:$0x10080] =	vst v63  }
0x45: {  	s26 =	rddreg [dreg:$0x1b];
	s28 =	simm.s32 $0x6080  }
0x46: {  	[tilespmem:s28], [sflag:$0x1] =	stream.indirect_vreg.gather [hbm4b:s26+s2], $0x80, v2, vm0, $0xb8;
	[tilespmem:$0x10080] =	vst v63  }
0x47: {  	s30 =	rddreg [dreg:$0x1c];
	s31 =	simm.s32 $0x6880  }
0x48: {  	[tilespmem:s31], [sflag:$0x1] =	stream.indirect_vreg.gather [hbm4b:s30+s2], $0x80, v2, vm0, $0xb8;
	[tilespmem:$0x10080] =	vst v63  }
0x49: {  	s0 =	rddreg [dreg:$0x1d];
	s3 =	simm.s32 $0x7080  }
0x4a: {  	[tilespmem:s3], [sflag:$0x1] =	stream.indirect_vreg.gather [hbm4b:s0+s2], $0x80, v2, vm0, $0xb8;
	[tilespmem:$0x10080] =	vst v63  }
0x4b: {  	s4 =	rddreg [dreg:$0x1e];
	s7 =	simm.s32 $0x7880  }
0x4c: {  	[tilespmem:s7], [sflag:$0x1] =	stream.indirect_vreg.gather [hbm4b:s4+s2], $0x80, v2, vm0, $0xb8;
	[tilespmem:$0x10080] =	vst v63  }
0x4d: {  	_ =	swait.ge [sflag:s11], $0x8000  }
0x4e: {  	[sflag:s11] =	ssyncset.done $0x0  }
0x4f: {  	s29 =	simm.s32 $0x80;
	s25 =	rddreg [dreg:$0x3];
	[sflag:s11] =	ssyncadd.s32 $0xFFFF8000  }
0x50: {  	[hbm4b:s25+s2] =	stream.linear.scatter [tilespmem:s29], [sflag:$0x2], $0x8000, $0x38;
	[tilespmem:$0x10080] =	vst v63  }
0x51: {  	v2 =	vld.msk [tilespmem:$0x0], $0xff;
	_ =	sdelay $0x4  }
0x52: {  	v3 =	vshrl.u32 v2, $0x3  }
0x53: {  	v3 =	vmul.u32 $0x600, v3  }
0x54: {  	v2 =	vand.u32 $0x7, v2  }
0x55: {  	v2 =	vor.u32 v2, v3  }
0x56: {  	v2 =	vperm.xlane v2, v0;
	_ =	sdelay $0x1  }
0x57: {  	v2 =	vadd.s32 v1, v2;
	_ =	sdelay $0x3  }
0x58: {  	s26 =	simm.s32 $0x8080;
	s3 =	sadd.s32 $0x100, s19  }
0x59: {  	[tilespmem:s26], [sflag:$0x1] =	stream.indirect_vreg.gather [hbm4b:s19+s2], $0x80, v2, vm0, $0xb8;
	[tilespmem:$0x10080] =	vst v63  }
0x5a: {  	s28 =	simm.s32 $0x8880;
	s30 =	sadd.s32 $0x200, s19;
	[smem:$0x7B3] =	sst s3  }
0x5b: {  	[tilespmem:s28], [sflag:$0x1] =	stream.indirect_vreg.gather [hbm4b:s3+s2], $0x80, v2, vm0, $0xb8;
	[tilespmem:$0x10080] =	vst v63  }
0x5c: {  	s31 =	simm.s32 $0x9080;
	s0 =	sadd.s32 $0x300, s19;
	[smem:$0x7B4] =	sst s30  }
0x5d: {  	[tilespmem:s31], [sflag:$0x1] =	stream.indirect_vreg.gather [hbm4b:s30+s2], $0x80, v2, vm0, $0xb8;
	[tilespmem:$0x10080] =	vst v63  }
0x5e: {  	s1 =	simm.s32 $0x9880;
	[smem:$0x7B5] =	sst s0;
	s3 =	sadd.s32 $0x400, s19  }
0x5f: {  	[tilespmem:s1], [sflag:$0x1] =	stream.indirect_vreg.gather [hbm4b:s0+s2], $0x80, v2, vm0, $0xb8;
	[tilespmem:$0x10080] =	vst v63  }
0x60: {  	s25 =	simm.s32 $0xA080;
	s28 =	sadd.s32 $0x500, s19;
	[smem:$0x7B6] =	sst s3  }
0x61: {  	[tilespmem:s25], [sflag:$0x1] =	stream.indirect_vreg.gather [hbm4b:s3+s2], $0x80, v2, vm0, $0xb8;
	[tilespmem:$0x10080] =	vst v63  }
0x62: {  	[smem:$0x7B7] =	sst s28;
	s30 =	simm.s32 $0xA880;
	s0 =	sadd.s32 $0x800, s19  }
0x63: {  	[tilespmem:s30], [sflag:$0x1] =	stream.indirect_vreg.gather [hbm4b:s28+s2], $0x80, v2, vm0, $0xb8;
	[tilespmem:$0x10080] =	vst v63  }
0x64: {  	[smem:$0x7BA] =	sst s0;
	s3 =	sadd.s32 $0x600, s19;
	s25 =	simm.s32 $0xB080  }
0x65: {  	[tilespmem:s25], [sflag:$0x1] =	stream.indirect_vreg.gather [hbm4b:s3+s2], $0x80, v2, vm0, $0xb8;
	[tilespmem:$0x10080] =	vst v63  }
0x66: {  	[smem:$0x7B8] =	sst s3;
	s28 =	sadd.s32 $0x700, s19;
	s30 =	simm.s32 $0xB880  }
0x67: {  	[tilespmem:s30], [sflag:$0x1] =	stream.indirect_vreg.gather [hbm4b:s28+s2], $0x80, v2, vm0, $0xb8;
	[tilespmem:$0x10080] =	vst v63  }
0x68: {  	[smem:$0x7B9] =	sst s28;
	s3 =	simm.s32 $0xC080;
	s25 =	sadd.s32 $0x900, s19  }
0x69: {  	[tilespmem:s3], [sflag:$0x1] =	stream.indirect_vreg.gather [hbm4b:s0+s2], $0x80, v2, vm0, $0xb8;
	[tilespmem:$0x10080] =	vst v63  }
0x6a: {  	[smem:$0x7BB] =	sst s25;
	s28 =	simm.s32 $0xC880;
	s0 =	sadd.s32 $0xA00, s19  }
0x6b: {  	[tilespmem:s28], [sflag:$0x1] =	stream.indirect_vreg.gather [hbm4b:s25+s2], $0x80, v2, vm0, $0xb8;
	[tilespmem:$0x10080] =	vst v63  }
0x6c: {  	s3 =	simm.s32 $0xD080;
	[smem:$0x7BC] =	sst s0;
	s25 =	sadd.s32 $0xB00, s19  }
0x6d: {  	[tilespmem:s3], [sflag:$0x1] =	stream.indirect_vreg.gather [hbm4b:s0+s2], $0x80, v2, vm0, $0xb8;
	[tilespmem:$0x10080] =	vst v63  }
0x6e: {  	s28 =	simm.s32 $0xD880;
	[smem:$0x7BD] =	sst s25;
	s0 =	sadd.s32 $0xC00, s19  }
0x6f: {  	[tilespmem:s28], [sflag:$0x1] =	stream.indirect_vreg.gather [hbm4b:s25+s2], $0x80, v2, vm0, $0xb8;
	[tilespmem:$0x10080] =	vst v63  }
0x70: {  	s3 =	simm.s32 $0xE080;
	[smem:$0x7BE] =	sst s0;
	s25 =	sadd.s32 $0xD00, s19  }
0x71: {  	[tilespmem:s3], [sflag:$0x1] =	stream.indirect_vreg.gather [hbm4b:s0+s2], $0x80, v2, vm0, $0xb8;
	[tilespmem:$0x10080] =	vst v63  }
0x72: {  	s28 =	simm.s32 $0xE880;
	[smem:$0x7BF] =	sst s25;
	s3 =	sadd.s32 $0xE00, s19  }
0x73: {  	[tilespmem:s28], [sflag:$0x1] =	stream.indirect_vreg.gather [hbm4b:s25+s2], $0x80, v2, vm0, $0xb8;
	[tilespmem:$0x10080] =	vst v63  }
0x74: {  	s0 =	sadd.s32 $0xF00, s19;
	[smem:$0x7C0] =	sst s3;
	s25 =	simm.s32 $0xF080  }
0x75: {  	[tilespmem:s25], [sflag:$0x1] =	stream.indirect_vreg.gather [hbm4b:s3+s2], $0x80, v2, vm0, $0xb8;
	[tilespmem:$0x10080] =	vst v63  }
0x76: {  	[smem:$0x7C1] =	sst s0;
	s25 =	simm.s32 $0xF880  }
0x77: {  	[tilespmem:s25], [sflag:$0x1] =	stream.indirect_vreg.gather [hbm4b:s0+s2], $0x80, v2, vm0, $0xb8;
	[tilespmem:$0x10080] =	vst v63  }
0x78: {  	_ =	swait.ge [sflag:s11], $0x8000  }
0x79: {  	[sflag:s11] =	ssyncset.done $0x0  }
0x7a: {  	s7 =	simm.s32 $0x8080;
	s25 =	rddreg [dreg:$0x4];
	[sflag:s11] =	ssyncadd.s32 $0xFFFF8000  }
0x7b: {  	[hbm4b:s25+s2] =	stream.linear.scatter [tilespmem:s7], [sflag:$0x3], $0x8000, $0x38;
	[tilespmem:$0x10080] =	vst v63  }
0x7c: {  	_ =	swait.ge [sflag:s5], $0x8000  }
0x7d: {  	[sflag:s5] =	ssyncset.done $0x0  }
0x7e: {  	[sflag:s5] =	ssyncadd.s32 $0xFFFF8000  }
0x7f: {  	v2 =	vld.msk [tilespmem:$0x0], $0xff;
	_ =	sdelay $0x4  }
0x80: {  	v3 =	vshrl.u32 v2, $0x3  }
0x81: {  	v3 =	vmul.u32 $0x600, v3  }
0x82: {  	v2 =	vand.u32 $0x7, v2  }
0x83: {  	v2 =	vor.u32 v2, v3  }
0x84: {  	v2 =	vperm.xlane v2, v0;
	_ =	sdelay $0x1  }
0x85: {  	v2 =	vadd.s32 v1, v2;
	_ =	sdelay $0x4  }
0x86: {  	[tilespmem:s29], [sflag:$0x1] =	stream.indirect_vreg.gather [hbm4b:s20+s2], $0x80, v2, vm0, $0xb8;
	[tilespmem:$0x10080] =	vst v63  }
0x87: {  	s0 =	sadd.s32 $0x100, s20;
	s25 =	simm.s32 $0x880  }
0x88: {  	[tilespmem:s25], [sflag:$0x1] =	stream.indirect_vreg.gather [hbm4b:s0+s2], $0x80, v2, vm0, $0xb8;
	[tilespmem:$0x10080] =	vst v63  }
0x89: {  	[smem:$0x7C2] =	sst s0;
	s0 =	sadd.s32 $0x200, s20;
	s25 =	simm.s32 $0x1080  }
0x8a: {  	[tilespmem:s25], [sflag:$0x1] =	stream.indirect_vreg.gather [hbm4b:s0+s2], $0x80, v2, vm0, $0xb8;
	[tilespmem:$0x10080] =	vst v63  }
0x8b: {  	[smem:$0x7C3] =	sst s0;
	s0 =	sadd.s32 $0x300, s20;
	s25 =	simm.s32 $0x1880  }
0x8c: {  	[tilespmem:s25], [sflag:$0x1] =	stream.indirect_vreg.gather [hbm4b:s0+s2], $0x80, v2, vm0, $0xb8;
	[tilespmem:$0x10080] =	vst v63  }
0x8d: {  	s24 =	simm.s32 $0x2080;
	[smem:$0x7C4] =	sst s0;
	s25 =	sadd.s32 $0x400, s20  }
0x8e: {  	[tilespmem:s24], [sflag:$0x1] =	stream.indirect_vreg.gather [hbm4b:s25+s2], $0x80, v2, vm0, $0xb8;
	[tilespmem:$0x10080] =	vst v63  }
0x8f: {  	s18 =	simm.s32 $0x2880;
	[smem:$0x7C5] =	sst s25;
	s25 =	sadd.s32 $0x500, s20  }
0x90: {  	[tilespmem:s18], [sflag:$0x1] =	stream.indirect_vreg.gather [hbm4b:s25+s2], $0x80, v2, vm0, $0xb8;
	[tilespmem:$0x10080] =	vst v63  }
0x91: {  	s15 =	simm.s32 $0x3080;
	[smem:$0x7C6] =	sst s25;
	s25 =	sadd.s32 $0x600, s20  }
0x92: {  	[tilespmem:s15], [sflag:$0x1] =	stream.indirect_vreg.gather [hbm4b:s25+s2], $0x80, v2, vm0, $0xb8;
	[tilespmem:$0x10080] =	vst v63  }
0x93: {  	s13 =	simm.s32 $0x3880;
	[smem:$0x7C7] =	sst s25;
	s25 =	sadd.s32 $0x700, s20  }
0x94: {  	[tilespmem:s13], [sflag:$0x1] =	stream.indirect_vreg.gather [hbm4b:s25+s2], $0x80, v2, vm0, $0xb8;
	[tilespmem:$0x10080] =	vst v63  }
0x95: {  	s16 =	simm.s32 $0x4080;
	[smem:$0x7C8] =	sst s25;
	s25 =	sadd.s32 $0x800, s20  }
0x96: {  	[tilespmem:s16], [sflag:$0x1] =	stream.indirect_vreg.gather [hbm4b:s25+s2], $0x80, v2, vm0, $0xb8;
	[tilespmem:$0x10080] =	vst v63  }
0x97: {  	s14 =	simm.s32 $0x4880;
	[smem:$0x7C9] =	sst s25;
	s25 =	sadd.s32 $0x900, s20  }
0x98: {  	[tilespmem:s14], [sflag:$0x1] =	stream.indirect_vreg.gather [hbm4b:s25+s2], $0x80, v2, vm0, $0xb8;
	[tilespmem:$0x10080] =	vst v63  }
0x99: {  	s17 =	simm.s32 $0x5080;
	[smem:$0x7CA] =	sst s25;
	s25 =	sadd.s32 $0xA00, s20  }
0x9a: {  	[tilespmem:s17], [sflag:$0x1] =	stream.indirect_vreg.gather [hbm4b:s25+s2], $0x80, v2, vm0, $0xb8;
	[tilespmem:$0x10080] =	vst v63  }
0x9b: {  	[smem:$0x7CB] =	sst s25;
	s17 =	sadd.s32 $0xB00, s20  }
0x9c: {  	s12 =	simm.s32 $0x5880;
	s25 =	sadd.s32 $0xC00, s20;
	[smem:$0x7CC] =	sst s17  }
0x9d: {  	[tilespmem:s12], [sflag:$0x1] =	stream.indirect_vreg.gather [hbm4b:s17+s2], $0x80, v2, vm0, $0xb8;
	[tilespmem:$0x10080] =	vst v63  }
0x9e: {  	s10 =	simm.s32 $0x6080;
	[smem:$0x7CD] =	sst s25;
	s17 =	sadd.s32 $0xD00, s20  }
0x9f: {  	[tilespmem:s10], [sflag:$0x1] =	stream.indirect_vreg.gather [hbm4b:s25+s2], $0x80, v2, vm0, $0xb8;
	[tilespmem:$0x10080] =	vst v63  }
0xa0: {  	s9 =	simm.s32 $0x6880;
	[smem:$0x7CE] =	sst s17;
	s25 =	sadd.s32 $0xE00, s20  }
0xa1: {  	[tilespmem:s9], [sflag:$0x1] =	stream.indirect_vreg.gather [hbm4b:s17+s2], $0x80, v2, vm0, $0xb8;
	[tilespmem:$0x10080] =	vst v63  }
0xa2: {  	s8 =	simm.s32 $0x7080;
	[smem:$0x7CF] =	sst s25;
	s17 =	sadd.s32 $0xF00, s20  }
0xa3: {  	[tilespmem:s8], [sflag:$0x1] =	stream.indirect_vreg.gather [hbm4b:s25+s2], $0x80, v2, vm0, $0xb8;
	[tilespmem:$0x10080] =	vst v63  }
0xa4: {  	s4 =	simm.s32 $0x7880;
	[smem:$0x7D0] =	sst s17  }
0xa5: {  	[tilespmem:s4], [sflag:$0x1] =	stream.indirect_vreg.gather [hbm4b:s17+s2], $0x80, v2, vm0, $0xb8;
	[tilespmem:$0x10080] =	vst v63  }
0xa6: {  	_ =	swait.ge [sflag:s11], $0x8000  }
0xa7: {  	[sflag:s11] =	ssyncset.done $0x0  }
0xa8: {  	s25 =	rddreg [dreg:$0x5];
	[sflag:s11] =	ssyncadd.s32 $0xFFFF8000  }
0xa9: {  	[hbm4b:s25+s2] =	stream.linear.scatter [tilespmem:s29], [sflag:$0x2], $0x8000, $0x38;
	[tilespmem:$0x10080] =	vst v63  }
0xaa: {  	_ =	swait.ge [sflag:s6], $0x8000  }
0xab: {  	[sflag:s6] =	ssyncset.done $0x0  }
0xac: {  	[sflag:s6] =	ssyncadd.s32 $0xFFFF8000  }
0xad: {  	v2 =	vld.msk [tilespmem:$0x0], $0xff;
	_ =	sdelay $0x4  }
0xae: {  	v3 =	vshrl.u32 v2, $0x3  }
0xaf: {  	v3 =	vmul.u32 $0x600, v3  }
0xb0: {  	v2 =	vand.u32 $0x7, v2  }
0xb1: {  	v2 =	vor.u32 v2, v3  }
0xb2: {  	v2 =	vperm.xlane v2, v0;
	_ =	sdelay $0x1  }
0xb3: {  	v2 =	vadd.s32 v1, v2;
	_ =	sdelay $0x4  }
0xb4: {  	[tilespmem:s7], [sflag:$0x1] =	stream.indirect_vreg.gather [hbm4b:s21+s2], $0x80, v2, vm0, $0xb8;
	[tilespmem:$0x10080] =	vst v63  }
0xb5: {  	s0 =	sadd.s32 $0x500, s21;
	s17 =	sadd.s32 $0x100, s21;
	s25 =	simm.s32 $0x8880  }
0xb6: {  	[tilespmem:s25], [sflag:$0x1] =	stream.indirect_vreg.gather [hbm4b:s17+s2], $0x80, v2, vm0, $0xb8;
	[tilespmem:$0x10080] =	vst v63  }
0xb7: {  	[smem:$0x7D1] =	sst s17;
	s17 =	sadd.s32 $0x200, s21;
	s25 =	simm.s32 $0x9080  }
0xb8: {  	[tilespmem:s25], [sflag:$0x1] =	stream.indirect_vreg.gather [hbm4b:s17+s2], $0x80, v2, vm0, $0xb8;
	[tilespmem:$0x10080] =	vst v63  }
0xb9: {  	s26 =	simm.s32 $0x9880;
	[smem:$0x7D5] =	sst s0;
	s25 =	sadd.s32 $0x300, s21  }
0xba: {  	[tilespmem:s26], [sflag:$0x1] =	stream.indirect_vreg.gather [hbm4b:s25+s2], $0x80, v2, vm0, $0xb8;
	[tilespmem:$0x10080] =	vst v63  }
0xbb: {  	s31 =	simm.s32 $0xA080;
	[smem:$0x7D3] =	sst s25;
	s25 =	sadd.s32 $0x400, s21  }
0xbc: {  	[tilespmem:s31], [sflag:$0x1] =	stream.indirect_vreg.gather [hbm4b:s25+s2], $0x80, v2, vm0, $0xb8;
	[tilespmem:$0x10080] =	vst v63  }
0xbd: {  	[smem:$0x7D4] =	sst s25;
	s25 =	simm.s32 $0xA880  }
0xbe: {  	[tilespmem:s25], [sflag:$0x1] =	stream.indirect_vreg.gather [hbm4b:s0+s2], $0x80, v2, vm0, $0xb8;
	[tilespmem:$0x10080] =	vst v63  }
0xbf: {  	[smem:$0x7D2] =	sst s17;
	s0 =	sadd.s32 $0x600, s21;
	s25 =	simm.s32 $0xB080  }
0xc0: {  	[tilespmem:s25], [sflag:$0x1] =	stream.indirect_vreg.gather [hbm4b:s0+s2], $0x80, v2, vm0, $0xb8;
	[tilespmem:$0x10080] =	vst v63  }
0xc1: {  	s30 =	simm.s32 $0xB880;
	[smem:$0x7D6] =	sst s0;
	s25 =	sadd.s32 $0x700, s21  }
0xc2: {  	[tilespmem:s30], [sflag:$0x1] =	stream.indirect_vreg.gather [hbm4b:s25+s2], $0x80, v2, vm0, $0xb8;
	[tilespmem:$0x10080] =	vst v63  }
0xc3: {  	[smem:$0x7D7] =	sst s25;
	s25 =	sadd.s32 $0x800, s21;
	s30 =	simm.s32 $0xC080  }
0xc4: {  	[tilespmem:s30], [sflag:$0x1] =	stream.indirect_vreg.gather [hbm4b:s25+s2], $0x80, v2, vm0, $0xb8;
	[tilespmem:$0x10080] =	vst v63  }
0xc5: {  	[smem:$0x7D8] =	sst s25;
	s25 =	sadd.s32 $0x900, s21;
	s30 =	simm.s32 $0xC880  }
0xc6: {  	[tilespmem:s30], [sflag:$0x1] =	stream.indirect_vreg.gather [hbm4b:s25+s2], $0x80, v2, vm0, $0xb8;
	[tilespmem:$0x10080] =	vst v63  }
0xc7: {  	[smem:$0x7D9] =	sst s25;
	s25 =	sadd.s32 $0xA00, s21;
	s30 =	simm.s32 $0xD080  }
0xc8: {  	[tilespmem:s30], [sflag:$0x1] =	stream.indirect_vreg.gather [hbm4b:s25+s2], $0x80, v2, vm0, $0xb8;
	[tilespmem:$0x10080] =	vst v63  }
0xc9: {  	[smem:$0x7DA] =	sst s25;
	s25 =	sadd.s32 $0xB00, s21;
	s30 =	simm.s32 $0xD880  }
0xca: {  	[tilespmem:s30], [sflag:$0x1] =	stream.indirect_vreg.gather [hbm4b:s25+s2], $0x80, v2, vm0, $0xb8;
	[tilespmem:$0x10080] =	vst v63  }
0xcb: {  	[smem:$0x7DB] =	sst s25;
	s25 =	sadd.s32 $0xC00, s21;
	s30 =	simm.s32 $0xE080  }
0xcc: {  	[tilespmem:s30], [sflag:$0x1] =	stream.indirect_vreg.gather [hbm4b:s25+s2], $0x80, v2, vm0, $0xb8;
	[tilespmem:$0x10080] =	vst v63  }
0xcd: {  	[smem:$0x7DC] =	sst s25;
	s30 =	sadd.s32 $0xD00, s21  }
0xce: {  	s28 =	simm.s32 $0xE880;
	s25 =	sadd.s32 $0xE00, s21;
	[smem:$0x7DD] =	sst s30  }
0xcf: {  	[tilespmem:s28], [sflag:$0x1] =	stream.indirect_vreg.gather [hbm4b:s30+s2], $0x80, v2, vm0, $0xb8;
	[tilespmem:$0x10080] =	vst v63  }
0xd0: {  	s3 =	simm.s32 $0xF080;
	[smem:$0x7DE] =	sst s25;
	s28 =	sadd.s32 $0xF00, s21  }
0xd1: {  	[tilespmem:s3], [sflag:$0x1] =	stream.indirect_vreg.gather [hbm4b:s25+s2], $0x80, v2, vm0, $0xb8;
	[tilespmem:$0x10080] =	vst v63  }
0xd2: {  	s1 =	simm.s32 $0xF880;
	[smem:$0x7DF] =	sst s28  }
0xd3: {  	[tilespmem:s1], [sflag:$0x1] =	stream.indirect_vreg.gather [hbm4b:s28+s2], $0x80, v2, vm0, $0xb8;
	[tilespmem:$0x10080] =	vst v63  }
0xd4: {  	_ =	swait.ge [sflag:s11], $0x8000  }
0xd5: {  	[sflag:s11] =	ssyncset.done $0x0  }
0xd6: {  	s30 =	rddreg [dreg:$0x6];
	[sflag:s11] =	ssyncadd.s32 $0xFFFF8000  }
0xd7: {  	[hbm4b:s30+s2] =	stream.linear.scatter [tilespmem:s7], [sflag:$0x3], $0x8000, $0x38;
	[tilespmem:$0x10080] =	vst v63  }
0xd8: {  	_ =	swait.ge [sflag:s5], $0x8000  }
0xd9: {  	[sflag:s5] =	ssyncset.done $0x0  }
0xda: {  	[sflag:s5] =	ssyncadd.s32 $0xFFFF8000  }
0xdb: {  	v2 =	vld.msk [tilespmem:$0x0], $0xff;
	_ =	sdelay $0x4  }
0xdc: {  	v3 =	vshrl.u32 v2, $0x3  }
0xdd: {  	v3 =	vmul.u32 $0x600, v3  }
0xde: {  	v2 =	vand.u32 $0x7, v2  }
0xdf: {  	v2 =	vor.u32 v2, v3  }
0xe0: {  	v2 =	vperm.xlane v2, v0;
	_ =	sdelay $0x1  }
0xe1: {  	v2 =	vadd.s32 v1, v2;
	_ =	sdelay $0x3  }
0xe2: {  	s24 =	simm.s32 $0x2080;
	s1 =	sadd.s32 $0x100, s22  }
0xe3: {  	[tilespmem:s29], [sflag:$0x1] =	stream.indirect_vreg.gather [hbm4b:s22+s2], $0x80, v2, vm0, $0xb8;
	[tilespmem:$0x10080] =	vst v63  }
0xe4: {  	s3 =	simm.s32 $0x880;
	s7 =	sadd.s32 $0x200, s22;
	[smem:$0x7E0] =	sst s1  }
0xe5: {  	[tilespmem:s3], [sflag:$0x1] =	stream.indirect_vreg.gather [hbm4b:s1+s2], $0x80, v2, vm0, $0xb8;
	[tilespmem:$0x10080] =	vst v63  }
0xe6: {  	s30 =	simm.s32 $0x1080;
	[smem:$0x7E1] =	sst s7;
	s3 =	sadd.s32 $0x300, s22  }
0xe7: {  	[tilespmem:s30], [sflag:$0x1] =	stream.indirect_vreg.gather [hbm4b:s7+s2], $0x80, v2, vm0, $0xb8;
	[tilespmem:$0x10080] =	vst v63  }
0xe8: {  	s1 =	sadd.s32 $0x500, s22;
	[smem:$0x7E2] =	sst s3;
	s7 =	simm.s32 $0x1880  }
0xe9: {  	[tilespmem:s7], [sflag:$0x1] =	stream.indirect_vreg.gather [hbm4b:s3+s2], $0x80, v2, vm0, $0xb8;
	[tilespmem:$0x10080] =	vst v63  }
0xea: {  	s18 =	simm.s32 $0x2880;
	[smem:$0x7E4] =	sst s1;
	s30 =	sadd.s32 $0x400, s22  }
0xeb: {  	[tilespmem:s24], [sflag:$0x1] =	stream.indirect_vreg.gather [hbm4b:s30+s2], $0x80, v2, vm0, $0xb8;
	[tilespmem:$0x10080] =	vst v63  }
0xec: {  	s15 =	simm.s32 $0x3080;
	[smem:$0x7E3] =	sst s30;
	s3 =	sadd.s32 $0x600, s22  }
0xed: {  	[tilespmem:s18], [sflag:$0x1] =	stream.indirect_vreg.gather [hbm4b:s1+s2], $0x80, v2, vm0, $0xb8;
	[tilespmem:$0x10080] =	vst v63  }
0xee: {  	s13 =	simm.s32 $0x3880;
	s7 =	sadd.s32 $0x700, s22;
	[smem:$0x7E5] =	sst s3  }
0xef: {  	[tilespmem:s15], [sflag:$0x1] =	stream.indirect_vreg.gather [hbm4b:s3+s2], $0x80, v2, vm0, $0xb8;
	[tilespmem:$0x10080] =	vst v63  }
0xf0: {  	s16 =	simm.s32 $0x4080;
	[smem:$0x7E6] =	sst s7;
	s24 =	sadd.s32 $0xA00, s22  }
0xf1: {  	[tilespmem:s13], [sflag:$0x1] =	stream.indirect_vreg.gather [hbm4b:s7+s2], $0x80, v2, vm0, $0xb8;
	[tilespmem:$0x10080] =	vst v63  }
0xf2: {  	[smem:$0x7E9] =	sst s24;
	s18 =	sadd.s32 $0x900, s22;
	s15 =	sadd.s32 $0x800, s22  }
0xf3: {  	[tilespmem:s16], [sflag:$0x1] =	stream.indirect_vreg.gather [hbm4b:s15+s2], $0x80, v2, vm0, $0xb8;
	[tilespmem:$0x10080] =	vst v63  }
0xf4: {  	s14 =	simm.s32 $0x4880;
	s1 =	sadd.s32 $0xB00, s22;
	[smem:$0x7E8] =	sst s18  }
0xf5: {  	[tilespmem:s14], [sflag:$0x1] =	stream.indirect_vreg.gather [hbm4b:s18+s2], $0x80, v2, vm0, $0xb8;
	[tilespmem:$0x10080] =	vst v63  }
0xf6: {  	s30 =	simm.s32 $0x5080;
	[smem:$0x7EA] =	sst s1  }
0xf7: {  	[tilespmem:s30], [sflag:$0x1] =	stream.indirect_vreg.gather [hbm4b:s24+s2], $0x80, v2, vm0, $0xb8;
	[tilespmem:$0x10080] =	vst v63  }
0xf8: {  	s12 =	simm.s32 $0x5880;
	s3 =	sadd.s32 $0xC00, s22;
	[smem:$0x7E7] =	sst s15  }
0xf9: {  	[tilespmem:s12], [sflag:$0x1] =	stream.indirect_vreg.gather [hbm4b:s1+s2], $0x80, v2, vm0, $0xb8;
	[tilespmem:$0x10080] =	vst v63  }
0xfa: {  	s10 =	simm.s32 $0x6080;
	[smem:$0x7EB] =	sst s3;
	s7 =	sadd.s32 $0xD00, s22  }
0xfb: {  	[tilespmem:s10], [sflag:$0x1] =	stream.indirect_vreg.gather [hbm4b:s3+s2], $0x80, v2, vm0, $0xb8;
	[tilespmem:$0x10080] =	vst v63  }
0xfc: {  	s9 =	simm.s32 $0x6880;
	[smem:$0x7EC] =	sst s7;
	s12 =	sadd.s32 $0xF00, s22  }
0xfd: {  	[tilespmem:s9], [sflag:$0x1] =	stream.indirect_vreg.gather [hbm4b:s7+s2], $0x80, v2, vm0, $0xb8;
	[tilespmem:$0x10080] =	vst v63  }
0xfe: {  	s8 =	simm.s32 $0x7080;
	[smem:$0x7EE] =	sst s12;
	s10 =	sadd.s32 $0xE00, s22  }
0xff: {  	[tilespmem:s8], [sflag:$0x1] =	stream.indirect_vreg.gather [hbm4b:s10+s2], $0x80, v2, vm0, $0xb8;
	[tilespmem:$0x10080] =	vst v63  }
0x100: {  	s4 =	simm.s32 $0x7880;
	[smem:$0x7ED] =	sst s10  }
0x101: {  	[tilespmem:s4], [sflag:$0x1] =	stream.indirect_vreg.gather [hbm4b:s12+s2], $0x80, v2, vm0, $0xb8;
	[tilespmem:$0x10080] =	vst v63  }
0x102: {  	_ =	swait.ge [sflag:s11], $0x8000  }
0x103: {  	[sflag:s11] =	ssyncset.done $0x0  }
0x104: {  	s13 =	rddreg [dreg:$0x7];
	[sflag:s11] =	ssyncadd.s32 $0xFFFF8000  }
0x105: {  	[hbm4b:s13+s2] =	stream.linear.scatter [tilespmem:s29], [sflag:$0x2], $0x8000, $0x38;
	[tilespmem:$0x10080] =	vst v63  }
0x106: {  	_ =	swait.ge [sflag:s6], $0x8000  }
0x107: {  	[sflag:s6] =	ssyncset.done $0x0  }
0x108: {  	[sflag:s6] =	ssyncadd.s32 $0xFFFF8000  }
0x109: {  	v2 =	vld.msk [tilespmem:$0x0], $0xff;
	_ =	sdelay $0x4  }
0x10a: {  	v3 =	vshrl.u32 v2, $0x3  }
0x10b: {  	v3 =	vmul.u32 $0x600, v3  }
0x10c: {  	v2 =	vand.u32 $0x7, v2  }
0x10d: {  	v2 =	vor.u32 v2, v3  }
0x10e: {  	v2 =	vperm.xlane v2, v0;
	_ =	sdelay $0x1  }
0x10f: {  	v2 =	vadd.s32 v1, v2;
	_ =	sdelay $0x3  }
0x110: {  	s17 =	simm.s32 $0x9080;
	s0 =	simm.s32 $0x8080;
	s14 =	sadd.s32 $0x100, s23  }
0x111: {  	[tilespmem:s0], [sflag:$0x1] =	stream.indirect_vreg.gather [hbm4b:s23+s2], $0x80, v2, vm0, $0xb8;
	[tilespmem:$0x10080] =	vst v63  }
0x112: {  	s15 =	simm.s32 $0x8880;
	s16 =	sadd.s32 $0x200, s23;
	[smem:$0x7EF] =	sst s14  }
0x113: {  	[tilespmem:s15], [sflag:$0x1] =	stream.indirect_vreg.gather [hbm4b:s14+s2], $0x80, v2, vm0, $0xb8;
	[tilespmem:$0x10080] =	vst v63  }
0x114: {  	s26 =	simm.s32 $0x9880;
	s18 =	sadd.s32 $0x300, s23;
	[smem:$0x7F0] =	sst s16  }
0x115: {  	[tilespmem:s17], [sflag:$0x1] =	stream.indirect_vreg.gather [hbm4b:s16+s2], $0x80, v2, vm0, $0xb8;
	[tilespmem:$0x10080] =	vst v63  }
0x116: {  	s31 =	simm.s32 $0xA080;
	s24 =	sadd.s32 $0x400, s23;
	[smem:$0x7F1] =	sst s18  }
0x117: {  	[tilespmem:s26], [sflag:$0x1] =	stream.indirect_vreg.gather [hbm4b:s18+s2], $0x80, v2, vm0, $0xb8;
	[tilespmem:$0x10080] =	vst v63  }
0x118: {  	s30 =	sadd.s32 $0x600, s23;
	s3 =	sadd.s32 $0x700, s23;
	[smem:$0x7F2] =	sst s24  }
0x119: {  	[tilespmem:s31], [sflag:$0x1] =	stream.indirect_vreg.gather [hbm4b:s24+s2], $0x80, v2, vm0, $0xb8;
	[tilespmem:$0x10080] =	vst v63  }
0x11a: {  	s29 =	simm.s32 $0xA880;
	[smem:$0x7F4] =	sst s30;
	s26 =	sadd.s32 $0x500, s23  }
0x11b: {  	[tilespmem:s29], [sflag:$0x1] =	stream.indirect_vreg.gather [hbm4b:s26+s2], $0x80, v2, vm0, $0xb8;
	[tilespmem:$0x10080] =	vst v63  }
0x11c: {  	s7 =	sadd.s32 $0x800, s23;
	[smem:$0x7F5] =	sst s3;
	s31 =	simm.s32 $0xB080  }
0x11d: {  	[tilespmem:s31], [sflag:$0x1] =	stream.indirect_vreg.gather [hbm4b:s30+s2], $0x80, v2, vm0, $0xb8;
	[tilespmem:$0x10080] =	vst v63  }
0x11e: {  	s9 =	sadd.s32 $0x900, s23;
	s4 =	simm.s32 $0xB880;
	[smem:$0x7F6] =	sst s7  }
0x11f: {  	[tilespmem:s4], [sflag:$0x1] =	stream.indirect_vreg.gather [hbm4b:s3+s2], $0x80, v2, vm0, $0xb8;
	[tilespmem:$0x10080] =	vst v63  }
0x120: {  	s8 =	simm.s32 $0xC080;
	s12 =	sadd.s32 $0xA00, s23;
	[smem:$0x7F7] =	sst s9  }
0x121: {  	[tilespmem:s8], [sflag:$0x1] =	stream.indirect_vreg.gather [hbm4b:s7+s2], $0x80, v2, vm0, $0xb8;
	[tilespmem:$0x10080] =	vst v63  }
0x122: {  	s10 =	simm.s32 $0xC880;
	[smem:$0x7F8] =	sst s12;
	s14 =	sadd.s32 $0xB00, s23  }
0x123: {  	[tilespmem:s10], [sflag:$0x1] =	stream.indirect_vreg.gather [hbm4b:s9+s2], $0x80, v2, vm0, $0xb8;
	[tilespmem:$0x10080] =	vst v63  }
0x124: {  	s13 =	simm.s32 $0xD080;
	[smem:$0x7F9] =	sst s14;
	s16 =	sadd.s32 $0xC00, s23  }
0x125: {  	[tilespmem:s13], [sflag:$0x1] =	stream.indirect_vreg.gather [hbm4b:s12+s2], $0x80, v2, vm0, $0xb8;
	[tilespmem:$0x10080] =	vst v63  }
0x126: {  	s15 =	simm.s32 $0xD880;
	[smem:$0x7FA] =	sst s16  }
0x127: {  	[tilespmem:s15], [sflag:$0x1] =	stream.indirect_vreg.gather [hbm4b:s14+s2], $0x80, v2, vm0, $0xb8;
	[tilespmem:$0x10080] =	vst v63  }
0x128: {  	s17 =	simm.s32 $0xE080;
	s18 =	sadd.s32 $0xD00, s23;
	[smem:$0x7F3] =	sst s26  }
0x129: {  	[tilespmem:s17], [sflag:$0x1] =	stream.indirect_vreg.gather [hbm4b:s16+s2], $0x80, v2, vm0, $0xb8;
	[tilespmem:$0x10080] =	vst v63  }
0x12a: {  	[smem:$0x7FB] =	sst s18;
	s24 =	sadd.s32 $0xE00, s23;
	s15 =	simm.s32 $0xE880  }
0x12b: {  	[tilespmem:s15], [sflag:$0x1] =	stream.indirect_vreg.gather [hbm4b:s18+s2], $0x80, v2, vm0, $0xb8;
	[tilespmem:$0x10080] =	vst v63  }
0x12c: {  	s25 =	simm.s32 $0xF080;
	[smem:$0x7FC] =	sst s24;
	s26 =	sadd.s32 $0xF00, s23  }
0x12d: {  	[tilespmem:s25], [sflag:$0x1] =	stream.indirect_vreg.gather [hbm4b:s24+s2], $0x80, v2, vm0, $0xb8;
	[tilespmem:$0x10080] =	vst v63  }
0x12e: {  	s28 =	simm.s32 $0xF880;
	[smem:$0x7FD] =	sst s26  }
0x12f: {  	[tilespmem:s28], [sflag:$0x1] =	stream.indirect_vreg.gather [hbm4b:s26+s2], $0x80, v2, vm0, $0xb8;
	[tilespmem:$0x10080] =	vst v63  }
0x130: {  	_ =	swait.ge [sflag:s11], $0x8000  }
0x131: {  	[sflag:s11] =	ssyncset.done $0x0  }
0x132: {  	s28 =	rddreg [dreg:$0x8];
	[sflag:s11] =	ssyncadd.s32 $0xFFFF8000  }
0x133: {  	[hbm4b:s28+s2] =	stream.linear.scatter [tilespmem:s0], [sflag:$0x3], $0x8000, $0x38;
	[tilespmem:$0x10080] =	vst v63  }
0x134: {  	_ =	swait.ge [sflag:s5], $0x8000  }
0x135: {  	[sflag:s5] =	ssyncset.done $0x0  }
0x136: {  	[sflag:s5] =	ssyncadd.s32 $0xFFFF8000  }
0x137: {  	v2 =	vld.msk [tilespmem:$0x8], $0xff;
	_ =	sdelay $0x4  }
0x138: {  	v3 =	vshrl.u32 v2, $0x3  }
0x139: {  	v3 =	vmul.u32 $0x600, v3  }
0x13a: {  	v2 =	vand.u32 $0x7, v2  }
0x13b: {  	v2 =	vor.u32 v2, v3  }
0x13c: {  	v2 =	vperm.xlane v2, v0;
	_ =	sdelay $0x1  }
0x13d: {  	v2 =	vadd.s32 v1, v2;
	_ =	sdelay $0x3  }
0x13e: {  	s14 =	simm.s32 $0x80;
	s29 =	rddreg [dreg:$0xf]  }
0x13f: {  	[tilespmem:s14], [sflag:$0x1] =	stream.indirect_vreg.gather [hbm4b:s29+s2], $0x80, v2, vm0, $0xb8;
	[tilespmem:$0x10080] =	vst v63  }
0x140: {  	s31 =	simm.s32 $0x880;
	s30 =	rddreg [dreg:$0x10]  }
0x141: {  	[tilespmem:s31], [sflag:$0x1] =	stream.indirect_vreg.gather [hbm4b:s30+s2], $0x80, v2, vm0, $0xb8;
	[tilespmem:$0x10080] =	vst v63  }
0x142: {  	s16 =	simm.s32 $0x1080;
	s1 =	rddreg [dreg:$0x11]  }
0x143: {  	[tilespmem:s16], [sflag:$0x1] =	stream.indirect_vreg.gather [hbm4b:s1+s2], $0x80, v2, vm0, $0xb8;
	[tilespmem:$0x10080] =	vst v63  }
0x144: {  	s10 =	simm.s32 $0x1880;
	s3 =	rddreg [dreg:$0x12]  }
0x145: {  	[tilespmem:s10], [sflag:$0x1] =	stream.indirect_vreg.gather [hbm4b:s3+s2], $0x80, v2, vm0, $0xb8;
	[tilespmem:$0x10080] =	vst v63  }
0x146: {  	s9 =	simm.s32 $0x2080;
	s4 =	rddreg [dreg:$0x13]  }
0x147: {  	[tilespmem:s9], [sflag:$0x1] =	stream.indirect_vreg.gather [hbm4b:s4+s2], $0x80, v2, vm0, $0xb8;
	[tilespmem:$0x10080] =	vst v63  }
0x148: {  	s8 =	simm.s32 $0x2880;
	s7 =	rddreg [dreg:$0x14]  }
0x149: {  	[tilespmem:s8], [sflag:$0x1] =	stream.indirect_vreg.gather [hbm4b:s7+s2], $0x80, v2, vm0, $0xb8;
	[tilespmem:$0x10080] =	vst v63  }
0x14a: {  	s12 =	rddreg [dreg:$0x15];
	s4 =	simm.s32 $0x3080  }
0x14b: {  	[tilespmem:s4], [sflag:$0x1] =	stream.indirect_vreg.gather [hbm4b:s12+s2], $0x80, v2, vm0, $0xb8;
	[tilespmem:$0x10080] =	vst v63  }
0x14c: {  	s13 =	simm.s32 $0x3880;
	s17 =	rddreg [dreg:$0x16]  }
0x14d: {  	[tilespmem:s13], [sflag:$0x1] =	stream.indirect_vreg.gather [hbm4b:s17+s2], $0x80, v2, vm0, $0xb8;
	[tilespmem:$0x10080] =	vst v63  }
0x14e: {  	s18 =	rddreg [dreg:$0x17];
	s17 =	simm.s32 $0x4080  }
0x14f: {  	[tilespmem:s17], [sflag:$0x1] =	stream.indirect_vreg.gather [hbm4b:s18+s2], $0x80, v2, vm0, $0xb8;
	[tilespmem:$0x10080] =	vst v63  }
0x150: {  	s24 =	rddreg [dreg:$0x18];
	s18 =	simm.s32 $0x4880  }
0x151: {  	[tilespmem:s18], [sflag:$0x1] =	stream.indirect_vreg.gather [hbm4b:s24+s2], $0x80, v2, vm0, $0xb8;
	[tilespmem:$0x10080] =	vst v63  }
0x152: {  	s25 =	rddreg [dreg:$0x19];
	s24 =	simm.s32 $0x5080  }
0x153: {  	[tilespmem:s24], [sflag:$0x1] =	stream.indirect_vreg.gather [hbm4b:s25+s2], $0x80, v2, vm0, $0xb8;
	[tilespmem:$0x10080] =	vst v63  }
0x154: {  	s26 =	rddreg [dreg:$0x1a];
	s1 =	simm.s32 $0x5880  }
0x155: {  	[tilespmem:s1], [sflag:$0x1] =	stream.indirect_vreg.gather [hbm4b:s26+s2], $0x80, v2, vm0, $0xb8;
	[tilespmem:$0x10080] =	vst v63  }
0x156: {  	s28 =	rddreg [dreg:$0x1b];
	s3 =	simm.s32 $0x6080  }
0x157: {  	[tilespmem:s3], [sflag:$0x1] =	stream.indirect_vreg.gather [hbm4b:s28+s2], $0x80, v2, vm0, $0xb8;
	[tilespmem:$0x10080] =	vst v63  }
0x158: {  	s29 =	rddreg [dreg:$0x1c];
	s7 =	simm.s32 $0x6880  }
0x159: {  	[tilespmem:s7], [sflag:$0x1] =	stream.indirect_vreg.gather [hbm4b:s29+s2], $0x80, v2, vm0, $0xb8;
	[tilespmem:$0x10080] =	vst v63  }
0x15a: {  	s30 =	rddreg [dreg:$0x1d];
	s12 =	simm.s32 $0x7080  }
0x15b: {  	[tilespmem:s12], [sflag:$0x1] =	stream.indirect_vreg.gather [hbm4b:s30+s2], $0x80, v2, vm0, $0xb8;
	[tilespmem:$0x10080] =	vst v63  }
0x15c: {  	s0 =	rddreg [dreg:$0x1e];
	s13 =	simm.s32 $0x7880  }
0x15d: {  	[tilespmem:s13], [sflag:$0x1] =	stream.indirect_vreg.gather [hbm4b:s0+s2], $0x80, v2, vm0, $0xb8;
	[tilespmem:$0x10080] =	vst v63  }
0x15e: {  	_ =	swait.ge [sflag:s11], $0x8000  }
0x15f: {  	[sflag:s11] =	ssyncset.done $0x0  }
0x160: {  	s26 =	rddreg [dreg:$0x9];
	[sflag:s11] =	ssyncadd.s32 $0xFFFF8000  }
0x161: {  	[hbm4b:s26+s2] =	stream.linear.scatter [tilespmem:s14], [sflag:$0x2], $0x8000, $0x38;
	[tilespmem:$0x10080] =	vst v63  }
0x162: {  	_ =	swait.ge [sflag:s6], $0x8000  }
0x163: {  	[sflag:s6] =	ssyncset.done $0x0  }
0x164: {  	[sflag:s6] =	ssyncadd.s32 $0xFFFF8000  }
0x165: {  	v2 =	vld.msk [tilespmem:$0x8], $0xff;
	_ =	sdelay $0x4  }
0x166: {  	v3 =	vshrl.u32 v2, $0x3  }
0x167: {  	v3 =	vmul.u32 $0x600, v3  }
0x168: {  	v2 =	vand.u32 $0x7, v2  }
0x169: {  	v2 =	vor.u32 v2, v3  }
0x16a: {  	v2 =	vperm.xlane v2, v0;
	_ =	sdelay $0x1  }
0x16b: {  	v2 =	vadd.s32 v1, v2;
	_ =	sdelay $0x3  }
0x16c: {  	s0 =	simm.s32 $0x8080;
	s28 =	sld [smem:$0x7B3]  }
0x16d: {  	[tilespmem:s0], [sflag:$0x1] =	stream.indirect_vreg.gather [hbm4b:s19+s2], $0x80, v2, vm0, $0xb8;
	[tilespmem:$0x10080] =	vst v63  }
0x16e: {  	s14 =	simm.s32 $0x8880;
	s29 =	sld [smem:$0x7B4]  }
0x16f: {  	[tilespmem:s14], [sflag:$0x1] =	stream.indirect_vreg.gather [hbm4b:s28+s2], $0x80, v2, vm0, $0xb8;
	[tilespmem:$0x10080] =	vst v63  }
0x170: {  	s25 =	simm.s32 $0x9080;
	s30 =	sld [smem:$0x7B5]  }
0x171: {  	[tilespmem:s25], [sflag:$0x1] =	stream.indirect_vreg.gather [hbm4b:s29+s2], $0x80, v2, vm0, $0xb8;
	[tilespmem:$0x10080] =	vst v63  }
0x172: {  	s26 =	simm.s32 $0x9880;
	s29 =	sld [smem:$0x7B6]  }
0x173: {  	[tilespmem:s26], [sflag:$0x1] =	stream.indirect_vreg.gather [hbm4b:s30+s2], $0x80, v2, vm0, $0xb8;
	[tilespmem:$0x10080] =	vst v63  }
0x174: {  	s28 =	simm.s32 $0xA080;
	s30 =	sld [smem:$0x7B7]  }
0x175: {  	[tilespmem:s28], [sflag:$0x1] =	stream.indirect_vreg.gather [hbm4b:s29+s2], $0x80, v2, vm0, $0xb8;
	[tilespmem:$0x10080] =	vst v63  }
0x176: {  	s29 =	simm.s32 $0xA880  }
0x177: {  	[tilespmem:s29], [sflag:$0x1] =	stream.indirect_vreg.gather [hbm4b:s30+s2], $0x80, v2, vm0, $0xb8;
	[tilespmem:$0x10080] =	vst v63  }
0x178: {  	s30 =	sld [smem:$0x7B8];
	_ =	sdelay $0x1  }
0x179: {  	s29 =	simm.s32 $0xB080  }
0x17a: {  	[tilespmem:s29], [sflag:$0x1] =	stream.indirect_vreg.gather [hbm4b:s30+s2], $0x80, v2, vm0, $0xb8;
	[tilespmem:$0x10080] =	vst v63  }
0x17b: {  	s30 =	sld [smem:$0x7B9];
	_ =	sdelay $0x1  }
0x17c: {  	s29 =	simm.s32 $0xB880  }
0x17d: {  	[tilespmem:s29], [sflag:$0x1] =	stream.indirect_vreg.gather [hbm4b:s30+s2], $0x80, v2, vm0, $0xb8;
	[tilespmem:$0x10080] =	vst v63  }
0x17e: {  	s30 =	sld [smem:$0x7BA];
	_ =	sdelay $0x1  }
0x17f: {  	s29 =	simm.s32 $0xC080  }
0x180: {  	[tilespmem:s29], [sflag:$0x1] =	stream.indirect_vreg.gather [hbm4b:s30+s2], $0x80, v2, vm0, $0xb8;
	[tilespmem:$0x10080] =	vst v63  }
0x181: {  	s30 =	sld [smem:$0x7BB];
	_ =	sdelay $0x1  }
0x182: {  	s29 =	simm.s32 $0xC880  }
0x183: {  	[tilespmem:s29], [sflag:$0x1] =	stream.indirect_vreg.gather [hbm4b:s30+s2], $0x80, v2, vm0, $0xb8;
	[tilespmem:$0x10080] =	vst v63  }
0x184: {  	s30 =	sld [smem:$0x7BC];
	_ =	sdelay $0x1  }
0x185: {  	s29 =	simm.s32 $0xD080  }
0x186: {  	[tilespmem:s29], [sflag:$0x1] =	stream.indirect_vreg.gather [hbm4b:s30+s2], $0x80, v2, vm0, $0xb8;
	[tilespmem:$0x10080] =	vst v63  }
0x187: {  	s30 =	sld [smem:$0x7BD];
	_ =	sdelay $0x1  }
0x188: {  	s29 =	simm.s32 $0xD880  }
0x189: {  	[tilespmem:s29], [sflag:$0x1] =	stream.indirect_vreg.gather [hbm4b:s30+s2], $0x80, v2, vm0, $0xb8;
	[tilespmem:$0x10080] =	vst v63  }
0x18a: {  	s30 =	sld [smem:$0x7BE];
	_ =	sdelay $0x1  }
0x18b: {  	s29 =	simm.s32 $0xE080  }
0x18c: {  	[tilespmem:s29], [sflag:$0x1] =	stream.indirect_vreg.gather [hbm4b:s30+s2], $0x80, v2, vm0, $0xb8;
	[tilespmem:$0x10080] =	vst v63  }
0x18d: {  	s30 =	sld [smem:$0x7BF];
	_ =	sdelay $0x2  }
0x18e: {  	[tilespmem:s15], [sflag:$0x1] =	stream.indirect_vreg.gather [hbm4b:s30+s2], $0x80, v2, vm0, $0xb8;
	[tilespmem:$0x10080] =	vst v63  }
0x18f: {  	s30 =	sld [smem:$0x7C0];
	_ =	sdelay $0x1  }
0x190: {  	s15 =	simm.s32 $0xF080  }
0x191: {  	[tilespmem:s15], [sflag:$0x1] =	stream.indirect_vreg.gather [hbm4b:s30+s2], $0x80, v2, vm0, $0xb8;
	[tilespmem:$0x10080] =	vst v63  }
0x192: {  	s30 =	sld [smem:$0x7C1];
	_ =	sdelay $0x1  }
0x193: {  	s29 =	simm.s32 $0xF880  }
0x194: {  	[tilespmem:s29], [sflag:$0x1] =	stream.indirect_vreg.gather [hbm4b:s30+s2], $0x80, v2, vm0, $0xb8;
	[tilespmem:$0x10080] =	vst v63  }
0x195: {  	_ =	swait.ge [sflag:s11], $0x8000  }
0x196: {  	[sflag:s11] =	ssyncset.done $0x0  }
0x197: {  	s30 =	rddreg [dreg:$0xa];
	[sflag:s11] =	ssyncadd.s32 $0xFFFF8000  }
0x198: {  	[hbm4b:s30+s2] =	stream.linear.scatter [tilespmem:s0], [sflag:$0x3], $0x8000, $0x38;
	[tilespmem:$0x10080] =	vst v63  }
0x199: {  	_ =	swait.ge [sflag:s5], $0x8000  }
0x19a: {  	[sflag:s5] =	ssyncset.done $0x0  }
0x19b: {  	[sflag:s5] =	ssyncadd.s32 $0xFFFF8000  }
0x19c: {  	v2 =	vld.msk [tilespmem:$0x8], $0xff;
	_ =	sdelay $0x4  }
0x19d: {  	v3 =	vshrl.u32 v2, $0x3  }
0x19e: {  	v3 =	vmul.u32 $0x600, v3  }
0x19f: {  	v2 =	vand.u32 $0x7, v2  }
0x1a0: {  	v2 =	vor.u32 v2, v3  }
0x1a1: {  	v2 =	vperm.xlane v2, v0;
	_ =	sdelay $0x1  }
0x1a2: {  	v2 =	vadd.s32 v1, v2;
	_ =	sdelay $0x3  }
0x1a3: {  	s0 =	simm.s32 $0x80;
	s30 =	sld [smem:$0x7C2]  }
0x1a4: {  	[tilespmem:s0], [sflag:$0x1] =	stream.indirect_vreg.gather [hbm4b:s20+s2], $0x80, v2, vm0, $0xb8;
	[tilespmem:$0x10080] =	vst v63  }
0x1a5: {  	_ = 	snop  }
0x1a6: {  	[tilespmem:s31], [sflag:$0x1] =	stream.indirect_vreg.gather [hbm4b:s30+s2], $0x80, v2, vm0, $0xb8;
	[tilespmem:$0x10080] =	vst v63  }
0x1a7: {  	s30 =	sld [smem:$0x7C3];
	_ =	sdelay $0x2  }
0x1a8: {  	[tilespmem:s16], [sflag:$0x1] =	stream.indirect_vreg.gather [hbm4b:s30+s2], $0x80, v2, vm0, $0xb8;
	[tilespmem:$0x10080] =	vst v63  }
0x1a9: {  	s30 =	sld [smem:$0x7C4];
	_ =	sdelay $0x2  }
0x1aa: {  	[tilespmem:s10], [sflag:$0x1] =	stream.indirect_vreg.gather [hbm4b:s30+s2], $0x80, v2, vm0, $0xb8;
	[tilespmem:$0x10080] =	vst v63  }
0x1ab: {  	s30 =	sld [smem:$0x7C5];
	_ =	sdelay $0x2  }
0x1ac: {  	[tilespmem:s9], [sflag:$0x1] =	stream.indirect_vreg.gather [hbm4b:s30+s2], $0x80, v2, vm0, $0xb8;
	[tilespmem:$0x10080] =	vst v63  }
0x1ad: {  	s30 =	sld [smem:$0x7C6];
	_ =	sdelay $0x2  }
0x1ae: {  	[tilespmem:s8], [sflag:$0x1] =	stream.indirect_vreg.gather [hbm4b:s30+s2], $0x80, v2, vm0, $0xb8;
	[tilespmem:$0x10080] =	vst v63  }
0x1af: {  	s30 =	sld [smem:$0x7C7];
	_ =	sdelay $0x2  }
0x1b0: {  	[tilespmem:s4], [sflag:$0x1] =	stream.indirect_vreg.gather [hbm4b:s30+s2], $0x80, v2, vm0, $0xb8;
	[tilespmem:$0x10080] =	vst v63  }
0x1b1: {  	s30 =	sld [smem:$0x7C8];
	_ =	sdelay $0x1  }
0x1b2: {  	s4 =	simm.s32 $0x3880  }
0x1b3: {  	[tilespmem:s4], [sflag:$0x1] =	stream.indirect_vreg.gather [hbm4b:s30+s2], $0x80, v2, vm0, $0xb8;
	[tilespmem:$0x10080] =	vst v63  }
0x1b4: {  	s4 =	sld [smem:$0x7C9];
	_ =	sdelay $0x2  }
0x1b5: {  	[tilespmem:s17], [sflag:$0x1] =	stream.indirect_vreg.gather [hbm4b:s4+s2], $0x80, v2, vm0, $0xb8;
	[tilespmem:$0x10080] =	vst v63  }
0x1b6: {  	s4 =	sld [smem:$0x7CA];
	_ =	sdelay $0x2  }
0x1b7: {  	[tilespmem:s18], [sflag:$0x1] =	stream.indirect_vreg.gather [hbm4b:s4+s2], $0x80, v2, vm0, $0xb8;
	[tilespmem:$0x10080] =	vst v63  }
0x1b8: {  	s4 =	sld [smem:$0x7CB];
	_ =	sdelay $0x2  }
0x1b9: {  	[tilespmem:s24], [sflag:$0x1] =	stream.indirect_vreg.gather [hbm4b:s4+s2], $0x80, v2, vm0, $0xb8;
	[tilespmem:$0x10080] =	vst v63  }
0x1ba: {  	s4 =	sld [smem:$0x7CC];
	_ =	sdelay $0x2  }
0x1bb: {  	[tilespmem:s1], [sflag:$0x1] =	stream.indirect_vreg.gather [hbm4b:s4+s2], $0x80, v2, vm0, $0xb8;
	[tilespmem:$0x10080] =	vst v63  }
0x1bc: {  	s4 =	sld [smem:$0x7CD];
	_ =	sdelay $0x1  }
0x1bd: {  	s1 =	sld [smem:$0x7CE]  }
0x1be: {  	[tilespmem:s3], [sflag:$0x1] =	stream.indirect_vreg.gather [hbm4b:s4+s2], $0x80, v2, vm0, $0xb8;
	[tilespmem:$0x10080] =	vst v63  }
0x1bf: {  	s4 =	sld [smem:$0x7CF]  }
0x1c0: {  	[tilespmem:s7], [sflag:$0x1] =	stream.indirect_vreg.gather [hbm4b:s1+s2], $0x80, v2, vm0, $0xb8;
	[tilespmem:$0x10080] =	vst v63  }
0x1c1: {  	s1 =	sld [smem:$0x7D0]  }
0x1c2: {  	[tilespmem:s12], [sflag:$0x1] =	stream.indirect_vreg.gather [hbm4b:s4+s2], $0x80, v2, vm0, $0xb8;
	[tilespmem:$0x10080] =	vst v63  }
0x1c3: {  	_ = 	snop  }
0x1c4: {  	[tilespmem:s13], [sflag:$0x1] =	stream.indirect_vreg.gather [hbm4b:s1+s2], $0x80, v2, vm0, $0xb8;
	[tilespmem:$0x10080] =	vst v63  }
0x1c5: {  	_ =	swait.ge [sflag:s11], $0x8000  }
0x1c6: {  	[sflag:s11] =	ssyncset.done $0x0  }
0x1c7: {  	s4 =	rddreg [dreg:$0xb];
	[sflag:s11] =	ssyncadd.s32 $0xFFFF8000  }
0x1c8: {  	[hbm4b:s4+s2] =	stream.linear.scatter [tilespmem:s0], [sflag:$0x2], $0x8000, $0x38;
	[tilespmem:$0x10080] =	vst v63  }
0x1c9: {  	_ =	swait.ge [sflag:s6], $0x8000  }
0x1ca: {  	[sflag:s6] =	ssyncset.done $0x0  }
0x1cb: {  	[sflag:s6] =	ssyncadd.s32 $0xFFFF8000  }
0x1cc: {  	v2 =	vld.msk [tilespmem:$0x8], $0xff;
	_ =	sdelay $0x4  }
0x1cd: {  	v3 =	vshrl.u32 v2, $0x3  }
0x1ce: {  	v3 =	vmul.u32 $0x600, v3  }
0x1cf: {  	v2 =	vand.u32 $0x7, v2  }
0x1d0: {  	v2 =	vor.u32 v2, v3  }
0x1d1: {  	v2 =	vperm.xlane v2, v0;
	_ =	sdelay $0x1  }
0x1d2: {  	v2 =	vadd.s32 v1, v2;
	_ =	sdelay $0x3  }
0x1d3: {  	s1 =	simm.s32 $0x8080;
	s0 =	sld [smem:$0x7D1]  }
0x1d4: {  	[tilespmem:s1], [sflag:$0x1] =	stream.indirect_vreg.gather [hbm4b:s21+s2], $0x80, v2, vm0, $0xb8;
	[tilespmem:$0x10080] =	vst v63  }
0x1d5: {  	_ = 	snop  }
0x1d6: {  	[tilespmem:s14], [sflag:$0x1] =	stream.indirect_vreg.gather [hbm4b:s0+s2], $0x80, v2, vm0, $0xb8;
	[tilespmem:$0x10080] =	vst v63  }
0x1d7: {  	s0 =	sld [smem:$0x7D2];
	_ =	sdelay $0x2  }
0x1d8: {  	[tilespmem:s25], [sflag:$0x1] =	stream.indirect_vreg.gather [hbm4b:s0+s2], $0x80, v2, vm0, $0xb8;
	[tilespmem:$0x10080] =	vst v63  }
0x1d9: {  	s0 =	sld [smem:$0x7D3];
	_ =	sdelay $0x2  }
0x1da: {  	[tilespmem:s26], [sflag:$0x1] =	stream.indirect_vreg.gather [hbm4b:s0+s2], $0x80, v2, vm0, $0xb8;
	[tilespmem:$0x10080] =	vst v63  }
0x1db: {  	s0 =	sld [smem:$0x7D4];
	_ =	sdelay $0x1  }
0x1dc: {  	s30 =	sld [smem:$0x7D5]  }
0x1dd: {  	[tilespmem:s28], [sflag:$0x1] =	stream.indirect_vreg.gather [hbm4b:s0+s2], $0x80, v2, vm0, $0xb8;
	[tilespmem:$0x10080] =	vst v63  }
0x1de: {  	s0 =	simm.s32 $0xA880  }
0x1df: {  	[tilespmem:s0], [sflag:$0x1] =	stream.indirect_vreg.gather [hbm4b:s30+s2], $0x80, v2, vm0, $0xb8;
	[tilespmem:$0x10080] =	vst v63  }
0x1e0: {  	s30 =	sld [smem:$0x7D6];
	_ =	sdelay $0x1  }
0x1e1: {  	s0 =	simm.s32 $0xB080  }
0x1e2: {  	[tilespmem:s0], [sflag:$0x1] =	stream.indirect_vreg.gather [hbm4b:s30+s2], $0x80, v2, vm0, $0xb8;
	[tilespmem:$0x10080] =	vst v63  }
0x1e3: {  	s30 =	sld [smem:$0x7D7];
	_ =	sdelay $0x1  }
0x1e4: {  	s0 =	simm.s32 $0xB880  }
0x1e5: {  	[tilespmem:s0], [sflag:$0x1] =	stream.indirect_vreg.gather [hbm4b:s30+s2], $0x80, v2, vm0, $0xb8;
	[tilespmem:$0x10080] =	vst v63  }
0x1e6: {  	s30 =	sld [smem:$0x7D8];
	_ =	sdelay $0x1  }
0x1e7: {  	s0 =	simm.s32 $0xC080  }
0x1e8: {  	[tilespmem:s0], [sflag:$0x1] =	stream.indirect_vreg.gather [hbm4b:s30+s2], $0x80, v2, vm0, $0xb8;
	[tilespmem:$0x10080] =	vst v63  }
0x1e9: {  	s30 =	sld [smem:$0x7D9];
	_ =	sdelay $0x1  }
0x1ea: {  	s0 =	simm.s32 $0xC880  }
0x1eb: {  	[tilespmem:s0], [sflag:$0x1] =	stream.indirect_vreg.gather [hbm4b:s30+s2], $0x80, v2, vm0, $0xb8;
	[tilespmem:$0x10080] =	vst v63  }
0x1ec: {  	s30 =	sld [smem:$0x7DA];
	_ =	sdelay $0x1  }
0x1ed: {  	s0 =	simm.s32 $0xD080  }
0x1ee: {  	[tilespmem:s0], [sflag:$0x1] =	stream.indirect_vreg.gather [hbm4b:s30+s2], $0x80, v2, vm0, $0xb8;
	[tilespmem:$0x10080] =	vst v63  }
0x1ef: {  	s30 =	sld [smem:$0x7DB];
	_ =	sdelay $0x1  }
0x1f0: {  	s0 =	simm.s32 $0xD880  }
0x1f1: {  	[tilespmem:s0], [sflag:$0x1] =	stream.indirect_vreg.gather [hbm4b:s30+s2], $0x80, v2, vm0, $0xb8;
	[tilespmem:$0x10080] =	vst v63  }
0x1f2: {  	s30 =	sld [smem:$0x7DC];
	_ =	sdelay $0x1  }
0x1f3: {  	s0 =	simm.s32 $0xE080  }
0x1f4: {  	[tilespmem:s0], [sflag:$0x1] =	stream.indirect_vreg.gather [hbm4b:s30+s2], $0x80, v2, vm0, $0xb8;
	[tilespmem:$0x10080] =	vst v63  }
0x1f5: {  	s30 =	sld [smem:$0x7DD];
	_ =	sdelay $0x1  }
0x1f6: {  	s0 =	simm.s32 $0xE880  }
0x1f7: {  	[tilespmem:s0], [sflag:$0x1] =	stream.indirect_vreg.gather [hbm4b:s30+s2], $0x80, v2, vm0, $0xb8;
	[tilespmem:$0x10080] =	vst v63  }
0x1f8: {  	s0 =	sld [smem:$0x7DE];
	_ =	sdelay $0x2  }
0x1f9: {  	[tilespmem:s15], [sflag:$0x1] =	stream.indirect_vreg.gather [hbm4b:s0+s2], $0x80, v2, vm0, $0xb8;
	[tilespmem:$0x10080] =	vst v63  }
0x1fa: {  	s0 =	sld [smem:$0x7DF];
	_ =	sdelay $0x2  }
0x1fb: {  	[tilespmem:s29], [sflag:$0x1] =	stream.indirect_vreg.gather [hbm4b:s0+s2], $0x80, v2, vm0, $0xb8;
	[tilespmem:$0x10080] =	vst v63  }
0x1fc: {  	_ =	swait.ge [sflag:s11], $0x8000  }
0x1fd: {  	[sflag:s11] =	ssyncset.done $0x0  }
0x1fe: {  	s0 =	rddreg [dreg:$0xc];
	[sflag:s11] =	ssyncadd.s32 $0xFFFF8000  }
0x1ff: {  	[hbm4b:s0+s2] =	stream.linear.scatter [tilespmem:s1], [sflag:$0x3], $0x8000, $0x38;
	[tilespmem:$0x10080] =	vst v63  }
0x200: {  	_ =	swait.ge [sflag:s5], $0x8000  }
0x201: {  	[sflag:s5] =	ssyncset.done $0x0  }
0x202: {  	[sflag:s5] =	ssyncadd.s32 $0xFFFF8000  }
0x203: {  	v2 =	vld.msk [tilespmem:$0x8], $0xff;
	_ =	sdelay $0x4  }
0x204: {  	v3 =	vshrl.u32 v2, $0x3  }
0x205: {  	v3 =	vmul.u32 $0x600, v3  }
0x206: {  	v2 =	vand.u32 $0x7, v2  }
0x207: {  	v2 =	vor.u32 v2, v3  }
0x208: {  	v2 =	vperm.xlane v2, v0;
	_ =	sdelay $0x1  }
0x209: {  	v2 =	vadd.s32 v1, v2;
	_ =	sdelay $0x3  }
0x20a: {  	s4 =	simm.s32 $0x80  }
0x20b: {  	[tilespmem:s4], [sflag:$0x1] =	stream.indirect_vreg.gather [hbm4b:s22+s2], $0x80, v2, vm0, $0xb8;
	[tilespmem:$0x10080] =	vst v63  }
0x20c: {  	s4 =	sld [smem:$0x7E0];
	_ =	sdelay $0x1  }
0x20d: {  	s31 =	simm.s32 $0x880;
	s0 =	sld [smem:$0x7E1]  }
0x20e: {  	[tilespmem:s31], [sflag:$0x1] =	stream.indirect_vreg.gather [hbm4b:s4+s2], $0x80, v2, vm0, $0xb8;
	[tilespmem:$0x10080] =	vst v63  }
0x20f: {  	s16 =	simm.s32 $0x1080;
	s4 =	sld [smem:$0x7E2]  }
0x210: {  	[tilespmem:s16], [sflag:$0x1] =	stream.indirect_vreg.gather [hbm4b:s0+s2], $0x80, v2, vm0, $0xb8;
	[tilespmem:$0x10080] =	vst v63  }
0x211: {  	s10 =	simm.s32 $0x1880;
	s30 =	sld [smem:$0x7E3]  }
0x212: {  	[tilespmem:s10], [sflag:$0x1] =	stream.indirect_vreg.gather [hbm4b:s4+s2], $0x80, v2, vm0, $0xb8;
	[tilespmem:$0x10080] =	vst v63  }
0x213: {  	s9 =	simm.s32 $0x2080;
	s31 =	sld [smem:$0x7E4]  }
0x214: {  	[tilespmem:s9], [sflag:$0x1] =	stream.indirect_vreg.gather [hbm4b:s30+s2], $0x80, v2, vm0, $0xb8;
	[tilespmem:$0x10080] =	vst v63  }
0x215: {  	s8 =	simm.s32 $0x2880;
	s0 =	sld [smem:$0x7E5]  }
0x216: {  	[tilespmem:s8], [sflag:$0x1] =	stream.indirect_vreg.gather [hbm4b:s31+s2], $0x80, v2, vm0, $0xb8;
	[tilespmem:$0x10080] =	vst v63  }
0x217: {  	s4 =	simm.s32 $0x3080;
	s9 =	sld [smem:$0x7E6]  }
0x218: {  	[tilespmem:s4], [sflag:$0x1] =	stream.indirect_vreg.gather [hbm4b:s0+s2], $0x80, v2, vm0, $0xb8;
	[tilespmem:$0x10080] =	vst v63  }
0x219: {  	s16 =	sld [smem:$0x7E7];
	s10 =	simm.s32 $0x3880  }
0x21a: {  	[tilespmem:s10], [sflag:$0x1] =	stream.indirect_vreg.gather [hbm4b:s9+s2], $0x80, v2, vm0, $0xb8;
	[tilespmem:$0x10080] =	vst v63  }
0x21b: {  	s17 =	simm.s32 $0x4080  }
0x21c: {  	[tilespmem:s17], [sflag:$0x1] =	stream.indirect_vreg.gather [hbm4b:s16+s2], $0x80, v2, vm0, $0xb8;
	[tilespmem:$0x10080] =	vst v63  }
0x21d: {  	s17 =	sld [smem:$0x7E8];
	_ =	sdelay $0x1  }
0x21e: {  	s18 =	simm.s32 $0x4880  }
0x21f: {  	[tilespmem:s18], [sflag:$0x1] =	stream.indirect_vreg.gather [hbm4b:s17+s2], $0x80, v2, vm0, $0xb8;
	[tilespmem:$0x10080] =	vst v63  }
0x220: {  	s18 =	sld [smem:$0x7E9];
	_ =	sdelay $0x1  }
0x221: {  	s24 =	simm.s32 $0x5080;
	s30 =	sld [smem:$0x7EA]  }
0x222: {  	[tilespmem:s24], [sflag:$0x1] =	stream.indirect_vreg.gather [hbm4b:s18+s2], $0x80, v2, vm0, $0xb8;
	[tilespmem:$0x10080] =	vst v63  }
0x223: {  	s31 =	simm.s32 $0x5880;
	s8 =	sld [smem:$0x7EB]  }
0x224: {  	[tilespmem:s31], [sflag:$0x1] =	stream.indirect_vreg.gather [hbm4b:s30+s2], $0x80, v2, vm0, $0xb8;
	[tilespmem:$0x10080] =	vst v63  }
0x225: {  	s3 =	simm.s32 $0x6080;
	s9 =	sld [smem:$0x7EC]  }
0x226: {  	[tilespmem:s3], [sflag:$0x1] =	stream.indirect_vreg.gather [hbm4b:s8+s2], $0x80, v2, vm0, $0xb8;
	[tilespmem:$0x10080] =	vst v63  }
0x227: {  	s7 =	simm.s32 $0x6880;
	s10 =	sld [smem:$0x7ED]  }
0x228: {  	[tilespmem:s7], [sflag:$0x1] =	stream.indirect_vreg.gather [hbm4b:s9+s2], $0x80, v2, vm0, $0xb8;
	[tilespmem:$0x10080] =	vst v63  }
0x229: {  	s12 =	simm.s32 $0x7080  }
0x22a: {  	[tilespmem:s12], [sflag:$0x1] =	stream.indirect_vreg.gather [hbm4b:s10+s2], $0x80, v2, vm0, $0xb8;
	[tilespmem:$0x10080] =	vst v63  }
0x22b: {  	s12 =	sld [smem:$0x7EE];
	_ =	sdelay $0x1  }
0x22c: {  	s13 =	simm.s32 $0x7880  }
0x22d: {  	[tilespmem:s13], [sflag:$0x1] =	stream.indirect_vreg.gather [hbm4b:s12+s2], $0x80, v2, vm0, $0xb8;
	[tilespmem:$0x10080] =	vst v63  }
0x22e: {  	_ =	swait.ge [sflag:s11], $0x8000  }
0x22f: {  	[sflag:s11] =	ssyncset.done $0x0  }
0x230: {  	s1 =	simm.s32 $0x80;
	s16 =	rddreg [dreg:$0xd];
	[sflag:s11] =	ssyncadd.s32 $0xFFFF8000  }
0x231: {  	[hbm4b:s16+s2] =	stream.linear.scatter [tilespmem:s1], [sflag:$0x2], $0x8000, $0x38;
	[tilespmem:$0x10080] =	vst v63  }
0x232: {  	_ =	swait.ge [sflag:s6], $0x8000  }
0x233: {  	[sflag:s6] =	ssyncset.done $0x0  }
0x234: {  	[sflag:s6] =	ssyncadd.s32 $0xFFFF8000  }
0x235: {  	v2 =	vld.msk [tilespmem:$0x8], $0xff;
	_ =	sdelay $0x4  }
0x236: {  	v3 =	vshrl.u32 v2, $0x3  }
0x237: {  	v3 =	vmul.u32 $0x600, v3  }
0x238: {  	v2 =	vand.u32 $0x7, v2  }
0x239: {  	v2 =	vor.u32 v2, v3  }
0x23a: {  	v2 =	vperm.xlane v2, v0;
	_ =	sdelay $0x1  }
0x23b: {  	v2 =	vadd.s32 v1, v2;
	_ =	sdelay $0x3  }
0x23c: {  	s1 =	simm.s32 $0x8080;
	s17 =	sld [smem:$0x7EF]  }
0x23d: {  	[tilespmem:s1], [sflag:$0x1] =	stream.indirect_vreg.gather [hbm4b:s23+s2], $0x80, v2, vm0, $0xb8;
	[tilespmem:$0x10080] =	vst v63  }
0x23e: {  	s14 =	simm.s32 $0x8880;
	s18 =	sld [smem:$0x7F0]  }
0x23f: {  	[tilespmem:s14], [sflag:$0x1] =	stream.indirect_vreg.gather [hbm4b:s17+s2], $0x80, v2, vm0, $0xb8;
	[tilespmem:$0x10080] =	vst v63  }
0x240: {  	s25 =	simm.s32 $0x9080;
	s24 =	sld [smem:$0x7F1]  }
0x241: {  	[tilespmem:s25], [sflag:$0x1] =	stream.indirect_vreg.gather [hbm4b:s18+s2], $0x80, v2, vm0, $0xb8;
	[tilespmem:$0x10080] =	vst v63  }
0x242: {  	s26 =	simm.s32 $0x9880;
	s25 =	sld [smem:$0x7F2]  }
0x243: {  	[tilespmem:s26], [sflag:$0x1] =	stream.indirect_vreg.gather [hbm4b:s24+s2], $0x80, v2, vm0, $0xb8;
	[tilespmem:$0x10080] =	vst v63  }
0x244: {  	s28 =	simm.s32 $0xA080;
	s26 =	sld [smem:$0x7F3]  }
0x245: {  	[tilespmem:s28], [sflag:$0x1] =	stream.indirect_vreg.gather [hbm4b:s25+s2], $0x80, v2, vm0, $0xb8;
	[tilespmem:$0x10080] =	vst v63  }
0x246: {  	s30 =	sld [smem:$0x7F4];
	s28 =	simm.s32 $0xA880  }
0x247: {  	[tilespmem:s28], [sflag:$0x1] =	stream.indirect_vreg.gather [hbm4b:s26+s2], $0x80, v2, vm0, $0xb8;
	[tilespmem:$0x10080] =	vst v63  }
0x248: {  	s31 =	simm.s32 $0xB080;
	s3 =	sld [smem:$0x7F5]  }
0x249: {  	[tilespmem:s31], [sflag:$0x1] =	stream.indirect_vreg.gather [hbm4b:s30+s2], $0x80, v2, vm0, $0xb8;
	[tilespmem:$0x10080] =	vst v63  }
0x24a: {  	s4 =	simm.s32 $0xB880;
	s7 =	sld [smem:$0x7F6]  }
0x24b: {  	[tilespmem:s4], [sflag:$0x1] =	stream.indirect_vreg.gather [hbm4b:s3+s2], $0x80, v2, vm0, $0xb8;
	[tilespmem:$0x10080] =	vst v63  }
0x24c: {  	s8 =	simm.s32 $0xC080;
	s9 =	sld [smem:$0x7F7]  }
0x24d: {  	[tilespmem:s8], [sflag:$0x1] =	stream.indirect_vreg.gather [hbm4b:s7+s2], $0x80, v2, vm0, $0xb8;
	[tilespmem:$0x10080] =	vst v63  }
0x24e: {  	s10 =	simm.s32 $0xC880;
	s12 =	sld [smem:$0x7F8]  }
0x24f: {  	[tilespmem:s10], [sflag:$0x1] =	stream.indirect_vreg.gather [hbm4b:s9+s2], $0x80, v2, vm0, $0xb8;
	[tilespmem:$0x10080] =	vst v63  }
0x250: {  	s13 =	simm.s32 $0xD080;
	s14 =	sld [smem:$0x7F9]  }
0x251: {  	[tilespmem:s13], [sflag:$0x1] =	stream.indirect_vreg.gather [hbm4b:s12+s2], $0x80, v2, vm0, $0xb8;
	[tilespmem:$0x10080] =	vst v63  }
0x252: {  	s16 =	simm.s32 $0xD880;
	s17 =	sld [smem:$0x7FA]  }
0x253: {  	[tilespmem:s16], [sflag:$0x1] =	stream.indirect_vreg.gather [hbm4b:s14+s2], $0x80, v2, vm0, $0xb8;
	[tilespmem:$0x10080] =	vst v63  }
0x254: {  	s18 =	simm.s32 $0xE080;
	s24 =	sld [smem:$0x7FB]  }
0x255: {  	[tilespmem:s18], [sflag:$0x1] =	stream.indirect_vreg.gather [hbm4b:s17+s2], $0x80, v2, vm0, $0xb8;
	[tilespmem:$0x10080] =	vst v63  }
0x256: {  	s25 =	simm.s32 $0xE880;
	s26 =	sld [smem:$0x7FC]  }
0x257: {  	[tilespmem:s25], [sflag:$0x1] =	stream.indirect_vreg.gather [hbm4b:s24+s2], $0x80, v2, vm0, $0xb8;
	[tilespmem:$0x10080] =	vst v63  }
0x258: {  	s15 =	simm.s32 $0xF080;
	s28 =	sld [smem:$0x7FD]  }
0x259: {  	[tilespmem:s15], [sflag:$0x1] =	stream.indirect_vreg.gather [hbm4b:s26+s2], $0x80, v2, vm0, $0xb8;
	[tilespmem:$0x10080] =	vst v63  }
0x25a: {  	s29 =	simm.s32 $0xF880  }
0x25b: {  	[tilespmem:s29], [sflag:$0x1] =	stream.indirect_vreg.gather [hbm4b:s28+s2], $0x80, v2, vm0, $0xb8;
	[tilespmem:$0x10080] =	vst v63  }
0x25c: {  	_ =	swait.ge [sflag:s11], $0x8000  }
0x25d: {  	s30 =	rddreg [dreg:$0xe];
	[sflag:s11] =	ssyncset.done $0x0  }
0x25e: {  	s31 =	rddreg [dreg:$0x1f];
	[sflag:s11] =	ssyncadd.s32 $0xFFFF8000  }
0x25f: {  	[hbm4b:s30+s2] =	stream.linear.scatter [tilespmem:s1], [sflag:$0x3], $0x8000, $0x38;
	[tilespmem:$0x10080] =	vst v63  }
0x260: {  	p0 =	sne.s32 s31, $0x1;
	_ =	swait.ge [sflag:s5], $0x8000  }
.Ltmp0:
0x261: {  	[sflag:s5] =	ssyncset.done $0x0;
	(pc) =	sbr.rel @p0 .LBB2_1-.Ltmp0, $4  }
0x262: {  	[sflag:s5] =	ssyncadd.s32 $0xFFFF8000  }
0x263: {  	_ =	swait.ge [sflag:s6], $0x8000  }
0x264: {  	[sflag:s6] =	ssyncset.done $0x0  }
0x265: {  	s0 =	sadd.s32 $0xFFFFFFFF, s31;
	[sflag:s6] =	ssyncadd.s32 $0xFFFF8000  }
0x266: {  	_ =	sfence.sel $0x180000  }
0x267: {  	[bflag:$0x0] =	sbarrier.arrive $0xFFFF  }
0x268: {  	_ =	strace $0x9000004A  }
0x269: {  	s0 =	stileid.u32;
	[bflag:$0x2] =	sbarrier.arrive $0xFFFF  }
0x26a: {  	p0 =	sne.s32 s0, $0x0;
	s0 =	rddreg [dreg:$0x1]  }
0x26b: {  	s0 =	sadd.s32 @!p0 $0x100000, s0  }
0x26c: {  	[sflag:s0] =	ssyncadd.tile.s32 @!p0 $0x1;
	_ =	shalt  }
.Lfunc_end2:
_tile_overlayer_lowered:
.L_overlay_start_2:
0x26d: {  	(tag) =	ssettag $0x2  }
0x26e: {  	s0 =	rddreg [dreg:$0x0];
	s2 =	stileid.u32  }
0x26f: {  	s1 =	rddreg [dreg:$0x1];
	p0 =	sne.s32 s2, $0x0  }
0x270: {  	s3 =	rddreg [dreg:$0x2];
	[bflag:$0x3] =	sbarrier.arrive $0xFFFF;
	s2 =	simm.s32 @!p0 $0x1C04  }
0x271: {  	[timem:s3], [sflag:s2] =	dma.local @!p0 [hbm:s0], s1  }
0x272: {  	s0 =	simm.s32 @!p0 $0x4  }
0x273: {  	_ =	swait.ge @!p0 [sflag:s0], s1  }
0x274: {  	s1 =	ssub.s32 @!p0 $0x0, s1;
	[sflag:s0] =	ssyncset.done @!p0 $0x0  }
0x275: {  	[sflag:s0] =	ssyncadd.s32 @!p0 s1  }
0x276: {  	[bflag:$0x3] =	sbarrier.arrive $0xFFFF  }
0x277: {  	_ =	shalt  }

// kernel: kernel.7.cloned.1.call-start
scs
__scs_entry_jumppad:
0x0: {  	(pc) =	sbr.rel $0x88, $3  }
0x1: {  	(tag) =	ssettag $0x0;
	lr =	simm.s32 $0x1  }
0x2: {  	[smem:$0x3F9F] =	sst lr;
	_ =	strace $0xD0000000  }
0x3: {  	_ = 	snop  }
0x4: {  	_ = 	snop  }
0x5: {  	_ = 	snop  }
0x6: {  	_ = 	snop  }
0x7: {  	_ = 	snop  }
__scs_overlays_trampoline_lowered:
0x8: {  	[smem:$0x3FAE] =	sst s0  }
0x9: {  	[smem:$0x3FAF] =	sst s1  }
0xa: {  	[smem:$0x3FB0] =	sst s2  }
0xb: {  	[smem:$0x3FB1] =	sst s3  }
0xc: {  	[smem:$0x3FB2] =	sst s4  }
0xd: {  	[smem:$0x3FB3] =	sst s5  }
0xe: {  	[smem:$0x3FB4] =	sst s6  }
0xf: {  	[smem:$0x3FB5] =	sst s7  }
0x10: {  	[smem:$0x3FB6] =	sst s8  }
0x11: {  	[smem:$0x3FB7] =	sst s9;
	s0 =	simm.s32 @!p0 $0x0  }
0x12: {  	s1 =	sld [smem:$0x3F9D];
	s0 =	simm.s32 @p0 $0x1  }
0x13: {  	[smem:$0x3FB8] =	sst s0;
	s0 =	simm.s32 @!p1 $0x0  }
0x14: {  	s2 =	sld [smem:$0x3F9C];
	s0 =	simm.s32 @p1 $0x1  }
0x15: {  	[smem:$0x3FB9] =	sst s0;
	s0 =	simm.s32 @!p2 $0x0  }
0x16: {  	s3 =	sld [smem:$0x3FDB];
	s0 =	simm.s32 @p2 $0x1  }
0x17: {  	s4 =	simm.s32 $0x1BF5;
	[smem:$0x3FBB] =	sst s0  }
0x18: {  	s0 =	sld [smem:$0x3F9E];
	_ =	swait.ge [sflag:s4], $0x0  }
0x19: {  	s7 =	sld [smem:$0x3F9F]  }
0x1a: {  	s8 =	sadd.s32 $0xFFFFE003, lr  }
0x1b: {  	s9 =	sadd.s32 $0xFFFFFEF7, lr;
	s5 =	simm.s32 $0xFFFFFFFF;
	p2 =	slt.u32 s8, $0xFFFFF086  }
0x1c: {  	p1 =	slt.u32 s9, $0xF7A;
	s5 =	simm.s32 @!p2 $0x0  }
0x1d: {  	s5 =	simm.s32 @p1 $0x1;
	p0 =	seq.s32 s7, s2  }
0x1e: {  	s7 =	smul.u32 @!p0 $0xF7A, s2;
	p2 =	seq.s32 @!p0 s5, $0x0  }
0x1f: {  	s9 =	smul.u32 $0xF7A, s1;
	s8 =	simm.s32 @!p0 $0x1BF5;
	p2 =	por !p2, p0  }
0x20: {  	[sflag:s8] =	ssyncset.s32 @!p0 $0xFFFFF086;
	s6 =	sadd.s32 @!p0 s3, s7;
	s7 =	simm.s32 @!p0 $0x108  }
0x21: {  	s3 =	sadd.s32 s3, s9;
	s6 =	sadd.s32 @!p0 $0x88, s6;
	s7 =	simm.s32 @p2 $0x1082  }
0x22: {  	[simem:s7], [sflag:s8] =	dma.local @!p0 [hbm:s6], $0xF7A  }
0x23: {  	s9 =	sor.u32 $0xD0000000, s2;
	s6 =	simm.s32 $0x108;
	_ =	swait.ge @!p0 [sflag:s8], $0x0  }
0x24: {  	s3 =	sadd.s32 $0x88, s3;
	s6 =	simm.s32 @!p1 $0x1082;
	[sflag:s4] =	ssyncset.s32 $0xFFFFF086  }
0x25: {  	[simem:s6], [sflag:s4] =	dma.local [hbm:s3], $0xF7A  }
0x26: {  	[smem:$0x3F9F] =	sst s1;
	(tag) =	ssettag s2;
	_ =	strace s9  }
0x27: {  	s1 =	sld [smem:$0x3FAF]  }
0x28: {  	s2 =	sld [smem:$0x3FB0]  }
0x29: {  	s4 =	sld [smem:$0x3FB2]  }
0x2a: {  	p0 =	seq.s32 s5, $0x0;
	s5 =	sld [smem:$0x3FB3]  }
0x2b: {  	s6 =	sld [smem:$0x3FB4]  }
0x2c: {  	s7 =	sld [smem:$0x3FB5]  }
0x2d: {  	s3 =	simm.s32 $0x108;
	s8 =	sld [smem:$0x3FB6]  }
0x2e: {  	s3 =	simm.s32 @!p0 $0x1082;
	s9 =	sld [smem:$0x3FB7]  }
0x2f: {  	lr =	sadd.s32 s0, s3;
	s0 =	sld [smem:$0x3FAE]  }
0x30: {  	s3 =	sld [smem:$0x3FB1]  }
0x31: {  	[smem:$0x3FBA] =	sst s10  }
0x32: {  	s10 =	sld [smem:$0x3FB8];
	_ =	sdelay $0x3  }
0x33: {  	p0 =	seq.s32 s10, $0x1;
	s10 =	sld [smem:$0x3FBA];
	_ =	sdelay $0x3  }
0x34: {  	[smem:$0x3FBA] =	sst s10  }
0x35: {  	s10 =	sld [smem:$0x3FB9];
	_ =	sdelay $0x3  }
0x36: {  	p1 =	seq.s32 s10, $0x1;
	s10 =	sld [smem:$0x3FBA];
	_ =	sdelay $0x3  }
0x37: {  	[smem:$0x3FBA] =	sst s10  }
0x38: {  	s10 =	sld [smem:$0x3FBB]  }
0x39: {  	_ = 	snop;
	(pc) =	sbr.ind lr, $3  }
0x3a: {  	_ = 	snop  }
0x3b: {  	_ = 	snop  }
0x3c: {  	p2 =	seq.s32 s10, $0x1;
	s10 =	sld [smem:$0x3FBA]  }
0x3d: {  	_ =	shalt  }
0x3e: {  	_ =	shalt  }
0x3f: {  	_ =	shalt  }
0x40: {  	_ =	shalt  }
0x41: {  	_ =	shalt  }
0x42: {  	_ =	shalt  }
0x43: {  	_ =	shalt  }
0x44: {  	_ =	shalt  }
0x45: {  	_ =	shalt  }
0x46: {  	_ =	shalt  }
0x47: {  	_ =	shalt  }
0x48: {  	_ =	shalt  }
0x49: {  	_ =	shalt  }
0x4a: {  	_ =	shalt  }
0x4b: {  	_ =	shalt  }
0x4c: {  	_ =	shalt  }
0x4d: {  	_ =	shalt  }
0x4e: {  	_ =	shalt  }
0x4f: {  	_ =	shalt  }
0x50: {  	_ =	shalt  }
0x51: {  	_ =	shalt  }
0x52: {  	_ =	shalt  }
0x53: {  	_ =	shalt  }
0x54: {  	_ =	shalt  }
0x55: {  	_ =	shalt  }
0x56: {  	_ =	shalt  }
0x57: {  	_ =	shalt  }
0x58: {  	_ =	shalt  }
0x59: {  	_ =	shalt  }
0x5a: {  	_ =	shalt  }
0x5b: {  	_ =	shalt  }
0x5c: {  	_ =	shalt  }
0x5d: {  	_ =	shalt  }
0x5e: {  	_ =	shalt  }
0x5f: {  	_ =	shalt  }
0x60: {  	_ =	shalt  }
0x61: {  	_ =	shalt  }
0x62: {  	_ =	shalt  }
0x63: {  	_ =	shalt  }
0x64: {  	_ =	shalt  }
0x65: {  	_ =	shalt  }
0x66: {  	_ =	shalt  }
0x67: {  	_ =	shalt  }
0x68: {  	_ =	shalt  }
0x69: {  	_ =	shalt  }
0x6a: {  	_ =	shalt  }
0x6b: {  	_ =	shalt  }
0x6c: {  	_ =	shalt  }
0x6d: {  	_ =	shalt  }
0x6e: {  	_ =	shalt  }
0x6f: {  	_ =	shalt  }
0x70: {  	_ =	shalt  }
0x71: {  	_ =	shalt  }
0x72: {  	_ =	shalt  }
0x73: {  	_ =	shalt  }
0x74: {  	_ =	shalt  }
0x75: {  	_ =	shalt  }
0x76: {  	_ =	shalt  }
0x77: {  	_ =	shalt  }
0x78: {  	_ =	shalt  }
0x79: {  	_ =	shalt  }
0x7a: {  	_ =	shalt  }
0x7b: {  	_ =	shalt  }
0x7c: {  	_ =	shalt  }
0x7d: {  	_ =	shalt  }
0x7e: {  	_ =	shalt  }
0x7f: {  	_ =	shalt  }
0x80: {  	_ =	shalt  }
0x81: {  	_ =	shalt  }
0x82: {  	_ =	shalt  }
0x83: {  	_ =	shalt  }
0x84: {  	_ =	shalt  }
0x85: {  	_ =	shalt  }
0x86: {  	_ =	shalt  }
0x87: {  	_ =	shalt  }
.Lfunc_end0:
.L_simem_size_0:
called_computation_lowered:
.L_overlay_start_0:
0x88: {  	s2 =	sld [smem:$0x3FD9]  }
0x89: {  	s3 =	sld [smem:$0x3FFE];
	_ =	sdelay $0x1  }
0x8a: {  	s1 =	srdreg.scid  }
0x8b: {  	s0 =	sand.u32 $0x1, s1  }
0x8c: {  	s17 =	sshll.u32 s0, $0xA;
	s2 =	sadd.s32 s3, s2  }
0x8d: {  	s2 =	sadd.s32 s2, s17  }
0x8e: {  	[smem:$0x3FC6] =	sst s2  }
0x8f: {  	_ = 	snop  }
0x90: {  	s2 =	sld [smem:$0x3FD0];
	(tm) =	ssettm $0x1  }
0x91: {  	s18 =	sld [smem:$0x3FFB];
	_ =	sdelay $0x3  }
0x92: {  	_ =	strace s18  }
0x93: {  	s3 =	sld [smem:$0x3FFC];
	_ =	sdelay $0x3  }
0x94: {  	_ =	strace s3  }
0x95: {  	s3 =	sld [smem:$0x3FFD];
	_ =	sdelay $0x3  }
0x96: {  	_ =	strace s3  }
0x97: {  	_ =	strace $0x8FFFFFFF  }
0x98: {  	s19 =	sld [smem:$0x3FDB];
	_ =	sdelay $0x1  }
0x99: {  	s4 =	simm.s32 $_scs_section_size  }
0x9a: {  	s5 =	simm.s32 $_size__tile_overlayer_lowered;
	s6 =	simm.s32 $_tile_overlayer_lowered  }
0x9b: {  	s22 =	simm.s32 $0x1BFF;
	s21 =	sshll.u32 s6, $0x1;
	s3 =	sadd.s32 s4, s19  }
0x9c: {  	s7 =	simm.s32 $0x0;
	s20 =	sshll.u32 s5, $0x1;
	s5 =	sadd.s32 s21, s3  }
0x9d: {  	[timem:s7], [sflag:s22] =	dma.local [hbm:s5], s20  }
0x9e: {  	_ =	swait.ge [sflag:s22], s20  }
0x9f: {  	s4 =	ssub.s32 $0x0, s20;
	[sflag:s22] =	ssyncset.done $0x0  }
0xa0: {  	[sflag:s22] =	ssyncadd.s32 s4;
	_ =	sdelay $0x1  }
0xa1: {  	s23 =	simm.s32 $0x1B8B  }
0xa2: {  	_ =	swait.ge [sflag:s23], $0x1  }
0xa3: {  	[sflag:s23] =	ssyncset.done $0x0  }
0xa4: {  	s25 =	simm.s32 $0x1B8E;
	s24 =	sld [smem:$0x3FFE];
	[sflag:s23] =	ssyncadd.s32 $0xFFFFFFFF  }
0xa5: {  	s26 =	simm.s32 $execute0_lowered;
	[smem:$0x3FD2] =	sst s25  }
0xa6: {  	s5 =	sshll.u32 s26, $0x1;
	_ =	strace $0x80000046;
	[dreg:$0x1] =	wrdreg $0xFFFFFFFF  }
0xa7: {  	s28 =	simm.s32 $_size_execute0_lowered;
	s3 =	sadd.s32 s3, s5;
	[dreg:$0x0] =	wrdreg $0x0  }
0xa8: {  	s5 =	sshll.u32 s28, $0x1;
	[dreg:$0x2] =	wrdreg s3  }
0xa9: {  	[dreg:$0x3] =	wrdreg s5  }
0xaa: {  	[dreg:$0x4] =	wrdreg $0xC0  }
0xab: {  	_ =	task [dreg:s7], $0x5FFFF  }
0xac: {  	[dreg:$0x1] =	wrdreg $0xFFFFFFFF  }
0xad: {  	[dreg:$0x0] =	wrdreg $0x60  }
0xae: {  	[dreg:$0x2] =	wrdreg s24  }
0xaf: {  	[dreg:$0x3] =	wrdreg s2  }
0xb0: {  	[dreg:$0x4] =	wrdreg $0x9  }
0xb1: {  	_ =	task.clear_ibuf [dreg:s7], $0x5FFFF;
	_ =	strace $0x90000046  }
0xb2: {  	s29 =	simm.s32 $0x9;
	_ =	strace $0x80000048  }
0xb3: {  	_ =	swait.ge [sflag:s29], $0x1  }
0xb4: {  	[sflag:s29] =	ssyncadd.s32 $0xFFFFFFFF  }
0xb5: {  	_ =	strace $0x90000048  }
0xb6: {  	_ =	sfence  }
0xb7: {  	s30 =	sld [smem:$0x0];
	_ =	sdelay $0x2  }
0xb8: {  	s31 =	sshll.u32 s1, $0xD;
	s1 =	sshrl.u32 s1, $0x2  }
0xb9: {  	s3 =	sand.u32 $0x4000, s31;
	s1 =	sadd.s32 s1, s30  }
0xba: {  	s0 =	sor.u32 s3, s0;
	s1 =	sshll.u32 s1, $0x11  }
0xbb: {  	s0 =	sor.u32 s1, s0  }
0xbc: {  	s0 =	sadd.s32 $0x8F2B, s0  }
0xbd: {  	[sflag:s0] =	ssyncadd.remote.s32 $0x1  }
0xbe: {  	_ =	sfence.sel $0xFFFF  }
0xbf: {  	[dreg:$0x0] =	wrdreg $0xFFFFFFFF;
	(pc) =	sbr.abs _section_cstart, $3  }
0xc0: {  	[dreg:$0x1] =	wrdreg $0xFFFFFFFF  }
0xc1: {  	_ =	task.clear_ibuf [dreg:s7], $0x2FFFF;
	_ =	strace $0x9FFFFFFF  }
0xc2: {  	(tm) =	ssettm $0x7FFFFFFF  }
0xc3: {  	_ =	shalt  }
tec
execute0_lowered:
.L_overlay_start_1:
0x0: {  	(tag) =	ssettag $0x1  }
0x1: {  	s1 =	rddreg [dreg:$0x0];
	s2 =	stileid.u32  }
0x2: {  	s3 =	rddreg [dreg:$0x1];
	s4 =	sshll.u32 s2, $0x2;
	s2 =	simm.s32 $0x0  }
0x3: {  	s6 =	sadd.s32 $0xC00, s1;
	[smem:$0x7FF] =	sst s2  }
0x4: {  	s31 =	sadd.s32 $0xD00, s1;
	_ =	strace $0x80000047;
	[dreg:$0x10] =	wrdreg s6  }
0x5: {  	s7 =	sadd.s32 $0x1000, s1;
	[dreg:$0x11] =	wrdreg s31  }
0x6: {  	s8 =	sadd.s32 $0x1100, s1;
	[dreg:$0x14] =	wrdreg s7  }
0x7: {  	s9 =	sadd.s32 $0x1200, s1;
	[dreg:$0x15] =	wrdreg s8  }
0x8: {  	s10 =	sadd.s32 $0x1300, s1;
	[dreg:$0x16] =	wrdreg s9  }
0x9: {  	s11 =	sadd.s32 $0x1400, s1;
	[dreg:$0x17] =	wrdreg s10  }
0xa: {  	s13 =	sadd.s32 $0x1500, s1;
	[dreg:$0x18] =	wrdreg s11  }
0xb: {  	s15 =	sadd.s32 $0x1600, s1;
	[dreg:$0x19] =	wrdreg s13  }
0xc: {  	s0 =	srdreg.scid;
	s17 =	sadd.s32 $0x1700, s1;
	[dreg:$0x1a] =	wrdreg s15  }
0xd: {  	s0 =	sand.u32 $0x1, s0;
	s19 =	sadd.s32 $0x1800, s1;
	[dreg:$0x1b] =	wrdreg s17  }
0xe: {  	s21 =	sadd.s32 $0x1900, s1;
	s5 =	sshll.u32 s0, $0x1;
	[dreg:$0x1c] =	wrdreg s19  }
0xf: {  	s23 =	sadd.s32 $0x1A00, s1;
	s4 =	sor.u32 s5, s4;
	[dreg:$0x1d] =	wrdreg s21  }
0x10: {  	s25 =	sadd.s32 $0x1B00, s1;
	[dreg:$0x1e] =	wrdreg s23;
	s5 =	smul.u32 $0x30000, s4  }
0x11: {  	s6 =	sadd.s32 $0xF00, s1;
	[dreg:$0x1f] =	wrdreg s25  }
0x12: {  	s3 =	sadd.s32 s3, s4;
	[dreg:$0x13] =	wrdreg s6;
	s5 =	sshrl.u32 s5, $0x3  }
0x13: {  	[dreg:$0x3] =	wrdreg s3;
	s4 =	sadd.s32 s5, s1;
	s5 =	sadd.s32 $0xE00, s1  }
0x14: {  	[dreg:$0x12] =	wrdreg s5;
	s12 =	sadd.s32 $0x60C00, s4  }
0x15: {  	s14 =	sadd.s32 $0x61C00, s4;
	[dreg:$0x4] =	wrdreg s12  }
0x16: {  	s0 =	ssub.s32 $0x2, s0;
	s16 =	sadd.s32 $0x62C00, s4;
	[dreg:$0x5] =	wrdreg s14  }
0x17: {  	s30 =	sshrl.u32 s0, $0x1;
	s18 =	sadd.s32 $0x63C00, s4;
	[dreg:$0x6] =	wrdreg s16  }
0x18: {  	s19 =	sadd.s32 $0x1C00, s1;
	s20 =	sadd.s32 $0x64C00, s4;
	[dreg:$0x7] =	wrdreg s18  }
0x19: {  	s21 =	sadd.s32 $0x3C00, s1;
	s22 =	sadd.s32 $0x65C00, s4;
	[dreg:$0x8] =	wrdreg s20  }
0x1a: {  	s23 =	sadd.s32 $0x5C00, s1;
	s24 =	sadd.s32 $0x66C00, s4;
	[dreg:$0x9] =	wrdreg s22  }
0x1b: {  	s11 =	simm.s32 $0x1;
	s26 =	sadd.s32 $0x67C00, s4;
	[dreg:$0xa] =	wrdreg s24  }
0x1c: {  	s0 =	ssub.s32 s0, s30;
	s28 =	sadd.s32 $0x68C00, s4;
	[dreg:$0xb] =	wrdreg s26  }
0x1d: {  	s6 =	simm.s32 $0x3;
	s29 =	sadd.s32 $0x69C00, s4;
	[dreg:$0xc] =	wrdreg s28  }
0x1e: {  	v0 =	vlaneseq.u32;
	s0 =	smax.u32 s0, $0x1;
	s30 =	sadd.s32 $0x6AC00, s4;
	[dreg:$0xd] =	wrdreg s29  }
0x1f: {  	v1 =	vshrl.u32 v0, $0x3;
	s31 =	sadd.s32 $0x6BC00, s4;
	s5 =	simm.s32 $0x2;
	[dreg:$0xe] =	wrdreg s30  }
0x20: {  	vm0 =	vmmov $0xffff;
	v0 =	vand.u32 $0x7, v0;
	v1 =	vmul.u32 $0x8, v1;
	s20 =	sadd.s32 $0x2C00, s1;
	s22 =	sadd.s32 $0x4C00, s1;
	[dreg:$0xf] =	wrdreg s31  }
.LBB2_1:
0x21: {  	[smem:$0x7FD] =	sst s0  }
0x22: {  	s4 =	rddreg [dreg:$0x3];
	s7 =	simm.s32 $0x4  }
0x23: {  	[tilespmem:s2], [sflag:$0x4] =	stream.linear.gather [hbm4b:s4+s2], $0x10, $0x38;
	[tilespmem:$0x10080] =	vst v63  }
0x24: {  	_ =	swait.ge [sflag:s7], $0x10  }
0x25: {  	[sflag:s7] =	ssyncset.done $0x0  }
0x26: {  	[sflag:s7] =	ssyncadd.s32 $0xFFFFFFF0  }
0x27: {  	v2 =	vld.msk [tilespmem:$0x0], $0xff;
	_ =	sdelay $0x4  }
0x28: {  	v3 =	vshrl.u32 v2, $0x3  }
0x29: {  	v3 =	vmul.u32 $0x600, v3  }
0x2a: {  	v2 =	vand.u32 $0x7, v2  }
0x2b: {  	v2 =	vor.u32 v2, v3  }
0x2c: {  	v2 =	vperm.xlane v2, v0;
	_ =	sdelay $0x1  }
0x2d: {  	v2 =	vadd.s32 v1, v2;
	_ =	sdelay $0x3  }
0x2e: {  	s8 =	simm.s32 $0x80;
	s1 =	rddreg [dreg:$0x10]  }
0x2f: {  	[tilespmem:s8], [sflag:$0x1] =	stream.indirect_vreg.gather [hbm4b:s1+s2], $0x80, v2, vm0, $0xb8;
	[tilespmem:$0x10080] =	vst v63  }
0x30: {  	s10 =	simm.s32 $0x880;
	s9 =	rddreg [dreg:$0x11]  }
0x31: {  	[tilespmem:s10], [sflag:$0x1] =	stream.indirect_vreg.gather [hbm4b:s9+s2], $0x80, v2, vm0, $0xb8;
	[tilespmem:$0x10080] =	vst v63  }
0x32: {  	s13 =	simm.s32 $0x1080;
	s12 =	rddreg [dreg:$0x12]  }
0x33: {  	[tilespmem:s13], [sflag:$0x1] =	stream.indirect_vreg.gather [hbm4b:s12+s2], $0x80, v2, vm0, $0xb8;
	[tilespmem:$0x10080] =	vst v63  }
0x34: {  	s15 =	simm.s32 $0x1880;
	s14 =	rddreg [dreg:$0x13]  }
0x35: {  	[tilespmem:s15], [sflag:$0x1] =	stream.indirect_vreg.gather [hbm4b:s14+s2], $0x80, v2, vm0, $0xb8;
	[tilespmem:$0x10080] =	vst v63  }
0x36: {  	s17 =	simm.s32 $0x2080;
	s16 =	rddreg [dreg:$0x14]  }
0x37: {  	[tilespmem:s17], [sflag:$0x1] =	stream.indirect_vreg.gather [hbm4b:s16+s2], $0x80, v2, vm0, $0xb8;
	[tilespmem:$0x10080] =	vst v63  }
0x38: {  	s25 =	simm.s32 $0x2880;
	s18 =	rddreg [dreg:$0x15]  }
0x39: {  	[tilespmem:s25], [sflag:$0x1] =	stream.indirect_vreg.gather [hbm4b:s18+s2], $0x80, v2, vm0, $0xb8;
	[tilespmem:$0x10080] =	vst v63  }
0x3a: {  	s28 =	simm.s32 $0x3080;
	s26 =	rddreg [dreg:$0x16]  }
0x3b: {  	[tilespmem:s28], [sflag:$0x1] =	stream.indirect_vreg.gather [hbm4b:s26+s2], $0x80, v2, vm0, $0xb8;
	[tilespmem:$0x10080] =	vst v63  }
0x3c: {  	s31 =	simm.s32 $0x3880;
	s30 =	rddreg [dreg:$0x17]  }
0x3d: {  	[tilespmem:s31], [sflag:$0x1] =	stream.indirect_vreg.gather [hbm4b:s30+s2], $0x80, v2, vm0, $0xb8;
	[tilespmem:$0x10080] =	vst v63  }
0x3e: {  	s4 =	simm.s32 $0x4080;
	s3 =	rddreg [dreg:$0x18]  }
0x3f: {  	[tilespmem:s4], [sflag:$0x1] =	stream.indirect_vreg.gather [hbm4b:s3+s2], $0x80, v2, vm0, $0xb8;
	[tilespmem:$0x10080] =	vst v63  }
0x40: {  	s7 =	rddreg [dreg:$0x19];
	s8 =	simm.s32 $0x4880  }
0x41: {  	[tilespmem:s8], [sflag:$0x1] =	stream.indirect_vreg.gather [hbm4b:s7+s2], $0x80, v2, vm0, $0xb8;
	[tilespmem:$0x10080] =	vst v63  }
0x42: {  	s9 =	rddreg [dreg:$0x1a];
	s10 =	simm.s32 $0x5080  }
0x43: {  	[tilespmem:s10], [sflag:$0x1] =	stream.indirect_vreg.gather [hbm4b:s9+s2], $0x80, v2, vm0, $0xb8;
	[tilespmem:$0x10080] =	vst v63  }
0x44: {  	s12 =	rddreg [dreg:$0x1b];
	s25 =	simm.s32 $0x5880  }
0x45: {  	[tilespmem:s25], [sflag:$0x1] =	stream.indirect_vreg.gather [hbm4b:s12+s2], $0x80, v2, vm0, $0xb8;
	[tilespmem:$0x10080] =	vst v63  }
0x46: {  	s26 =	rddreg [dreg:$0x1c];
	s28 =	simm.s32 $0x6080  }
0x47: {  	[tilespmem:s28], [sflag:$0x1] =	stream.indirect_vreg.gather [hbm4b:s26+s2], $0x80, v2, vm0, $0xb8;
	[tilespmem:$0x10080] =	vst v63  }
0x48: {  	s30 =	rddreg [dreg:$0x1d];
	s31 =	simm.s32 $0x6880  }
0x49: {  	[tilespmem:s31], [sflag:$0x1] =	stream.indirect_vreg.gather [hbm4b:s30+s2], $0x80, v2, vm0, $0xb8;
	[tilespmem:$0x10080] =	vst v63  }
0x4a: {  	s0 =	rddreg [dreg:$0x1e];
	s3 =	simm.s32 $0x7080  }
0x4b: {  	[tilespmem:s3], [sflag:$0x1] =	stream.indirect_vreg.gather [hbm4b:s0+s2], $0x80, v2, vm0, $0xb8;
	[tilespmem:$0x10080] =	vst v63  }
0x4c: {  	s4 =	rddreg [dreg:$0x1f];
	s7 =	simm.s32 $0x7880  }
0x4d: {  	[tilespmem:s7], [sflag:$0x1] =	stream.indirect_vreg.gather [hbm4b:s4+s2], $0x80, v2, vm0, $0xb8;
	[tilespmem:$0x10080] =	vst v63  }
0x4e: {  	_ =	swait.ge [sflag:s11], $0x8000  }
0x4f: {  	[sflag:s11] =	ssyncset.done $0x0  }
0x50: {  	s29 =	simm.s32 $0x80;
	s25 =	rddreg [dreg:$0x4];
	[sflag:s11] =	ssyncadd.s32 $0xFFFF8000  }
0x51: {  	[hbm4b:s25+s2] =	stream.linear.scatter [tilespmem:s29], [sflag:$0x2], $0x8000, $0x38;
	[tilespmem:$0x10080] =	vst v63  }
0x52: {  	v2 =	vld.msk [tilespmem:$0x0], $0xff;
	_ =	sdelay $0x4  }
0x53: {  	v3 =	vshrl.u32 v2, $0x3  }
0x54: {  	v3 =	vmul.u32 $0x600, v3  }
0x55: {  	v2 =	vand.u32 $0x7, v2  }
0x56: {  	v2 =	vor.u32 v2, v3  }
0x57: {  	v2 =	vperm.xlane v2, v0;
	_ =	sdelay $0x1  }
0x58: {  	v2 =	vadd.s32 v1, v2;
	_ =	sdelay $0x3  }
0x59: {  	s26 =	simm.s32 $0x8080;
	s3 =	sadd.s32 $0x100, s19  }
0x5a: {  	[tilespmem:s26], [sflag:$0x1] =	stream.indirect_vreg.gather [hbm4b:s19+s2], $0x80, v2, vm0, $0xb8;
	[tilespmem:$0x10080] =	vst v63  }
0x5b: {  	s28 =	simm.s32 $0x8880;
	s30 =	sadd.s32 $0x200, s19;
	[smem:$0x7B2] =	sst s3  }
0x5c: {  	[tilespmem:s28], [sflag:$0x1] =	stream.indirect_vreg.gather [hbm4b:s3+s2], $0x80, v2, vm0, $0xb8;
	[tilespmem:$0x10080] =	vst v63  }
0x5d: {  	s31 =	simm.s32 $0x9080;
	s0 =	sadd.s32 $0x300, s19;
	[smem:$0x7B3] =	sst s30  }
0x5e: {  	[tilespmem:s31], [sflag:$0x1] =	stream.indirect_vreg.gather [hbm4b:s30+s2], $0x80, v2, vm0, $0xb8;
	[tilespmem:$0x10080] =	vst v63  }
0x5f: {  	s1 =	simm.s32 $0x9880;
	[smem:$0x7B4] =	sst s0;
	s3 =	sadd.s32 $0x400, s19  }
0x60: {  	[tilespmem:s1], [sflag:$0x1] =	stream.indirect_vreg.gather [hbm4b:s0+s2], $0x80, v2, vm0, $0xb8;
	[tilespmem:$0x10080] =	vst v63  }
0x61: {  	s25 =	simm.s32 $0xA080;
	s28 =	sadd.s32 $0x500, s19;
	[smem:$0x7B5] =	sst s3  }
0x62: {  	[tilespmem:s25], [sflag:$0x1] =	stream.indirect_vreg.gather [hbm4b:s3+s2], $0x80, v2, vm0, $0xb8;
	[tilespmem:$0x10080] =	vst v63  }
0x63: {  	[smem:$0x7B6] =	sst s28;
	s30 =	simm.s32 $0xA880;
	s0 =	sadd.s32 $0x800, s19  }
0x64: {  	[tilespmem:s30], [sflag:$0x1] =	stream.indirect_vreg.gather [hbm4b:s28+s2], $0x80, v2, vm0, $0xb8;
	[tilespmem:$0x10080] =	vst v63  }
0x65: {  	[smem:$0x7B9] =	sst s0;
	s3 =	sadd.s32 $0x600, s19;
	s25 =	simm.s32 $0xB080  }
0x66: {  	[tilespmem:s25], [sflag:$0x1] =	stream.indirect_vreg.gather [hbm4b:s3+s2], $0x80, v2, vm0, $0xb8;
	[tilespmem:$0x10080] =	vst v63  }
0x67: {  	[smem:$0x7B7] =	sst s3;
	s28 =	sadd.s32 $0x700, s19;
	s30 =	simm.s32 $0xB880  }
0x68: {  	[tilespmem:s30], [sflag:$0x1] =	stream.indirect_vreg.gather [hbm4b:s28+s2], $0x80, v2, vm0, $0xb8;
	[tilespmem:$0x10080] =	vst v63  }
0x69: {  	[smem:$0x7B8] =	sst s28;
	s3 =	simm.s32 $0xC080;
	s25 =	sadd.s32 $0x900, s19  }
0x6a: {  	[tilespmem:s3], [sflag:$0x1] =	stream.indirect_vreg.gather [hbm4b:s0+s2], $0x80, v2, vm0, $0xb8;
	[tilespmem:$0x10080] =	vst v63  }
0x6b: {  	[smem:$0x7BA] =	sst s25;
	s28 =	simm.s32 $0xC880;
	s0 =	sadd.s32 $0xA00, s19  }
0x6c: {  	[tilespmem:s28], [sflag:$0x1] =	stream.indirect_vreg.gather [hbm4b:s25+s2], $0x80, v2, vm0, $0xb8;
	[tilespmem:$0x10080] =	vst v63  }
0x6d: {  	s3 =	simm.s32 $0xD080;
	[smem:$0x7BB] =	sst s0;
	s25 =	sadd.s32 $0xB00, s19  }
0x6e: {  	[tilespmem:s3], [sflag:$0x1] =	stream.indirect_vreg.gather [hbm4b:s0+s2], $0x80, v2, vm0, $0xb8;
	[tilespmem:$0x10080] =	vst v63  }
0x6f: {  	s28 =	simm.s32 $0xD880;
	[smem:$0x7BC] =	sst s25;
	s0 =	sadd.s32 $0xC00, s19  }
0x70: {  	[tilespmem:s28], [sflag:$0x1] =	stream.indirect_vreg.gather [hbm4b:s25+s2], $0x80, v2, vm0, $0xb8;
	[tilespmem:$0x10080] =	vst v63  }
0x71: {  	s3 =	simm.s32 $0xE080;
	[smem:$0x7BD] =	sst s0;
	s25 =	sadd.s32 $0xD00, s19  }
0x72: {  	[tilespmem:s3], [sflag:$0x1] =	stream.indirect_vreg.gather [hbm4b:s0+s2], $0x80, v2, vm0, $0xb8;
	[tilespmem:$0x10080] =	vst v63  }
0x73: {  	s28 =	simm.s32 $0xE880;
	[smem:$0x7BE] =	sst s25;
	s3 =	sadd.s32 $0xE00, s19  }
0x74: {  	[tilespmem:s28], [sflag:$0x1] =	stream.indirect_vreg.gather [hbm4b:s25+s2], $0x80, v2, vm0, $0xb8;
	[tilespmem:$0x10080] =	vst v63  }
0x75: {  	s0 =	sadd.s32 $0xF00, s19;
	[smem:$0x7BF] =	sst s3;
	s25 =	simm.s32 $0xF080  }
0x76: {  	[tilespmem:s25], [sflag:$0x1] =	stream.indirect_vreg.gather [hbm4b:s3+s2], $0x80, v2, vm0, $0xb8;
	[tilespmem:$0x10080] =	vst v63  }
0x77: {  	[smem:$0x7C0] =	sst s0;
	s25 =	simm.s32 $0xF880  }
0x78: {  	[tilespmem:s25], [sflag:$0x1] =	stream.indirect_vreg.gather [hbm4b:s0+s2], $0x80, v2, vm0, $0xb8;
	[tilespmem:$0x10080] =	vst v63  }
0x79: {  	_ =	swait.ge [sflag:s11], $0x8000  }
0x7a: {  	[sflag:s11] =	ssyncset.done $0x0  }
0x7b: {  	s7 =	simm.s32 $0x8080;
	s25 =	rddreg [dreg:$0x5];
	[sflag:s11] =	ssyncadd.s32 $0xFFFF8000  }
0x7c: {  	[hbm4b:s25+s2] =	stream.linear.scatter [tilespmem:s7], [sflag:$0x3], $0x8000, $0x38;
	[tilespmem:$0x10080] =	vst v63  }
0x7d: {  	_ =	swait.ge [sflag:s5], $0x8000  }
0x7e: {  	[sflag:s5] =	ssyncset.done $0x0  }
0x7f: {  	[sflag:s5] =	ssyncadd.s32 $0xFFFF8000  }
0x80: {  	v2 =	vld.msk [tilespmem:$0x0], $0xff;
	_ =	sdelay $0x4  }
0x81: {  	v3 =	vshrl.u32 v2, $0x3  }
0x82: {  	v3 =	vmul.u32 $0x600, v3  }
0x83: {  	v2 =	vand.u32 $0x7, v2  }
0x84: {  	v2 =	vor.u32 v2, v3  }
0x85: {  	v2 =	vperm.xlane v2, v0;
	_ =	sdelay $0x1  }
0x86: {  	v2 =	vadd.s32 v1, v2;
	_ =	sdelay $0x4  }
0x87: {  	[tilespmem:s29], [sflag:$0x1] =	stream.indirect_vreg.gather [hbm4b:s20+s2], $0x80, v2, vm0, $0xb8;
	[tilespmem:$0x10080] =	vst v63  }
0x88: {  	s0 =	sadd.s32 $0x100, s20;
	s25 =	simm.s32 $0x880  }
0x89: {  	[tilespmem:s25], [sflag:$0x1] =	stream.indirect_vreg.gather [hbm4b:s0+s2], $0x80, v2, vm0, $0xb8;
	[tilespmem:$0x10080] =	vst v63  }
0x8a: {  	[smem:$0x7C1] =	sst s0;
	s0 =	sadd.s32 $0x200, s20;
	s25 =	simm.s32 $0x1080  }
0x8b: {  	[tilespmem:s25], [sflag:$0x1] =	stream.indirect_vreg.gather [hbm4b:s0+s2], $0x80, v2, vm0, $0xb8;
	[tilespmem:$0x10080] =	vst v63  }
0x8c: {  	[smem:$0x7C2] =	sst s0;
	s0 =	sadd.s32 $0x300, s20;
	s25 =	simm.s32 $0x1880  }
0x8d: {  	[tilespmem:s25], [sflag:$0x1] =	stream.indirect_vreg.gather [hbm4b:s0+s2], $0x80, v2, vm0, $0xb8;
	[tilespmem:$0x10080] =	vst v63  }
0x8e: {  	s24 =	simm.s32 $0x2080;
	[smem:$0x7C3] =	sst s0;
	s25 =	sadd.s32 $0x400, s20  }
0x8f: {  	[tilespmem:s24], [sflag:$0x1] =	stream.indirect_vreg.gather [hbm4b:s25+s2], $0x80, v2, vm0, $0xb8;
	[tilespmem:$0x10080] =	vst v63  }
0x90: {  	s18 =	simm.s32 $0x2880;
	[smem:$0x7C4] =	sst s25;
	s25 =	sadd.s32 $0x500, s20  }
0x91: {  	[tilespmem:s18], [sflag:$0x1] =	stream.indirect_vreg.gather [hbm4b:s25+s2], $0x80, v2, vm0, $0xb8;
	[tilespmem:$0x10080] =	vst v63  }
0x92: {  	s15 =	simm.s32 $0x3080;
	[smem:$0x7C5] =	sst s25;
	s25 =	sadd.s32 $0x600, s20  }
0x93: {  	[tilespmem:s15], [sflag:$0x1] =	stream.indirect_vreg.gather [hbm4b:s25+s2], $0x80, v2, vm0, $0xb8;
	[tilespmem:$0x10080] =	vst v63  }
0x94: {  	s13 =	simm.s32 $0x3880;
	[smem:$0x7C6] =	sst s25;
	s25 =	sadd.s32 $0x700, s20  }
0x95: {  	[tilespmem:s13], [sflag:$0x1] =	stream.indirect_vreg.gather [hbm4b:s25+s2], $0x80, v2, vm0, $0xb8;
	[tilespmem:$0x10080] =	vst v63  }
0x96: {  	s16 =	simm.s32 $0x4080;
	[smem:$0x7C7] =	sst s25;
	s25 =	sadd.s32 $0x800, s20  }
0x97: {  	[tilespmem:s16], [sflag:$0x1] =	stream.indirect_vreg.gather [hbm4b:s25+s2], $0x80, v2, vm0, $0xb8;
	[tilespmem:$0x10080] =	vst v63  }
0x98: {  	s14 =	simm.s32 $0x4880;
	[smem:$0x7C8] =	sst s25;
	s25 =	sadd.s32 $0x900, s20  }
0x99: {  	[tilespmem:s14], [sflag:$0x1] =	stream.indirect_vreg.gather [hbm4b:s25+s2], $0x80, v2, vm0, $0xb8;
	[tilespmem:$0x10080] =	vst v63  }
0x9a: {  	s17 =	simm.s32 $0x5080;
	[smem:$0x7C9] =	sst s25;
	s25 =	sadd.s32 $0xA00, s20  }
0x9b: {  	[tilespmem:s17], [sflag:$0x1] =	stream.indirect_vreg.gather [hbm4b:s25+s2], $0x80, v2, vm0, $0xb8;
	[tilespmem:$0x10080] =	vst v63  }
0x9c: {  	[smem:$0x7CA] =	sst s25;
	s17 =	sadd.s32 $0xB00, s20  }
0x9d: {  	s12 =	simm.s32 $0x5880;
	s25 =	sadd.s32 $0xC00, s20;
	[smem:$0x7CB] =	sst s17  }
0x9e: {  	[tilespmem:s12], [sflag:$0x1] =	stream.indirect_vreg.gather [hbm4b:s17+s2], $0x80, v2, vm0, $0xb8;
	[tilespmem:$0x10080] =	vst v63  }
0x9f: {  	s10 =	simm.s32 $0x6080;
	[smem:$0x7CC] =	sst s25;
	s17 =	sadd.s32 $0xD00, s20  }
0xa0: {  	[tilespmem:s10], [sflag:$0x1] =	stream.indirect_vreg.gather [hbm4b:s25+s2], $0x80, v2, vm0, $0xb8;
	[tilespmem:$0x10080] =	vst v63  }
0xa1: {  	s9 =	simm.s32 $0x6880;
	[smem:$0x7CD] =	sst s17;
	s25 =	sadd.s32 $0xE00, s20  }
0xa2: {  	[tilespmem:s9], [sflag:$0x1] =	stream.indirect_vreg.gather [hbm4b:s17+s2], $0x80, v2, vm0, $0xb8;
	[tilespmem:$0x10080] =	vst v63  }
0xa3: {  	s8 =	simm.s32 $0x7080;
	[smem:$0x7CE] =	sst s25;
	s17 =	sadd.s32 $0xF00, s20  }
0xa4: {  	[tilespmem:s8], [sflag:$0x1] =	stream.indirect_vreg.gather [hbm4b:s25+s2], $0x80, v2, vm0, $0xb8;
	[tilespmem:$0x10080] =	vst v63  }
0xa5: {  	s4 =	simm.s32 $0x7880;
	[smem:$0x7CF] =	sst s17  }
0xa6: {  	[tilespmem:s4], [sflag:$0x1] =	stream.indirect_vreg.gather [hbm4b:s17+s2], $0x80, v2, vm0, $0xb8;
	[tilespmem:$0x10080] =	vst v63  }
0xa7: {  	_ =	swait.ge [sflag:s11], $0x8000  }
0xa8: {  	[sflag:s11] =	ssyncset.done $0x0  }
0xa9: {  	s25 =	rddreg [dreg:$0x6];
	[sflag:s11] =	ssyncadd.s32 $0xFFFF8000  }
0xaa: {  	[hbm4b:s25+s2] =	stream.linear.scatter [tilespmem:s29], [sflag:$0x2], $0x8000, $0x38;
	[tilespmem:$0x10080] =	vst v63  }
0xab: {  	_ =	swait.ge [sflag:s6], $0x8000  }
0xac: {  	[sflag:s6] =	ssyncset.done $0x0  }
0xad: {  	[sflag:s6] =	ssyncadd.s32 $0xFFFF8000  }
0xae: {  	v2 =	vld.msk [tilespmem:$0x0], $0xff;
	_ =	sdelay $0x4  }
0xaf: {  	v3 =	vshrl.u32 v2, $0x3  }
0xb0: {  	v3 =	vmul.u32 $0x600, v3  }
0xb1: {  	v2 =	vand.u32 $0x7, v2  }
0xb2: {  	v2 =	vor.u32 v2, v3  }
0xb3: {  	v2 =	vperm.xlane v2, v0;
	_ =	sdelay $0x1  }
0xb4: {  	v2 =	vadd.s32 v1, v2;
	_ =	sdelay $0x4  }
0xb5: {  	[tilespmem:s7], [sflag:$0x1] =	stream.indirect_vreg.gather [hbm4b:s21+s2], $0x80, v2, vm0, $0xb8;
	[tilespmem:$0x10080] =	vst v63  }
0xb6: {  	s0 =	sadd.s32 $0x500, s21;
	s17 =	sadd.s32 $0x100, s21;
	s25 =	simm.s32 $0x8880  }
0xb7: {  	[tilespmem:s25], [sflag:$0x1] =	stream.indirect_vreg.gather [hbm4b:s17+s2], $0x80, v2, vm0, $0xb8;
	[tilespmem:$0x10080] =	vst v63  }
0xb8: {  	[smem:$0x7D0] =	sst s17;
	s17 =	sadd.s32 $0x200, s21;
	s25 =	simm.s32 $0x9080  }
0xb9: {  	[tilespmem:s25], [sflag:$0x1] =	stream.indirect_vreg.gather [hbm4b:s17+s2], $0x80, v2, vm0, $0xb8;
	[tilespmem:$0x10080] =	vst v63  }
0xba: {  	s26 =	simm.s32 $0x9880;
	[smem:$0x7D4] =	sst s0;
	s25 =	sadd.s32 $0x300, s21  }
0xbb: {  	[tilespmem:s26], [sflag:$0x1] =	stream.indirect_vreg.gather [hbm4b:s25+s2], $0x80, v2, vm0, $0xb8;
	[tilespmem:$0x10080] =	vst v63  }
0xbc: {  	s31 =	simm.s32 $0xA080;
	[smem:$0x7D2] =	sst s25;
	s25 =	sadd.s32 $0x400, s21  }
0xbd: {  	[tilespmem:s31], [sflag:$0x1] =	stream.indirect_vreg.gather [hbm4b:s25+s2], $0x80, v2, vm0, $0xb8;
	[tilespmem:$0x10080] =	vst v63  }
0xbe: {  	[smem:$0x7D3] =	sst s25;
	s25 =	simm.s32 $0xA880  }
0xbf: {  	[tilespmem:s25], [sflag:$0x1] =	stream.indirect_vreg.gather [hbm4b:s0+s2], $0x80, v2, vm0, $0xb8;
	[tilespmem:$0x10080] =	vst v63  }
0xc0: {  	[smem:$0x7D1] =	sst s17;
	s0 =	sadd.s32 $0x600, s21;
	s25 =	simm.s32 $0xB080  }
0xc1: {  	[tilespmem:s25], [sflag:$0x1] =	stream.indirect_vreg.gather [hbm4b:s0+s2], $0x80, v2, vm0, $0xb8;
	[tilespmem:$0x10080] =	vst v63  }
0xc2: {  	s30 =	simm.s32 $0xB880;
	[smem:$0x7D5] =	sst s0;
	s25 =	sadd.s32 $0x700, s21  }
0xc3: {  	[tilespmem:s30], [sflag:$0x1] =	stream.indirect_vreg.gather [hbm4b:s25+s2], $0x80, v2, vm0, $0xb8;
	[tilespmem:$0x10080] =	vst v63  }
0xc4: {  	[smem:$0x7D6] =	sst s25;
	s25 =	sadd.s32 $0x800, s21;
	s30 =	simm.s32 $0xC080  }
0xc5: {  	[tilespmem:s30], [sflag:$0x1] =	stream.indirect_vreg.gather [hbm4b:s25+s2], $0x80, v2, vm0, $0xb8;
	[tilespmem:$0x10080] =	vst v63  }
0xc6: {  	[smem:$0x7D7] =	sst s25;
	s25 =	sadd.s32 $0x900, s21;
	s30 =	simm.s32 $0xC880  }
0xc7: {  	[tilespmem:s30], [sflag:$0x1] =	stream.indirect_vreg.gather [hbm4b:s25+s2], $0x80, v2, vm0, $0xb8;
	[tilespmem:$0x10080] =	vst v63  }
0xc8: {  	[smem:$0x7D8] =	sst s25;
	s25 =	sadd.s32 $0xA00, s21;
	s30 =	simm.s32 $0xD080  }
0xc9: {  	[tilespmem:s30], [sflag:$0x1] =	stream.indirect_vreg.gather [hbm4b:s25+s2], $0x80, v2, vm0, $0xb8;
	[tilespmem:$0x10080] =	vst v63  }
0xca: {  	[smem:$0x7D9] =	sst s25;
	s25 =	sadd.s32 $0xB00, s21;
	s30 =	simm.s32 $0xD880  }
0xcb: {  	[tilespmem:s30], [sflag:$0x1] =	stream.indirect_vreg.gather [hbm4b:s25+s2], $0x80, v2, vm0, $0xb8;
	[tilespmem:$0x10080] =	vst v63  }
0xcc: {  	[smem:$0x7DA] =	sst s25;
	s25 =	sadd.s32 $0xC00, s21;
	s30 =	simm.s32 $0xE080  }
0xcd: {  	[tilespmem:s30], [sflag:$0x1] =	stream.indirect_vreg.gather [hbm4b:s25+s2], $0x80, v2, vm0, $0xb8;
	[tilespmem:$0x10080] =	vst v63  }
0xce: {  	[smem:$0x7DB] =	sst s25;
	s30 =	sadd.s32 $0xD00, s21  }
0xcf: {  	s28 =	simm.s32 $0xE880;
	s25 =	sadd.s32 $0xE00, s21;
	[smem:$0x7DC] =	sst s30  }
0xd0: {  	[tilespmem:s28], [sflag:$0x1] =	stream.indirect_vreg.gather [hbm4b:s30+s2], $0x80, v2, vm0, $0xb8;
	[tilespmem:$0x10080] =	vst v63  }
0xd1: {  	s3 =	simm.s32 $0xF080;
	[smem:$0x7DD] =	sst s25;
	s28 =	sadd.s32 $0xF00, s21  }
0xd2: {  	[tilespmem:s3], [sflag:$0x1] =	stream.indirect_vreg.gather [hbm4b:s25+s2], $0x80, v2, vm0, $0xb8;
	[tilespmem:$0x10080] =	vst v63  }
0xd3: {  	s1 =	simm.s32 $0xF880;
	[smem:$0x7DE] =	sst s28  }
0xd4: {  	[tilespmem:s1], [sflag:$0x1] =	stream.indirect_vreg.gather [hbm4b:s28+s2], $0x80, v2, vm0, $0xb8;
	[tilespmem:$0x10080] =	vst v63  }
0xd5: {  	_ =	swait.ge [sflag:s11], $0x8000  }
0xd6: {  	[sflag:s11] =	ssyncset.done $0x0  }
0xd7: {  	s30 =	rddreg [dreg:$0x7];
	[sflag:s11] =	ssyncadd.s32 $0xFFFF8000  }
0xd8: {  	[hbm4b:s30+s2] =	stream.linear.scatter [tilespmem:s7], [sflag:$0x3], $0x8000, $0x38;
	[tilespmem:$0x10080] =	vst v63  }
0xd9: {  	_ =	swait.ge [sflag:s5], $0x8000  }
0xda: {  	[sflag:s5] =	ssyncset.done $0x0  }
0xdb: {  	[sflag:s5] =	ssyncadd.s32 $0xFFFF8000  }
0xdc: {  	v2 =	vld.msk [tilespmem:$0x0], $0xff;
	_ =	sdelay $0x4  }
0xdd: {  	v3 =	vshrl.u32 v2, $0x3  }
0xde: {  	v3 =	vmul.u32 $0x600, v3  }
0xdf: {  	v2 =	vand.u32 $0x7, v2  }
0xe0: {  	v2 =	vor.u32 v2, v3  }
0xe1: {  	v2 =	vperm.xlane v2, v0;
	_ =	sdelay $0x1  }
0xe2: {  	v2 =	vadd.s32 v1, v2;
	_ =	sdelay $0x3  }
0xe3: {  	s24 =	simm.s32 $0x2080;
	s1 =	sadd.s32 $0x100, s22  }
0xe4: {  	[tilespmem:s29], [sflag:$0x1] =	stream.indirect_vreg.gather [hbm4b:s22+s2], $0x80, v2, vm0, $0xb8;
	[tilespmem:$0x10080] =	vst v63  }
0xe5: {  	s3 =	simm.s32 $0x880;
	s7 =	sadd.s32 $0x200, s22;
	[smem:$0x7DF] =	sst s1  }
0xe6: {  	[tilespmem:s3], [sflag:$0x1] =	stream.indirect_vreg.gather [hbm4b:s1+s2], $0x80, v2, vm0, $0xb8;
	[tilespmem:$0x10080] =	vst v63  }
0xe7: {  	s30 =	simm.s32 $0x1080;
	[smem:$0x7E0] =	sst s7;
	s3 =	sadd.s32 $0x300, s22  }
0xe8: {  	[tilespmem:s30], [sflag:$0x1] =	stream.indirect_vreg.gather [hbm4b:s7+s2], $0x80, v2, vm0, $0xb8;
	[tilespmem:$0x10080] =	vst v63  }
0xe9: {  	s1 =	sadd.s32 $0x500, s22;
	[smem:$0x7E1] =	sst s3;
	s7 =	simm.s32 $0x1880  }
0xea: {  	[tilespmem:s7], [sflag:$0x1] =	stream.indirect_vreg.gather [hbm4b:s3+s2], $0x80, v2, vm0, $0xb8;
	[tilespmem:$0x10080] =	vst v63  }
0xeb: {  	s18 =	simm.s32 $0x2880;
	[smem:$0x7E3] =	sst s1;
	s30 =	sadd.s32 $0x400, s22  }
0xec: {  	[tilespmem:s24], [sflag:$0x1] =	stream.indirect_vreg.gather [hbm4b:s30+s2], $0x80, v2, vm0, $0xb8;
	[tilespmem:$0x10080] =	vst v63  }
0xed: {  	s15 =	simm.s32 $0x3080;
	[smem:$0x7E2] =	sst s30;
	s3 =	sadd.s32 $0x600, s22  }
0xee: {  	[tilespmem:s18], [sflag:$0x1] =	stream.indirect_vreg.gather [hbm4b:s1+s2], $0x80, v2, vm0, $0xb8;
	[tilespmem:$0x10080] =	vst v63  }
0xef: {  	s13 =	simm.s32 $0x3880;
	s7 =	sadd.s32 $0x700, s22;
	[smem:$0x7E4] =	sst s3  }
0xf0: {  	[tilespmem:s15], [sflag:$0x1] =	stream.indirect_vreg.gather [hbm4b:s3+s2], $0x80, v2, vm0, $0xb8;
	[tilespmem:$0x10080] =	vst v63  }
0xf1: {  	s16 =	simm.s32 $0x4080;
	[smem:$0x7E5] =	sst s7;
	s24 =	sadd.s32 $0xA00, s22  }
0xf2: {  	[tilespmem:s13], [sflag:$0x1] =	stream.indirect_vreg.gather [hbm4b:s7+s2], $0x80, v2, vm0, $0xb8;
	[tilespmem:$0x10080] =	vst v63  }
0xf3: {  	[smem:$0x7E8] =	sst s24;
	s18 =	sadd.s32 $0x900, s22;
	s15 =	sadd.s32 $0x800, s22  }
0xf4: {  	[tilespmem:s16], [sflag:$0x1] =	stream.indirect_vreg.gather [hbm4b:s15+s2], $0x80, v2, vm0, $0xb8;
	[tilespmem:$0x10080] =	vst v63  }
0xf5: {  	s14 =	simm.s32 $0x4880;
	s1 =	sadd.s32 $0xB00, s22;
	[smem:$0x7E7] =	sst s18  }
0xf6: {  	[tilespmem:s14], [sflag:$0x1] =	stream.indirect_vreg.gather [hbm4b:s18+s2], $0x80, v2, vm0, $0xb8;
	[tilespmem:$0x10080] =	vst v63  }
0xf7: {  	s30 =	simm.s32 $0x5080;
	[smem:$0x7E9] =	sst s1  }
0xf8: {  	[tilespmem:s30], [sflag:$0x1] =	stream.indirect_vreg.gather [hbm4b:s24+s2], $0x80, v2, vm0, $0xb8;
	[tilespmem:$0x10080] =	vst v63  }
0xf9: {  	s12 =	simm.s32 $0x5880;
	s3 =	sadd.s32 $0xC00, s22;
	[smem:$0x7E6] =	sst s15  }
0xfa: {  	[tilespmem:s12], [sflag:$0x1] =	stream.indirect_vreg.gather [hbm4b:s1+s2], $0x80, v2, vm0, $0xb8;
	[tilespmem:$0x10080] =	vst v63  }
0xfb: {  	s10 =	simm.s32 $0x6080;
	[smem:$0x7EA] =	sst s3;
	s7 =	sadd.s32 $0xD00, s22  }
0xfc: {  	[tilespmem:s10], [sflag:$0x1] =	stream.indirect_vreg.gather [hbm4b:s3+s2], $0x80, v2, vm0, $0xb8;
	[tilespmem:$0x10080] =	vst v63  }
0xfd: {  	s9 =	simm.s32 $0x6880;
	[smem:$0x7EB] =	sst s7;
	s12 =	sadd.s32 $0xF00, s22  }
0xfe: {  	[tilespmem:s9], [sflag:$0x1] =	stream.indirect_vreg.gather [hbm4b:s7+s2], $0x80, v2, vm0, $0xb8;
	[tilespmem:$0x10080] =	vst v63  }
0xff: {  	s8 =	simm.s32 $0x7080;
	[smem:$0x7ED] =	sst s12;
	s10 =	sadd.s32 $0xE00, s22  }
0x100: {  	[tilespmem:s8], [sflag:$0x1] =	stream.indirect_vreg.gather [hbm4b:s10+s2], $0x80, v2, vm0, $0xb8;
	[tilespmem:$0x10080] =	vst v63  }
0x101: {  	s4 =	simm.s32 $0x7880;
	[smem:$0x7EC] =	sst s10  }
0x102: {  	[tilespmem:s4], [sflag:$0x1] =	stream.indirect_vreg.gather [hbm4b:s12+s2], $0x80, v2, vm0, $0xb8;
	[tilespmem:$0x10080] =	vst v63  }
0x103: {  	_ =	swait.ge [sflag:s11], $0x8000  }
0x104: {  	[sflag:s11] =	ssyncset.done $0x0  }
0x105: {  	s13 =	rddreg [dreg:$0x8];
	[sflag:s11] =	ssyncadd.s32 $0xFFFF8000  }
0x106: {  	[hbm4b:s13+s2] =	stream.linear.scatter [tilespmem:s29], [sflag:$0x2], $0x8000, $0x38;
	[tilespmem:$0x10080] =	vst v63  }
0x107: {  	_ =	swait.ge [sflag:s6], $0x8000  }
0x108: {  	[sflag:s6] =	ssyncset.done $0x0  }
0x109: {  	[sflag:s6] =	ssyncadd.s32 $0xFFFF8000  }
0x10a: {  	v2 =	vld.msk [tilespmem:$0x0], $0xff;
	_ =	sdelay $0x4  }
0x10b: {  	v3 =	vshrl.u32 v2, $0x3  }
0x10c: {  	v3 =	vmul.u32 $0x600, v3  }
0x10d: {  	v2 =	vand.u32 $0x7, v2  }
0x10e: {  	v2 =	vor.u32 v2, v3  }
0x10f: {  	v2 =	vperm.xlane v2, v0;
	_ =	sdelay $0x1  }
0x110: {  	v2 =	vadd.s32 v1, v2;
	_ =	sdelay $0x3  }
0x111: {  	s17 =	simm.s32 $0x9080;
	s0 =	simm.s32 $0x8080;
	s14 =	sadd.s32 $0x100, s23  }
0x112: {  	[tilespmem:s0], [sflag:$0x1] =	stream.indirect_vreg.gather [hbm4b:s23+s2], $0x80, v2, vm0, $0xb8;
	[tilespmem:$0x10080] =	vst v63  }
0x113: {  	s15 =	simm.s32 $0x8880;
	s16 =	sadd.s32 $0x200, s23;
	[smem:$0x7EE] =	sst s14  }
0x114: {  	[tilespmem:s15], [sflag:$0x1] =	stream.indirect_vreg.gather [hbm4b:s14+s2], $0x80, v2, vm0, $0xb8;
	[tilespmem:$0x10080] =	vst v63  }
0x115: {  	s26 =	simm.s32 $0x9880;
	s18 =	sadd.s32 $0x300, s23;
	[smem:$0x7EF] =	sst s16  }
0x116: {  	[tilespmem:s17], [sflag:$0x1] =	stream.indirect_vreg.gather [hbm4b:s16+s2], $0x80, v2, vm0, $0xb8;
	[tilespmem:$0x10080] =	vst v63  }
0x117: {  	s31 =	simm.s32 $0xA080;
	s24 =	sadd.s32 $0x400, s23;
	[smem:$0x7F0] =	sst s18  }
0x118: {  	[tilespmem:s26], [sflag:$0x1] =	stream.indirect_vreg.gather [hbm4b:s18+s2], $0x80, v2, vm0, $0xb8;
	[tilespmem:$0x10080] =	vst v63  }
0x119: {  	s30 =	sadd.s32 $0x600, s23;
	s3 =	sadd.s32 $0x700, s23;
	[smem:$0x7F1] =	sst s24  }
0x11a: {  	[tilespmem:s31], [sflag:$0x1] =	stream.indirect_vreg.gather [hbm4b:s24+s2], $0x80, v2, vm0, $0xb8;
	[tilespmem:$0x10080] =	vst v63  }
0x11b: {  	s29 =	simm.s32 $0xA880;
	[smem:$0x7F3] =	sst s30;
	s26 =	sadd.s32 $0x500, s23  }
0x11c: {  	[tilespmem:s29], [sflag:$0x1] =	stream.indirect_vreg.gather [hbm4b:s26+s2], $0x80, v2, vm0, $0xb8;
	[tilespmem:$0x10080] =	vst v63  }
0x11d: {  	s7 =	sadd.s32 $0x800, s23;
	[smem:$0x7F4] =	sst s3;
	s31 =	simm.s32 $0xB080  }
0x11e: {  	[tilespmem:s31], [sflag:$0x1] =	stream.indirect_vreg.gather [hbm4b:s30+s2], $0x80, v2, vm0, $0xb8;
	[tilespmem:$0x10080] =	vst v63  }
0x11f: {  	s9 =	sadd.s32 $0x900, s23;
	s4 =	simm.s32 $0xB880;
	[smem:$0x7F5] =	sst s7  }
0x120: {  	[tilespmem:s4], [sflag:$0x1] =	stream.indirect_vreg.gather [hbm4b:s3+s2], $0x80, v2, vm0, $0xb8;
	[tilespmem:$0x10080] =	vst v63  }
0x121: {  	s8 =	simm.s32 $0xC080;
	s12 =	sadd.s32 $0xA00, s23;
	[smem:$0x7F6] =	sst s9  }
0x122: {  	[tilespmem:s8], [sflag:$0x1] =	stream.indirect_vreg.gather [hbm4b:s7+s2], $0x80, v2, vm0, $0xb8;
	[tilespmem:$0x10080] =	vst v63  }
0x123: {  	s10 =	simm.s32 $0xC880;
	[smem:$0x7F7] =	sst s12;
	s14 =	sadd.s32 $0xB00, s23  }
0x124: {  	[tilespmem:s10], [sflag:$0x1] =	stream.indirect_vreg.gather [hbm4b:s9+s2], $0x80, v2, vm0, $0xb8;
	[tilespmem:$0x10080] =	vst v63  }
0x125: {  	s13 =	simm.s32 $0xD080;
	[smem:$0x7F8] =	sst s14;
	s16 =	sadd.s32 $0xC00, s23  }
0x126: {  	[tilespmem:s13], [sflag:$0x1] =	stream.indirect_vreg.gather [hbm4b:s12+s2], $0x80, v2, vm0, $0xb8;
	[tilespmem:$0x10080] =	vst v63  }
0x127: {  	s15 =	simm.s32 $0xD880;
	[smem:$0x7F9] =	sst s16  }
0x128: {  	[tilespmem:s15], [sflag:$0x1] =	stream.indirect_vreg.gather [hbm4b:s14+s2], $0x80, v2, vm0, $0xb8;
	[tilespmem:$0x10080] =	vst v63  }
0x129: {  	s17 =	simm.s32 $0xE080;
	s18 =	sadd.s32 $0xD00, s23;
	[smem:$0x7F2] =	sst s26  }
0x12a: {  	[tilespmem:s17], [sflag:$0x1] =	stream.indirect_vreg.gather [hbm4b:s16+s2], $0x80, v2, vm0, $0xb8;
	[tilespmem:$0x10080] =	vst v63  }
0x12b: {  	[smem:$0x7FA] =	sst s18;
	s24 =	sadd.s32 $0xE00, s23;
	s15 =	simm.s32 $0xE880  }
0x12c: {  	[tilespmem:s15], [sflag:$0x1] =	stream.indirect_vreg.gather [hbm4b:s18+s2], $0x80, v2, vm0, $0xb8;
	[tilespmem:$0x10080] =	vst v63  }
0x12d: {  	s25 =	simm.s32 $0xF080;
	[smem:$0x7FB] =	sst s24;
	s26 =	sadd.s32 $0xF00, s23  }
0x12e: {  	[tilespmem:s25], [sflag:$0x1] =	stream.indirect_vreg.gather [hbm4b:s24+s2], $0x80, v2, vm0, $0xb8;
	[tilespmem:$0x10080] =	vst v63  }
0x12f: {  	s28 =	simm.s32 $0xF880;
	[smem:$0x7FC] =	sst s26  }
0x130: {  	[tilespmem:s28], [sflag:$0x1] =	stream.indirect_vreg.gather [hbm4b:s26+s2], $0x80, v2, vm0, $0xb8;
	[tilespmem:$0x10080] =	vst v63  }
0x131: {  	_ =	swait.ge [sflag:s11], $0x8000  }
0x132: {  	[sflag:s11] =	ssyncset.done $0x0  }
0x133: {  	s28 =	rddreg [dreg:$0x9];
	[sflag:s11] =	ssyncadd.s32 $0xFFFF8000  }
0x134: {  	[hbm4b:s28+s2] =	stream.linear.scatter [tilespmem:s0], [sflag:$0x3], $0x8000, $0x38;
	[tilespmem:$0x10080] =	vst v63  }
0x135: {  	_ =	swait.ge [sflag:s5], $0x8000  }
0x136: {  	[sflag:s5] =	ssyncset.done $0x0  }
0x137: {  	[sflag:s5] =	ssyncadd.s32 $0xFFFF8000  }
0x138: {  	v2 =	vld.msk [tilespmem:$0x8], $0xff;
	_ =	sdelay $0x4  }
0x139: {  	v3 =	vshrl.u32 v2, $0x3  }
0x13a: {  	v3 =	vmul.u32 $0x600, v3  }
0x13b: {  	v2 =	vand.u32 $0x7, v2  }
0x13c: {  	v2 =	vor.u32 v2, v3  }
0x13d: {  	v2 =	vperm.xlane v2, v0;
	_ =	sdelay $0x1  }
0x13e: {  	v2 =	vadd.s32 v1, v2;
	_ =	sdelay $0x3  }
0x13f: {  	s14 =	simm.s32 $0x80;
	s29 =	rddreg [dreg:$0x10]  }
0x140: {  	[tilespmem:s14], [sflag:$0x1] =	stream.indirect_vreg.gather [hbm4b:s29+s2], $0x80, v2, vm0, $0xb8;
	[tilespmem:$0x10080] =	vst v63  }
0x141: {  	s31 =	simm.s32 $0x880;
	s30 =	rddreg [dreg:$0x11]  }
0x142: {  	[tilespmem:s31], [sflag:$0x1] =	stream.indirect_vreg.gather [hbm4b:s30+s2], $0x80, v2, vm0, $0xb8;
	[tilespmem:$0x10080] =	vst v63  }
0x143: {  	s16 =	simm.s32 $0x1080;
	s1 =	rddreg [dreg:$0x12]  }
0x144: {  	[tilespmem:s16], [sflag:$0x1] =	stream.indirect_vreg.gather [hbm4b:s1+s2], $0x80, v2, vm0, $0xb8;
	[tilespmem:$0x10080] =	vst v63  }
0x145: {  	s10 =	simm.s32 $0x1880;
	s3 =	rddreg [dreg:$0x13]  }
0x146: {  	[tilespmem:s10], [sflag:$0x1] =	stream.indirect_vreg.gather [hbm4b:s3+s2], $0x80, v2, vm0, $0xb8;
	[tilespmem:$0x10080] =	vst v63  }
0x147: {  	s9 =	simm.s32 $0x2080;
	s4 =	rddreg [dreg:$0x14]  }
0x148: {  	[tilespmem:s9], [sflag:$0x1] =	stream.indirect_vreg.gather [hbm4b:s4+s2], $0x80, v2, vm0, $0xb8;
	[tilespmem:$0x10080] =	vst v63  }
0x149: {  	s8 =	simm.s32 $0x2880;
	s7 =	rddreg [dreg:$0x15]  }
0x14a: {  	[tilespmem:s8], [sflag:$0x1] =	stream.indirect_vreg.gather [hbm4b:s7+s2], $0x80, v2, vm0, $0xb8;
	[tilespmem:$0x10080] =	vst v63  }
0x14b: {  	s12 =	rddreg [dreg:$0x16];
	s4 =	simm.s32 $0x3080  }
0x14c: {  	[tilespmem:s4], [sflag:$0x1] =	stream.indirect_vreg.gather [hbm4b:s12+s2], $0x80, v2, vm0, $0xb8;
	[tilespmem:$0x10080] =	vst v63  }
0x14d: {  	s13 =	simm.s32 $0x3880;
	s17 =	rddreg [dreg:$0x17]  }
0x14e: {  	[tilespmem:s13], [sflag:$0x1] =	stream.indirect_vreg.gather [hbm4b:s17+s2], $0x80, v2, vm0, $0xb8;
	[tilespmem:$0x10080] =	vst v63  }
0x14f: {  	s18 =	rddreg [dreg:$0x18];
	s17 =	simm.s32 $0x4080  }
0x150: {  	[tilespmem:s17], [sflag:$0x1] =	stream.indirect_vreg.gather [hbm4b:s18+s2], $0x80, v2, vm0, $0xb8;
	[tilespmem:$0x10080] =	vst v63  }
0x151: {  	s24 =	rddreg [dreg:$0x19];
	s18 =	simm.s32 $0x4880  }
0x152: {  	[tilespmem:s18], [sflag:$0x1] =	stream.indirect_vreg.gather [hbm4b:s24+s2], $0x80, v2, vm0, $0xb8;
	[tilespmem:$0x10080] =	vst v63  }
0x153: {  	s25 =	rddreg [dreg:$0x1a];
	s24 =	simm.s32 $0x5080  }
0x154: {  	[tilespmem:s24], [sflag:$0x1] =	stream.indirect_vreg.gather [hbm4b:s25+s2], $0x80, v2, vm0, $0xb8;
	[tilespmem:$0x10080] =	vst v63  }
0x155: {  	s26 =	rddreg [dreg:$0x1b];
	s1 =	simm.s32 $0x5880  }
0x156: {  	[tilespmem:s1], [sflag:$0x1] =	stream.indirect_vreg.gather [hbm4b:s26+s2], $0x80, v2, vm0, $0xb8;
	[tilespmem:$0x10080] =	vst v63  }
0x157: {  	s28 =	rddreg [dreg:$0x1c];
	s3 =	simm.s32 $0x6080  }
0x158: {  	[tilespmem:s3], [sflag:$0x1] =	stream.indirect_vreg.gather [hbm4b:s28+s2], $0x80, v2, vm0, $0xb8;
	[tilespmem:$0x10080] =	vst v63  }
0x159: {  	s29 =	rddreg [dreg:$0x1d];
	s7 =	simm.s32 $0x6880  }
0x15a: {  	[tilespmem:s7], [sflag:$0x1] =	stream.indirect_vreg.gather [hbm4b:s29+s2], $0x80, v2, vm0, $0xb8;
	[tilespmem:$0x10080] =	vst v63  }
0x15b: {  	s30 =	rddreg [dreg:$0x1e];
	s12 =	simm.s32 $0x7080  }
0x15c: {  	[tilespmem:s12], [sflag:$0x1] =	stream.indirect_vreg.gather [hbm4b:s30+s2], $0x80, v2, vm0, $0xb8;
	[tilespmem:$0x10080] =	vst v63  }
0x15d: {  	s0 =	rddreg [dreg:$0x1f];
	s13 =	simm.s32 $0x7880  }
0x15e: {  	[tilespmem:s13], [sflag:$0x1] =	stream.indirect_vreg.gather [hbm4b:s0+s2], $0x80, v2, vm0, $0xb8;
	[tilespmem:$0x10080] =	vst v63  }
0x15f: {  	_ =	swait.ge [sflag:s11], $0x8000  }
0x160: {  	[sflag:s11] =	ssyncset.done $0x0  }
0x161: {  	s26 =	rddreg [dreg:$0xa];
	[sflag:s11] =	ssyncadd.s32 $0xFFFF8000  }
0x162: {  	[hbm4b:s26+s2] =	stream.linear.scatter [tilespmem:s14], [sflag:$0x2], $0x8000, $0x38;
	[tilespmem:$0x10080] =	vst v63  }
0x163: {  	_ =	swait.ge [sflag:s6], $0x8000  }
0x164: {  	[sflag:s6] =	ssyncset.done $0x0  }
0x165: {  	[sflag:s6] =	ssyncadd.s32 $0xFFFF8000  }
0x166: {  	v2 =	vld.msk [tilespmem:$0x8], $0xff;
	_ =	sdelay $0x4  }
0x167: {  	v3 =	vshrl.u32 v2, $0x3  }
0x168: {  	v3 =	vmul.u32 $0x600, v3  }
0x169: {  	v2 =	vand.u32 $0x7, v2  }
0x16a: {  	v2 =	vor.u32 v2, v3  }
0x16b: {  	v2 =	vperm.xlane v2, v0;
	_ =	sdelay $0x1  }
0x16c: {  	v2 =	vadd.s32 v1, v2;
	_ =	sdelay $0x3  }
0x16d: {  	s0 =	simm.s32 $0x8080;
	s28 =	sld [smem:$0x7B2]  }
0x16e: {  	[tilespmem:s0], [sflag:$0x1] =	stream.indirect_vreg.gather [hbm4b:s19+s2], $0x80, v2, vm0, $0xb8;
	[tilespmem:$0x10080] =	vst v63  }
0x16f: {  	s14 =	simm.s32 $0x8880;
	s29 =	sld [smem:$0x7B3]  }
0x170: {  	[tilespmem:s14], [sflag:$0x1] =	stream.indirect_vreg.gather [hbm4b:s28+s2], $0x80, v2, vm0, $0xb8;
	[tilespmem:$0x10080] =	vst v63  }
0x171: {  	s25 =	simm.s32 $0x9080;
	s30 =	sld [smem:$0x7B4]  }
0x172: {  	[tilespmem:s25], [sflag:$0x1] =	stream.indirect_vreg.gather [hbm4b:s29+s2], $0x80, v2, vm0, $0xb8;
	[tilespmem:$0x10080] =	vst v63  }
0x173: {  	s26 =	simm.s32 $0x9880;
	s29 =	sld [smem:$0x7B5]  }
0x174: {  	[tilespmem:s26], [sflag:$0x1] =	stream.indirect_vreg.gather [hbm4b:s30+s2], $0x80, v2, vm0, $0xb8;
	[tilespmem:$0x10080] =	vst v63  }
0x175: {  	s28 =	simm.s32 $0xA080;
	s30 =	sld [smem:$0x7B6]  }
0x176: {  	[tilespmem:s28], [sflag:$0x1] =	stream.indirect_vreg.gather [hbm4b:s29+s2], $0x80, v2, vm0, $0xb8;
	[tilespmem:$0x10080] =	vst v63  }
0x177: {  	s29 =	simm.s32 $0xA880  }
0x178: {  	[tilespmem:s29], [sflag:$0x1] =	stream.indirect_vreg.gather [hbm4b:s30+s2], $0x80, v2, vm0, $0xb8;
	[tilespmem:$0x10080] =	vst v63  }
0x179: {  	s30 =	sld [smem:$0x7B7];
	_ =	sdelay $0x1  }
0x17a: {  	s29 =	simm.s32 $0xB080  }
0x17b: {  	[tilespmem:s29], [sflag:$0x1] =	stream.indirect_vreg.gather [hbm4b:s30+s2], $0x80, v2, vm0, $0xb8;
	[tilespmem:$0x10080] =	vst v63  }
0x17c: {  	s30 =	sld [smem:$0x7B8];
	_ =	sdelay $0x1  }
0x17d: {  	s29 =	simm.s32 $0xB880  }
0x17e: {  	[tilespmem:s29], [sflag:$0x1] =	stream.indirect_vreg.gather [hbm4b:s30+s2], $0x80, v2, vm0, $0xb8;
	[tilespmem:$0x10080] =	vst v63  }
0x17f: {  	s30 =	sld [smem:$0x7B9];
	_ =	sdelay $0x1  }
0x180: {  	s29 =	simm.s32 $0xC080  }
0x181: {  	[tilespmem:s29], [sflag:$0x1] =	stream.indirect_vreg.gather [hbm4b:s30+s2], $0x80, v2, vm0, $0xb8;
	[tilespmem:$0x10080] =	vst v63  }
0x182: {  	s30 =	sld [smem:$0x7BA];
	_ =	sdelay $0x1  }
0x183: {  	s29 =	simm.s32 $0xC880  }
0x184: {  	[tilespmem:s29], [sflag:$0x1] =	stream.indirect_vreg.gather [hbm4b:s30+s2], $0x80, v2, vm0, $0xb8;
	[tilespmem:$0x10080] =	vst v63  }
0x185: {  	s30 =	sld [smem:$0x7BB];
	_ =	sdelay $0x1  }
0x186: {  	s29 =	simm.s32 $0xD080  }
0x187: {  	[tilespmem:s29], [sflag:$0x1] =	stream.indirect_vreg.gather [hbm4b:s30+s2], $0x80, v2, vm0, $0xb8;
	[tilespmem:$0x10080] =	vst v63  }
0x188: {  	s30 =	sld [smem:$0x7BC];
	_ =	sdelay $0x1  }
0x189: {  	s29 =	simm.s32 $0xD880  }
0x18a: {  	[tilespmem:s29], [sflag:$0x1] =	stream.indirect_vreg.gather [hbm4b:s30+s2], $0x80, v2, vm0, $0xb8;
	[tilespmem:$0x10080] =	vst v63  }
0x18b: {  	s30 =	sld [smem:$0x7BD];
	_ =	sdelay $0x1  }
0x18c: {  	s29 =	simm.s32 $0xE080  }
0x18d: {  	[tilespmem:s29], [sflag:$0x1] =	stream.indirect_vreg.gather [hbm4b:s30+s2], $0x80, v2, vm0, $0xb8;
	[tilespmem:$0x10080] =	vst v63  }
0x18e: {  	s30 =	sld [smem:$0x7BE];
	_ =	sdelay $0x2  }
0x18f: {  	[tilespmem:s15], [sflag:$0x1] =	stream.indirect_vreg.gather [hbm4b:s30+s2], $0x80, v2, vm0, $0xb8;
	[tilespmem:$0x10080] =	vst v63  }
0x190: {  	s30 =	sld [smem:$0x7BF];
	_ =	sdelay $0x1  }
0x191: {  	s15 =	simm.s32 $0xF080  }
0x192: {  	[tilespmem:s15], [sflag:$0x1] =	stream.indirect_vreg.gather [hbm4b:s30+s2], $0x80, v2, vm0, $0xb8;
	[tilespmem:$0x10080] =	vst v63  }
0x193: {  	s30 =	sld [smem:$0x7C0];
	_ =	sdelay $0x1  }
0x194: {  	s29 =	simm.s32 $0xF880  }
0x195: {  	[tilespmem:s29], [sflag:$0x1] =	stream.indirect_vreg.gather [hbm4b:s30+s2], $0x80, v2, vm0, $0xb8;
	[tilespmem:$0x10080] =	vst v63  }
0x196: {  	_ =	swait.ge [sflag:s11], $0x8000  }
0x197: {  	[sflag:s11] =	ssyncset.done $0x0  }
0x198: {  	s30 =	rddreg [dreg:$0xb];
	[sflag:s11] =	ssyncadd.s32 $0xFFFF8000  }
0x199: {  	[hbm4b:s30+s2] =	stream.linear.scatter [tilespmem:s0], [sflag:$0x3], $0x8000, $0x38;
	[tilespmem:$0x10080] =	vst v63  }
0x19a: {  	_ =	swait.ge [sflag:s5], $0x8000  }
0x19b: {  	[sflag:s5] =	ssyncset.done $0x0  }
0x19c: {  	[sflag:s5] =	ssyncadd.s32 $0xFFFF8000  }
0x19d: {  	v2 =	vld.msk [tilespmem:$0x8], $0xff;
	_ =	sdelay $0x4  }
0x19e: {  	v3 =	vshrl.u32 v2, $0x3  }
0x19f: {  	v3 =	vmul.u32 $0x600, v3  }
0x1a0: {  	v2 =	vand.u32 $0x7, v2  }
0x1a1: {  	v2 =	vor.u32 v2, v3  }
0x1a2: {  	v2 =	vperm.xlane v2, v0;
	_ =	sdelay $0x1  }
0x1a3: {  	v2 =	vadd.s32 v1, v2;
	_ =	sdelay $0x3  }
0x1a4: {  	s0 =	simm.s32 $0x80;
	s30 =	sld [smem:$0x7C1]  }
0x1a5: {  	[tilespmem:s0], [sflag:$0x1] =	stream.indirect_vreg.gather [hbm4b:s20+s2], $0x80, v2, vm0, $0xb8;
	[tilespmem:$0x10080] =	vst v63  }
0x1a6: {  	_ = 	snop  }
0x1a7: {  	[tilespmem:s31], [sflag:$0x1] =	stream.indirect_vreg.gather [hbm4b:s30+s2], $0x80, v2, vm0, $0xb8;
	[tilespmem:$0x10080] =	vst v63  }
0x1a8: {  	s30 =	sld [smem:$0x7C2];
	_ =	sdelay $0x2  }
0x1a9: {  	[tilespmem:s16], [sflag:$0x1] =	stream.indirect_vreg.gather [hbm4b:s30+s2], $0x80, v2, vm0, $0xb8;
	[tilespmem:$0x10080] =	vst v63  }
0x1aa: {  	s30 =	sld [smem:$0x7C3];
	_ =	sdelay $0x2  }
0x1ab: {  	[tilespmem:s10], [sflag:$0x1] =	stream.indirect_vreg.gather [hbm4b:s30+s2], $0x80, v2, vm0, $0xb8;
	[tilespmem:$0x10080] =	vst v63  }
0x1ac: {  	s30 =	sld [smem:$0x7C4];
	_ =	sdelay $0x2  }
0x1ad: {  	[tilespmem:s9], [sflag:$0x1] =	stream.indirect_vreg.gather [hbm4b:s30+s2], $0x80, v2, vm0, $0xb8;
	[tilespmem:$0x10080] =	vst v63  }
0x1ae: {  	s30 =	sld [smem:$0x7C5];
	_ =	sdelay $0x2  }
0x1af: {  	[tilespmem:s8], [sflag:$0x1] =	stream.indirect_vreg.gather [hbm4b:s30+s2], $0x80, v2, vm0, $0xb8;
	[tilespmem:$0x10080] =	vst v63  }
0x1b0: {  	s30 =	sld [smem:$0x7C6];
	_ =	sdelay $0x2  }
0x1b1: {  	[tilespmem:s4], [sflag:$0x1] =	stream.indirect_vreg.gather [hbm4b:s30+s2], $0x80, v2, vm0, $0xb8;
	[tilespmem:$0x10080] =	vst v63  }
0x1b2: {  	s30 =	sld [smem:$0x7C7];
	_ =	sdelay $0x1  }
0x1b3: {  	s4 =	simm.s32 $0x3880  }
0x1b4: {  	[tilespmem:s4], [sflag:$0x1] =	stream.indirect_vreg.gather [hbm4b:s30+s2], $0x80, v2, vm0, $0xb8;
	[tilespmem:$0x10080] =	vst v63  }
0x1b5: {  	s4 =	sld [smem:$0x7C8];
	_ =	sdelay $0x2  }
0x1b6: {  	[tilespmem:s17], [sflag:$0x1] =	stream.indirect_vreg.gather [hbm4b:s4+s2], $0x80, v2, vm0, $0xb8;
	[tilespmem:$0x10080] =	vst v63  }
0x1b7: {  	s4 =	sld [smem:$0x7C9];
	_ =	sdelay $0x2  }
0x1b8: {  	[tilespmem:s18], [sflag:$0x1] =	stream.indirect_vreg.gather [hbm4b:s4+s2], $0x80, v2, vm0, $0xb8;
	[tilespmem:$0x10080] =	vst v63  }
0x1b9: {  	s4 =	sld [smem:$0x7CA];
	_ =	sdelay $0x2  }
0x1ba: {  	[tilespmem:s24], [sflag:$0x1] =	stream.indirect_vreg.gather [hbm4b:s4+s2], $0x80, v2, vm0, $0xb8;
	[tilespmem:$0x10080] =	vst v63  }
0x1bb: {  	s4 =	sld [smem:$0x7CB];
	_ =	sdelay $0x2  }
0x1bc: {  	[tilespmem:s1], [sflag:$0x1] =	stream.indirect_vreg.gather [hbm4b:s4+s2], $0x80, v2, vm0, $0xb8;
	[tilespmem:$0x10080] =	vst v63  }
0x1bd: {  	s4 =	sld [smem:$0x7CC];
	_ =	sdelay $0x1  }
0x1be: {  	s1 =	sld [smem:$0x7CD]  }
0x1bf: {  	[tilespmem:s3], [sflag:$0x1] =	stream.indirect_vreg.gather [hbm4b:s4+s2], $0x80, v2, vm0, $0xb8;
	[tilespmem:$0x10080] =	vst v63  }
0x1c0: {  	s4 =	sld [smem:$0x7CE]  }
0x1c1: {  	[tilespmem:s7], [sflag:$0x1] =	stream.indirect_vreg.gather [hbm4b:s1+s2], $0x80, v2, vm0, $0xb8;
	[tilespmem:$0x10080] =	vst v63  }
0x1c2: {  	s1 =	sld [smem:$0x7CF]  }
0x1c3: {  	[tilespmem:s12], [sflag:$0x1] =	stream.indirect_vreg.gather [hbm4b:s4+s2], $0x80, v2, vm0, $0xb8;
	[tilespmem:$0x10080] =	vst v63  }
0x1c4: {  	_ = 	snop  }
0x1c5: {  	[tilespmem:s13], [sflag:$0x1] =	stream.indirect_vreg.gather [hbm4b:s1+s2], $0x80, v2, vm0, $0xb8;
	[tilespmem:$0x10080] =	vst v63  }
0x1c6: {  	_ =	swait.ge [sflag:s11], $0x8000  }
0x1c7: {  	[sflag:s11] =	ssyncset.done $0x0  }
0x1c8: {  	s4 =	rddreg [dreg:$0xc];
	[sflag:s11] =	ssyncadd.s32 $0xFFFF8000  }
0x1c9: {  	[hbm4b:s4+s2] =	stream.linear.scatter [tilespmem:s0], [sflag:$0x2], $0x8000, $0x38;
	[tilespmem:$0x10080] =	vst v63  }
0x1ca: {  	_ =	swait.ge [sflag:s6], $0x8000  }
0x1cb: {  	[sflag:s6] =	ssyncset.done $0x0  }
0x1cc: {  	[sflag:s6] =	ssyncadd.s32 $0xFFFF8000  }
0x1cd: {  	v2 =	vld.msk [tilespmem:$0x8], $0xff;
	_ =	sdelay $0x4  }
0x1ce: {  	v3 =	vshrl.u32 v2, $0x3  }
0x1cf: {  	v3 =	vmul.u32 $0x600, v3  }
0x1d0: {  	v2 =	vand.u32 $0x7, v2  }
0x1d1: {  	v2 =	vor.u32 v2, v3  }
0x1d2: {  	v2 =	vperm.xlane v2, v0;
	_ =	sdelay $0x1  }
0x1d3: {  	v2 =	vadd.s32 v1, v2;
	_ =	sdelay $0x3  }
0x1d4: {  	s1 =	simm.s32 $0x8080;
	s0 =	sld [smem:$0x7D0]  }
0x1d5: {  	[tilespmem:s1], [sflag:$0x1] =	stream.indirect_vreg.gather [hbm4b:s21+s2], $0x80, v2, vm0, $0xb8;
	[tilespmem:$0x10080] =	vst v63  }
0x1d6: {  	_ = 	snop  }
0x1d7: {  	[tilespmem:s14], [sflag:$0x1] =	stream.indirect_vreg.gather [hbm4b:s0+s2], $0x80, v2, vm0, $0xb8;
	[tilespmem:$0x10080] =	vst v63  }
0x1d8: {  	s0 =	sld [smem:$0x7D1];
	_ =	sdelay $0x2  }
0x1d9: {  	[tilespmem:s25], [sflag:$0x1] =	stream.indirect_vreg.gather [hbm4b:s0+s2], $0x80, v2, vm0, $0xb8;
	[tilespmem:$0x10080] =	vst v63  }
0x1da: {  	s0 =	sld [smem:$0x7D2];
	_ =	sdelay $0x2  }
0x1db: {  	[tilespmem:s26], [sflag:$0x1] =	stream.indirect_vreg.gather [hbm4b:s0+s2], $0x80, v2, vm0, $0xb8;
	[tilespmem:$0x10080] =	vst v63  }
0x1dc: {  	s0 =	sld [smem:$0x7D3];
	_ =	sdelay $0x1  }
0x1dd: {  	s30 =	sld [smem:$0x7D4]  }
0x1de: {  	[tilespmem:s28], [sflag:$0x1] =	stream.indirect_vreg.gather [hbm4b:s0+s2], $0x80, v2, vm0, $0xb8;
	[tilespmem:$0x10080] =	vst v63  }
0x1df: {  	s0 =	simm.s32 $0xA880  }
0x1e0: {  	[tilespmem:s0], [sflag:$0x1] =	stream.indirect_vreg.gather [hbm4b:s30+s2], $0x80, v2, vm0, $0xb8;
	[tilespmem:$0x10080] =	vst v63  }
0x1e1: {  	s30 =	sld [smem:$0x7D5];
	_ =	sdelay $0x1  }
0x1e2: {  	s0 =	simm.s32 $0xB080  }
0x1e3: {  	[tilespmem:s0], [sflag:$0x1] =	stream.indirect_vreg.gather [hbm4b:s30+s2], $0x80, v2, vm0, $0xb8;
	[tilespmem:$0x10080] =	vst v63  }
0x1e4: {  	s30 =	sld [smem:$0x7D6];
	_ =	sdelay $0x1  }
0x1e5: {  	s0 =	simm.s32 $0xB880  }
0x1e6: {  	[tilespmem:s0], [sflag:$0x1] =	stream.indirect_vreg.gather [hbm4b:s30+s2], $0x80, v2, vm0, $0xb8;
	[tilespmem:$0x10080] =	vst v63  }
0x1e7: {  	s30 =	sld [smem:$0x7D7];
	_ =	sdelay $0x1  }
0x1e8: {  	s0 =	simm.s32 $0xC080  }
0x1e9: {  	[tilespmem:s0], [sflag:$0x1] =	stream.indirect_vreg.gather [hbm4b:s30+s2], $0x80, v2, vm0, $0xb8;
	[tilespmem:$0x10080] =	vst v63  }
0x1ea: {  	s30 =	sld [smem:$0x7D8];
	_ =	sdelay $0x1  }
0x1eb: {  	s0 =	simm.s32 $0xC880  }
0x1ec: {  	[tilespmem:s0], [sflag:$0x1] =	stream.indirect_vreg.gather [hbm4b:s30+s2], $0x80, v2, vm0, $0xb8;
	[tilespmem:$0x10080] =	vst v63  }
0x1ed: {  	s30 =	sld [smem:$0x7D9];
	_ =	sdelay $0x1  }
0x1ee: {  	s0 =	simm.s32 $0xD080  }
0x1ef: {  	[tilespmem:s0], [sflag:$0x1] =	stream.indirect_vreg.gather [hbm4b:s30+s2], $0x80, v2, vm0, $0xb8;
	[tilespmem:$0x10080] =	vst v63  }
0x1f0: {  	s30 =	sld [smem:$0x7DA];
	_ =	sdelay $0x1  }
0x1f1: {  	s0 =	simm.s32 $0xD880  }
0x1f2: {  	[tilespmem:s0], [sflag:$0x1] =	stream.indirect_vreg.gather [hbm4b:s30+s2], $0x80, v2, vm0, $0xb8;
	[tilespmem:$0x10080] =	vst v63  }
0x1f3: {  	s30 =	sld [smem:$0x7DB];
	_ =	sdelay $0x1  }
0x1f4: {  	s0 =	simm.s32 $0xE080  }
0x1f5: {  	[tilespmem:s0], [sflag:$0x1] =	stream.indirect_vreg.gather [hbm4b:s30+s2], $0x80, v2, vm0, $0xb8;
	[tilespmem:$0x10080] =	vst v63  }
0x1f6: {  	s30 =	sld [smem:$0x7DC];
	_ =	sdelay $0x1  }
0x1f7: {  	s0 =	simm.s32 $0xE880  }
0x1f8: {  	[tilespmem:s0], [sflag:$0x1] =	stream.indirect_vreg.gather [hbm4b:s30+s2], $0x80, v2, vm0, $0xb8;
	[tilespmem:$0x10080] =	vst v63  }
0x1f9: {  	s0 =	sld [smem:$0x7DD];
	_ =	sdelay $0x2  }
0x1fa: {  	[tilespmem:s15], [sflag:$0x1] =	stream.indirect_vreg.gather [hbm4b:s0+s2], $0x80, v2, vm0, $0xb8;
	[tilespmem:$0x10080] =	vst v63  }
0x1fb: {  	s0 =	sld [smem:$0x7DE];
	_ =	sdelay $0x2  }
0x1fc: {  	[tilespmem:s29], [sflag:$0x1] =	stream.indirect_vreg.gather [hbm4b:s0+s2], $0x80, v2, vm0, $0xb8;
	[tilespmem:$0x10080] =	vst v63  }
0x1fd: {  	_ =	swait.ge [sflag:s11], $0x8000  }
0x1fe: {  	[sflag:s11] =	ssyncset.done $0x0  }
0x1ff: {  	s0 =	rddreg [dreg:$0xd];
	[sflag:s11] =	ssyncadd.s32 $0xFFFF8000  }
0x200: {  	[hbm4b:s0+s2] =	stream.linear.scatter [tilespmem:s1], [sflag:$0x3], $0x8000, $0x38;
	[tilespmem:$0x10080] =	vst v63  }
0x201: {  	_ =	swait.ge [sflag:s5], $0x8000  }
0x202: {  	[sflag:s5] =	ssyncset.done $0x0  }
0x203: {  	[sflag:s5] =	ssyncadd.s32 $0xFFFF8000  }
0x204: {  	v2 =	vld.msk [tilespmem:$0x8], $0xff;
	_ =	sdelay $0x4  }
0x205: {  	v3 =	vshrl.u32 v2, $0x3  }
0x206: {  	v3 =	vmul.u32 $0x600, v3  }
0x207: {  	v2 =	vand.u32 $0x7, v2  }
0x208: {  	v2 =	vor.u32 v2, v3  }
0x209: {  	v2 =	vperm.xlane v2, v0;
	_ =	sdelay $0x1  }
0x20a: {  	v2 =	vadd.s32 v1, v2;
	_ =	sdelay $0x3  }
0x20b: {  	s4 =	simm.s32 $0x80  }
0x20c: {  	[tilespmem:s4], [sflag:$0x1] =	stream.indirect_vreg.gather [hbm4b:s22+s2], $0x80, v2, vm0, $0xb8;
	[tilespmem:$0x10080] =	vst v63  }
0x20d: {  	s4 =	sld [smem:$0x7DF];
	_ =	sdelay $0x1  }
0x20e: {  	s31 =	simm.s32 $0x880;
	s0 =	sld [smem:$0x7E0]  }
0x20f: {  	[tilespmem:s31], [sflag:$0x1] =	stream.indirect_vreg.gather [hbm4b:s4+s2], $0x80, v2, vm0, $0xb8;
	[tilespmem:$0x10080] =	vst v63  }
0x210: {  	s16 =	simm.s32 $0x1080;
	s4 =	sld [smem:$0x7E1]  }
0x211: {  	[tilespmem:s16], [sflag:$0x1] =	stream.indirect_vreg.gather [hbm4b:s0+s2], $0x80, v2, vm0, $0xb8;
	[tilespmem:$0x10080] =	vst v63  }
0x212: {  	s10 =	simm.s32 $0x1880;
	s30 =	sld [smem:$0x7E2]  }
0x213: {  	[tilespmem:s10], [sflag:$0x1] =	stream.indirect_vreg.gather [hbm4b:s4+s2], $0x80, v2, vm0, $0xb8;
	[tilespmem:$0x10080] =	vst v63  }
0x214: {  	s9 =	simm.s32 $0x2080;
	s31 =	sld [smem:$0x7E3]  }
0x215: {  	[tilespmem:s9], [sflag:$0x1] =	stream.indirect_vreg.gather [hbm4b:s30+s2], $0x80, v2, vm0, $0xb8;
	[tilespmem:$0x10080] =	vst v63  }
0x216: {  	s8 =	simm.s32 $0x2880;
	s0 =	sld [smem:$0x7E4]  }
0x217: {  	[tilespmem:s8], [sflag:$0x1] =	stream.indirect_vreg.gather [hbm4b:s31+s2], $0x80, v2, vm0, $0xb8;
	[tilespmem:$0x10080] =	vst v63  }
0x218: {  	s4 =	simm.s32 $0x3080;
	s9 =	sld [smem:$0x7E5]  }
0x219: {  	[tilespmem:s4], [sflag:$0x1] =	stream.indirect_vreg.gather [hbm4b:s0+s2], $0x80, v2, vm0, $0xb8;
	[tilespmem:$0x10080] =	vst v63  }
0x21a: {  	s16 =	sld [smem:$0x7E6];
	s10 =	simm.s32 $0x3880  }
0x21b: {  	[tilespmem:s10], [sflag:$0x1] =	stream.indirect_vreg.gather [hbm4b:s9+s2], $0x80, v2, vm0, $0xb8;
	[tilespmem:$0x10080] =	vst v63  }
0x21c: {  	s17 =	simm.s32 $0x4080  }
0x21d: {  	[tilespmem:s17], [sflag:$0x1] =	stream.indirect_vreg.gather [hbm4b:s16+s2], $0x80, v2, vm0, $0xb8;
	[tilespmem:$0x10080] =	vst v63  }
0x21e: {  	s17 =	sld [smem:$0x7E7];
	_ =	sdelay $0x1  }
0x21f: {  	s18 =	simm.s32 $0x4880  }
0x220: {  	[tilespmem:s18], [sflag:$0x1] =	stream.indirect_vreg.gather [hbm4b:s17+s2], $0x80, v2, vm0, $0xb8;
	[tilespmem:$0x10080] =	vst v63  }
0x221: {  	s18 =	sld [smem:$0x7E8];
	_ =	sdelay $0x1  }
0x222: {  	s24 =	simm.s32 $0x5080;
	s30 =	sld [smem:$0x7E9]  }
0x223: {  	[tilespmem:s24], [sflag:$0x1] =	stream.indirect_vreg.gather [hbm4b:s18+s2], $0x80, v2, vm0, $0xb8;
	[tilespmem:$0x10080] =	vst v63  }
0x224: {  	s31 =	simm.s32 $0x5880;
	s8 =	sld [smem:$0x7EA]  }
0x225: {  	[tilespmem:s31], [sflag:$0x1] =	stream.indirect_vreg.gather [hbm4b:s30+s2], $0x80, v2, vm0, $0xb8;
	[tilespmem:$0x10080] =	vst v63  }
0x226: {  	s3 =	simm.s32 $0x6080;
	s9 =	sld [smem:$0x7EB]  }
0x227: {  	[tilespmem:s3], [sflag:$0x1] =	stream.indirect_vreg.gather [hbm4b:s8+s2], $0x80, v2, vm0, $0xb8;
	[tilespmem:$0x10080] =	vst v63  }
0x228: {  	s7 =	simm.s32 $0x6880;
	s10 =	sld [smem:$0x7EC]  }
0x229: {  	[tilespmem:s7], [sflag:$0x1] =	stream.indirect_vreg.gather [hbm4b:s9+s2], $0x80, v2, vm0, $0xb8;
	[tilespmem:$0x10080] =	vst v63  }
0x22a: {  	s12 =	simm.s32 $0x7080  }
0x22b: {  	[tilespmem:s12], [sflag:$0x1] =	stream.indirect_vreg.gather [hbm4b:s10+s2], $0x80, v2, vm0, $0xb8;
	[tilespmem:$0x10080] =	vst v63  }
0x22c: {  	s12 =	sld [smem:$0x7ED];
	_ =	sdelay $0x1  }
0x22d: {  	s13 =	simm.s32 $0x7880  }
0x22e: {  	[tilespmem:s13], [sflag:$0x1] =	stream.indirect_vreg.gather [hbm4b:s12+s2], $0x80, v2, vm0, $0xb8;
	[tilespmem:$0x10080] =	vst v63  }
0x22f: {  	_ =	swait.ge [sflag:s11], $0x8000  }
0x230: {  	[sflag:s11] =	ssyncset.done $0x0  }
0x231: {  	s1 =	simm.s32 $0x80;
	s16 =	rddreg [dreg:$0xe];
	[sflag:s11] =	ssyncadd.s32 $0xFFFF8000  }
0x232: {  	[hbm4b:s16+s2] =	stream.linear.scatter [tilespmem:s1], [sflag:$0x2], $0x8000, $0x38;
	[tilespmem:$0x10080] =	vst v63  }
0x233: {  	_ =	swait.ge [sflag:s6], $0x8000  }
0x234: {  	[sflag:s6] =	ssyncset.done $0x0  }
0x235: {  	[sflag:s6] =	ssyncadd.s32 $0xFFFF8000  }
0x236: {  	v2 =	vld.msk [tilespmem:$0x8], $0xff;
	_ =	sdelay $0x4  }
0x237: {  	v3 =	vshrl.u32 v2, $0x3  }
0x238: {  	v3 =	vmul.u32 $0x600, v3  }
0x239: {  	v2 =	vand.u32 $0x7, v2  }
0x23a: {  	v2 =	vor.u32 v2, v3  }
0x23b: {  	v2 =	vperm.xlane v2, v0;
	_ =	sdelay $0x1  }
0x23c: {  	v2 =	vadd.s32 v1, v2;
	_ =	sdelay $0x3  }
0x23d: {  	s1 =	simm.s32 $0x8080;
	s17 =	sld [smem:$0x7EE]  }
0x23e: {  	[tilespmem:s1], [sflag:$0x1] =	stream.indirect_vreg.gather [hbm4b:s23+s2], $0x80, v2, vm0, $0xb8;
	[tilespmem:$0x10080] =	vst v63  }
0x23f: {  	s14 =	simm.s32 $0x8880;
	s18 =	sld [smem:$0x7EF]  }
0x240: {  	[tilespmem:s14], [sflag:$0x1] =	stream.indirect_vreg.gather [hbm4b:s17+s2], $0x80, v2, vm0, $0xb8;
	[tilespmem:$0x10080] =	vst v63  }
0x241: {  	s25 =	simm.s32 $0x9080;
	s24 =	sld [smem:$0x7F0]  }
0x242: {  	[tilespmem:s25], [sflag:$0x1] =	stream.indirect_vreg.gather [hbm4b:s18+s2], $0x80, v2, vm0, $0xb8;
	[tilespmem:$0x10080] =	vst v63  }
0x243: {  	s26 =	simm.s32 $0x9880;
	s25 =	sld [smem:$0x7F1]  }
0x244: {  	[tilespmem:s26], [sflag:$0x1] =	stream.indirect_vreg.gather [hbm4b:s24+s2], $0x80, v2, vm0, $0xb8;
	[tilespmem:$0x10080] =	vst v63  }
0x245: {  	s28 =	simm.s32 $0xA080;
	s26 =	sld [smem:$0x7F2]  }
0x246: {  	[tilespmem:s28], [sflag:$0x1] =	stream.indirect_vreg.gather [hbm4b:s25+s2], $0x80, v2, vm0, $0xb8;
	[tilespmem:$0x10080] =	vst v63  }
0x247: {  	s30 =	sld [smem:$0x7F3];
	s28 =	simm.s32 $0xA880  }
0x248: {  	[tilespmem:s28], [sflag:$0x1] =	stream.indirect_vreg.gather [hbm4b:s26+s2], $0x80, v2, vm0, $0xb8;
	[tilespmem:$0x10080] =	vst v63  }
0x249: {  	s31 =	simm.s32 $0xB080;
	s3 =	sld [smem:$0x7F4]  }
0x24a: {  	[tilespmem:s31], [sflag:$0x1] =	stream.indirect_vreg.gather [hbm4b:s30+s2], $0x80, v2, vm0, $0xb8;
	[tilespmem:$0x10080] =	vst v63  }
0x24b: {  	s4 =	simm.s32 $0xB880;
	s7 =	sld [smem:$0x7F5]  }
0x24c: {  	[tilespmem:s4], [sflag:$0x1] =	stream.indirect_vreg.gather [hbm4b:s3+s2], $0x80, v2, vm0, $0xb8;
	[tilespmem:$0x10080] =	vst v63  }
0x24d: {  	s8 =	simm.s32 $0xC080;
	s9 =	sld [smem:$0x7F6]  }
0x24e: {  	[tilespmem:s8], [sflag:$0x1] =	stream.indirect_vreg.gather [hbm4b:s7+s2], $0x80, v2, vm0, $0xb8;
	[tilespmem:$0x10080] =	vst v63  }
0x24f: {  	s10 =	simm.s32 $0xC880;
	s12 =	sld [smem:$0x7F7]  }
0x250: {  	[tilespmem:s10], [sflag:$0x1] =	stream.indirect_vreg.gather [hbm4b:s9+s2], $0x80, v2, vm0, $0xb8;
	[tilespmem:$0x10080] =	vst v63  }
0x251: {  	s13 =	simm.s32 $0xD080;
	s14 =	sld [smem:$0x7F8]  }
0x252: {  	[tilespmem:s13], [sflag:$0x1] =	stream.indirect_vreg.gather [hbm4b:s12+s2], $0x80, v2, vm0, $0xb8;
	[tilespmem:$0x10080] =	vst v63  }
0x253: {  	s16 =	simm.s32 $0xD880;
	s17 =	sld [smem:$0x7F9]  }
0x254: {  	[tilespmem:s16], [sflag:$0x1] =	stream.indirect_vreg.gather [hbm4b:s14+s2], $0x80, v2, vm0, $0xb8;
	[tilespmem:$0x10080] =	vst v63  }
0x255: {  	s18 =	simm.s32 $0xE080;
	s24 =	sld [smem:$0x7FA]  }
0x256: {  	[tilespmem:s18], [sflag:$0x1] =	stream.indirect_vreg.gather [hbm4b:s17+s2], $0x80, v2, vm0, $0xb8;
	[tilespmem:$0x10080] =	vst v63  }
0x257: {  	s25 =	simm.s32 $0xE880;
	s26 =	sld [smem:$0x7FB]  }
0x258: {  	[tilespmem:s25], [sflag:$0x1] =	stream.indirect_vreg.gather [hbm4b:s24+s2], $0x80, v2, vm0, $0xb8;
	[tilespmem:$0x10080] =	vst v63  }
0x259: {  	s15 =	simm.s32 $0xF080;
	s28 =	sld [smem:$0x7FC]  }
0x25a: {  	[tilespmem:s15], [sflag:$0x1] =	stream.indirect_vreg.gather [hbm4b:s26+s2], $0x80, v2, vm0, $0xb8;
	[tilespmem:$0x10080] =	vst v63  }
0x25b: {  	s29 =	simm.s32 $0xF880  }
0x25c: {  	[tilespmem:s29], [sflag:$0x1] =	stream.indirect_vreg.gather [hbm4b:s28+s2], $0x80, v2, vm0, $0xb8;
	[tilespmem:$0x10080] =	vst v63  }
0x25d: {  	_ =	swait.ge [sflag:s11], $0x8000  }
0x25e: {  	[sflag:s11] =	ssyncset.done $0x0;
	s31 =	sld [smem:$0x7FD]  }
0x25f: {  	s30 =	rddreg [dreg:$0xf];
	[sflag:s11] =	ssyncadd.s32 $0xFFFF8000  }
0x260: {  	[hbm4b:s30+s2] =	stream.linear.scatter [tilespmem:s1], [sflag:$0x3], $0x8000, $0x38;
	[tilespmem:$0x10080] =	vst v63  }
0x261: {  	_ =	swait.ge [sflag:s5], $0x8000;
	p0 =	sne.s32 s31, $0x1  }
.Ltmp0:
0x262: {  	[sflag:s5] =	ssyncset.done $0x0;
	(pc) =	sbr.rel @p0 .LBB2_1-.Ltmp0, $4  }
0x263: {  	[sflag:s5] =	ssyncadd.s32 $0xFFFF8000  }
0x264: {  	_ =	swait.ge [sflag:s6], $0x8000  }
0x265: {  	[sflag:s6] =	ssyncset.done $0x0  }
0x266: {  	s0 =	sadd.s32 $0xFFFFFFFF, s31;
	[sflag:s6] =	ssyncadd.s32 $0xFFFF8000  }
0x267: {  	_ =	sfence.sel $0x180000  }
0x268: {  	[bflag:$0x0] =	sbarrier.arrive $0xFFFF  }
0x269: {  	_ =	strace $0x90000047  }
0x26a: {  	s0 =	stileid.u32;
	[bflag:$0x2] =	sbarrier.arrive $0xFFFF  }
0x26b: {  	p0 =	sne.s32 s0, $0x0;
	s0 =	rddreg [dreg:$0x2]  }
0x26c: {  	s0 =	sadd.s32 @!p0 $0x100000, s0  }
0x26d: {  	[sflag:s0] =	ssyncadd.tile.s32 @!p0 $0x1;
	_ =	shalt  }
.Lfunc_end2:
_tile_overlayer_lowered:
.L_overlay_start_2:
0x26e: {  	(tag) =	ssettag $0x2  }
0x26f: {  	s0 =	rddreg [dreg:$0x0];
	s2 =	stileid.u32  }
0x270: {  	s1 =	rddreg [dreg:$0x1];
	p0 =	sne.s32 s2, $0x0  }
0x271: {  	s3 =	rddreg [dreg:$0x2];
	[bflag:$0x3] =	sbarrier.arrive $0xFFFF;
	s2 =	simm.s32 @!p0 $0x1C04  }
0x272: {  	[timem:s3], [sflag:s2] =	dma.local @!p0 [hbm:s0], s1  }
0x273: {  	s0 =	simm.s32 @!p0 $0x4  }
0x274: {  	_ =	swait.ge @!p0 [sflag:s0], s1  }
0x275: {  	s1 =	ssub.s32 @!p0 $0x0, s1;
	[sflag:s0] =	ssyncset.done @!p0 $0x0  }
0x276: {  	[sflag:s0] =	ssyncadd.s32 @!p0 s1  }
0x277: {  	[bflag:$0x3] =	sbarrier.arrive $0xFFFF  }
0x278: {  	_ =	shalt  }

</sc_bundles>
